<compile_context>
chip_gen: v7x
topology: tpu7x:2x2x1
jax: 0.10.2.dev20260603
libtpu: 0.0.44.dev20260713+nightly
codegen_flags: <defaults>
</compile_context>

<pallas_src>
import functools

import jax
import jax.numpy as jnp
from jax import lax
from jax.experimental import pallas as pl
from jax.experimental.pallas import tpu as pltpu
from jax.experimental.pallas import tpu_sc as plsc

_E = 8
_K = 2
_T = 2048
_D = 768
_F = 2048
_TILE = 256
_P = _T * _K
_MT = _P // _TILE + _E
_S = _MT * _TILE

_NC = 2
_NS = 16
_NW = _NC * _NS
_PPW = _P // _NW
_PCH = _PPW // 2
_TPW = _T // _NW


def _worker_id():
    return lax.axis_index("s") * _NC + lax.axis_index("c")


@functools.lru_cache(maxsize=None)
def _sc_kernels():
    mesh = plsc.VectorSubcoreMesh(
        core_axis_name="c", subcore_axis_name="s",
        num_cores=_NC, num_subcores=_NS)

    @functools.partial(
        pl.kernel,
        out_type=jax.ShapeDtypeStruct((_S, _D), jnp.float32),
        mesh=mesh,
        scratch_types=[
            pltpu.VMEM((_TPW,), jnp.int32),
            pltpu.VMEM((_TPW,), jnp.int32),
            pltpu.VMEM((_TPW, _D), jnp.float32),
            pltpu.SemaphoreType.DMA,
            pltpu.SemaphoreType.DMA,
        ],
    )
    def sc_dispatch(x_hbm, inv_hbm, xs_hbm,
                    sidx_a, sidx_b, buf, sem0, sem1):
        wid = _worker_id()
        base = wid * _TPW
        pltpu.sync_copy(inv_hbm.at[0, wid], sidx_a)
        pltpu.sync_copy(inv_hbm.at[1, wid], sidx_b)
        pltpu.sync_copy(x_hbm.at[pl.ds(base, _TPW)], buf)
        st_a = pltpu.async_copy(buf, xs_hbm.at[sidx_a], sem0)
        st_b = pltpu.async_copy(buf, xs_hbm.at[sidx_b], sem1)
        st_a.wait()
        st_b.wait()

    @functools.partial(
        pl.kernel,
        out_type=jax.ShapeDtypeStruct((_T, _D), jnp.float32),
        mesh=mesh,
        scratch_types=[
            pltpu.VMEM((_TPW,), jnp.int32),
            pltpu.VMEM((_TPW,), jnp.int32),
            pltpu.VMEM((_TPW, 16), jnp.float32),
            pltpu.VMEM((_TPW, 16), jnp.float32),
            pltpu.VMEM((_TPW, _D), jnp.float32),
            pltpu.VMEM((_TPW, _D), jnp.float32),
            pltpu.SemaphoreType.DMA,
            pltpu.SemaphoreType.DMA,
        ],
    )
    def sc_combine(y_hbm, inv_hbm, g_hbm, out_hbm,
                   idx0, idx1, g0, g1, buf0, buf1, sem0, sem1):
        wid = _worker_id()
        base = wid * _TPW
        pltpu.sync_copy(inv_hbm.at[0, wid], idx0)
        pltpu.sync_copy(inv_hbm.at[1, wid], idx1)
        pltpu.sync_copy(g_hbm.at[0, wid], g0)
        pltpu.sync_copy(g_hbm.at[1, wid], g1)
        cp0 = pltpu.async_copy(y_hbm.at[idx0], buf0, sem0)
        cp1 = pltpu.async_copy(y_hbm.at[idx1], buf1, sem1)
        cp0.wait()
        cp1.wait()

        def row_fn(r, carry):
            g0v = g0[r, :]
            g1v = g1[r, :]
            for c in range(_D // 16):
                sl = pl.ds(c * 16, 16)
                buf0[r, sl] = g0v * buf0[r, sl] + g1v * buf1[r, sl]
            return carry

        lax.fori_loop(0, _TPW, row_fn, 0)
        pltpu.sync_copy(buf0, out_hbm.at[pl.ds(base, _TPW)])

    return sc_dispatch, sc_combine



def _ffn_body(te_ref, par_ref, fi_ref, pf_ref,
              xs_ref, b1_ref, b2_ref, w1_any, w2_any, y_ref,
              wbuf1, wbuf2, semw):
    i = pl.program_id(0)
    s = par_ref[i]

    @pl.when(i == 0)
    def _prolog():
        te = te_ref[0]
        pltpu.make_async_copy(w1_any.at[te], wbuf1.at[0], semw).start()
        pltpu.make_async_copy(w2_any.at[te], wbuf2.at[0], semw).start()

    @pl.when(fi_ref[i] == 1)
    def _group_start():
        te = te_ref[i]
        pltpu.make_async_copy(w1_any.at[te], wbuf1.at[s], semw).wait()
        pltpu.make_async_copy(w2_any.at[te], wbuf2.at[s], semw).wait()

        @pl.when(pf_ref[i] >= 0)
        def _prefetch_next():
            nslot = 1 - s
            pe = pf_ref[i]
            pltpu.make_async_copy(w1_any.at[pe], wbuf1.at[nslot], semw).start()
            pltpu.make_async_copy(w2_any.at[pe], wbuf2.at[nslot], semw).start()

    xg = xs_ref[...]
    h = jnp.dot(xg, wbuf1[s], preferred_element_type=jnp.float32)
    h = jax.nn.gelu(h + b1_ref[0])
    y = jnp.dot(h, wbuf2[s], preferred_element_type=jnp.float32)
    y_ref[...] = y + b2_ref[0]


def _ffn_grid_spec():
    return pltpu.PrefetchScalarGridSpec(
        num_scalar_prefetch=4,
        grid=(_MT,),
        in_specs=[
            pl.BlockSpec((_TILE, _D), lambda i, te, par, fi, pf: (i, 0)),
            pl.BlockSpec((1, 1, _F), lambda i, te, par, fi, pf: (te[i], 0, 0)),
            pl.BlockSpec((1, 1, _D), lambda i, te, par, fi, pf: (te[i], 0, 0)),
            pl.BlockSpec(memory_space=pl.ANY),
            pl.BlockSpec(memory_space=pl.ANY),
        ],
        out_specs=pl.BlockSpec((_TILE, _D), lambda i, te, par, fi, pf: (i, 0)),
        scratch_shapes=[
            pltpu.VMEM((2, _D, _F), jnp.float32),
            pltpu.VMEM((2, _F, _D), jnp.float32),
            pltpu.SemaphoreType.DMA,
        ],
    )


def _ffn(tile_e, parity, first, pf, xs, w1, b1, w2, b2):
    return pl.pallas_call(
        _ffn_body,
        grid_spec=_ffn_grid_spec(),
        out_shape=jax.ShapeDtypeStruct((_S, _D), jnp.float32),
        compiler_params=pltpu.CompilerParams(
            dimension_semantics=("arbitrary",),
        ),
    )(tile_e, parity, first, pf,
      xs, b1[:, None, :], b2[:, None, :], w1, w2)



def _route(x, router_w):
    logits = x @ router_w
    ar = jnp.arange(_E, dtype=jnp.int32)
    i0 = jnp.argmax(logits, axis=-1).astype(jnp.int32)
    v0 = jnp.max(logits, axis=-1)
    masked = jnp.where(ar[None, :] == i0[:, None], -jnp.inf, logits)
    i1 = jnp.argmax(masked, axis=-1).astype(jnp.int32)
    v1 = jnp.max(masked, axis=-1)
    topi = jnp.stack([i0, i1], axis=-1)
    topv = jnp.stack([v0, v1], axis=-1)
    gates = jax.nn.softmax(topv, axis=-1)
    eflat = topi.reshape(-1).astype(jnp.int32)

    onehot = (eflat[:, None] == ar[None, :]).astype(jnp.float32)
    _B = 128
    _NB = _P // _B
    oh = onehot.reshape(_NB, _B, _E)
    tril_b = (jnp.arange(_B)[:, None] >= jnp.arange(_B)[None, :]).astype(jnp.float32)
    intra = jnp.einsum('rc,bce->bre', tril_b, oh,
                       precision=lax.Precision.DEFAULT)
    btot = jnp.sum(oh, axis=1)
    tril_nb = (jnp.arange(_NB)[:, None] > jnp.arange(_NB)[None, :]).astype(jnp.float32)
    bpre = jnp.dot(tril_nb, btot, precision=lax.Precision.DEFAULT)
    csum = (intra + bpre[:, None, :]).reshape(_P, _E)
    counts = (btot.sum(axis=0)).astype(jnp.int32)
    rank = jnp.sum(csum * onehot, axis=1).astype(jnp.int32) - 1
    tiles_e = (counts + _TILE - 1) // _TILE
    ar1 = jnp.arange(_E + 1, dtype=jnp.int32)
    tile_start = jnp.sum(
        jnp.where(ar1[:, None] > ar[None, :], tiles_e[None, :], 0),
        axis=1).astype(jnp.int32)
    pad_off = tile_start * _TILE
    pad_of_pair = jnp.sum(onehot * pad_off[:_E].astype(jnp.float32)[None, :],
                          axis=1).astype(jnp.int32)
    slot = pad_of_pair + rank

    tile_e = jnp.minimum(
        jnp.sum(jnp.arange(_MT, dtype=jnp.int32)[:, None] >= tile_start[None, 1:],
                axis=1),
        _E - 1).astype(jnp.int32)

    first = jnp.concatenate(
        [jnp.ones(1, jnp.int32),
         (tile_e[1:] != tile_e[:-1]).astype(jnp.int32)])
    arm = jnp.arange(_MT, dtype=jnp.int32)
    gid = jnp.sum(jnp.where(arm[:, None] >= arm[None, :],
                            first[None, :], 0), axis=1) - 1
    parity = (gid % 2).astype(jnp.int32)
    pos = jnp.where(first == 1, arm, _MT)
    ns = jnp.min(jnp.where(arm[None, :] > arm[:, None],
                           pos[None, :], _MT), axis=1)
    te_at_ns = jnp.sum(
        jnp.where(ns[:, None] == arm[None, :], tile_e[None, :], 0),
        axis=1)
    pf = jnp.where((first == 1) & (ns < _MT),
                   te_at_ns, -1).astype(jnp.int32)

    sched = (tile_e, parity, first, pf)
    inv = slot.reshape(_T, _K)
    inv_arr = jnp.stack([inv[:, 0].reshape(_NW, _TPW),
                         inv[:, 1].reshape(_NW, _TPW)])
    g_arr = jnp.broadcast_to(
        jnp.stack([gates[:, 0].reshape(_NW, _TPW),
                   gates[:, 1].reshape(_NW, _TPW)])[..., None],
        (2, _NW, _TPW, 16)).astype(jnp.float32)
    return sched, inv_arr, g_arr




def kernel(x, router_w, w1, b1, w2, b2):
    sched, inv_arr, g_arr = _route(x, router_w)
    sc_dispatch, sc_combine = _sc_kernels()
    xs = sc_dispatch(x, inv_arr)
    y_sorted = _ffn(*sched, xs, w1, b1, w2, b2)
    return sc_combine(y_sorted, inv_arr, g_arr)

# --- scband reference (transcript-rebuilt; emitter-appended) ---
"""Pipeline reference for scband-wavefront-engine-35433480192846 (READ-ONLY COPY).

The authoritative reference and input builder live on the scoring server;
editing this copy changes nothing except your own understanding.
"""

import jax, jax.numpy as jnp
import numpy as np

E = 8
TOPK = 2
D = 768
F = 2048
T = 2048


def setup_inputs(seed: int = 0) -> dict:
    key = jax.random.key(seed)
    ks = jax.random.split(key, 5)
    x = jax.random.normal(ks[0], (T, D), dtype=jnp.float32)
    router_w = jax.random.normal(ks[1], (D, E), dtype=jnp.float32) * 0.02
    w1 = jax.random.normal(ks[2], (E, D, F), dtype=jnp.float32) * 0.02
    b1 = jnp.zeros((E, F), dtype=jnp.float32)
    w2 = jax.random.normal(ks[3], (E, F, D), dtype=jnp.float32) * 0.02
    b2 = jnp.zeros((E, D), dtype=jnp.float32)
    return {"x": x, "router_w": router_w, "w1": w1, "b1": b1, "w2": w2, "b2": b2}


def reference(x, router_w, w1, b1, w2, b2):
    # Wavefront-style MoE: router picks top-k expert cells per token,
    # tokens are dispatched (gather), processed by per-expert FFNs
    # (vmapped expert stack in the original), and combined (scatter-add).
    logits = x @ router_w                     # [T, E]
    topv, topi = jax.lax.top_k(logits, TOPK)  # [T, k]
    gates = jax.nn.softmax(topv, axis=-1)     # [T, k]
    out = jnp.zeros_like(x)
    for e in range(E):
        mask = (topi == e)                    # [T, k]
        g = jnp.sum(jnp.where(mask, gates, 0.0), axis=-1)[:, None]  # [T, 1]
        he = jax.nn.gelu(x @ w1[e] + b1[e])
        ye = he @ w2[e] + b2[e]
        out = out + g * ye
    return out

if __name__ == "__main__":
    import jax
    _d = setup_inputs()
    print(jax.jit(kernel)(*tuple(_d.values())))

</pallas_src>

<mosaic_0001>
#map = affine_map<(d0, d1) -> (0, 0)>
#map1 = affine_map<(d0, d1) -> (0, 0, 0)>
module attributes {stable_mosaic.version = 14 : i64} {
  func.func @sc_dispatch(%arg0: i32, %arg1: i32, %arg2: memref<2048x768xf32, #tpu.memory_space<hbm>>, %arg3: memref<2x32x64xi32, #tpu.memory_space<hbm>>, %arg4: memref<6144x768xf32, #tpu.memory_space<hbm>>, %arg5: memref<64xi32, #tpu.memory_space<vmem>>, %arg6: memref<64xi32, #tpu.memory_space<vmem>>, %arg7: memref<64x768xf32, #tpu.memory_space<vmem>>, %arg8: memref<!tpu.dma_semaphore, #tpu.memory_space<semaphore_mem>>, %arg9: memref<!tpu.dma_semaphore, #tpu.memory_space<semaphore_mem>>) attributes {dimension_semantics = [#tpu.dimension_semantics<core_parallel>, #tpu.dimension_semantics<subcore_parallel>], iteration_bounds = array<i64: 2, 16>, scalar_prefetch = 0 : i64, scratch_operands = 5 : i64, tpu.core_type = #tpu.core_type<sc_vector_subcore>, window_params = [{transform_indices = #map}, {transform_indices = #map1}, {transform_indices = #map}]} {
    %mul3A = arith.constant 2 : i32
    %mul3A_0 = arith.muli %arg1, %mul3A : i32
    %add3A = arith.addi %mul3A_0, %arg0 : i32
    %mul3A_1 = arith.constant 64 : i32
    %mul3A_2 = arith.muli %add3A, %mul3A_1 : i32
    %run_scoped3A = arith.constant 0 : i32
    "tpu.region"() ({
      %run_scoped3A_14 = tpu.sem_alloc : memref<!tpu.dma_semaphore, #tpu.memory_space<semaphore_mem>>
      %dma_start3A_15 = arith.constant 0 : i32
      %dma_start3A_16 = tpu.memref_slice %arg3[%run_scoped3A, %add3A, %dma_start3A_15] : memref<2x32x64xi32, #tpu.memory_space<hbm>> -> memref<1x1x64xi32, #tpu.memory_space<hbm>>
      %dma_start3A_17 = tpu.memref_squeeze %dma_start3A_16 : memref<1x1x64xi32, #tpu.memory_space<hbm>> -> memref<64xi32, #tpu.memory_space<hbm>>
      %dma_start3A_18 = arith.constant 0 : i32
      %dma_start3A_19 = tpu.memref_slice %arg3[%run_scoped3A, %add3A, %dma_start3A_18] : memref<2x32x64xi32, #tpu.memory_space<hbm>> -> memref<1x1x64xi32, #tpu.memory_space<hbm>>
      %dma_start3A_20 = tpu.memref_squeeze %dma_start3A_19 : memref<1x1x64xi32, #tpu.memory_space<hbm>> -> memref<64xi32, #tpu.memory_space<hbm>>
      tpu.enqueue_dma source(%dma_start3A_20 : memref<64xi32, #tpu.memory_space<hbm>>) target(%arg5 : memref<64xi32, #tpu.memory_space<vmem>>) target_semaphore(%run_scoped3A_14 : memref<!tpu.dma_semaphore, #tpu.memory_space<semaphore_mem>>)
      %dma_wait3A_21 = arith.constant 0 : i32
      %dma_wait3A_22 = tpu.memref_slice %arg3[%run_scoped3A, %add3A, %dma_wait3A_21] : memref<2x32x64xi32, #tpu.memory_space<hbm>> -> memref<1x1x64xi32, #tpu.memory_space<hbm>>
      %dma_wait3A_23 = tpu.memref_squeeze %dma_wait3A_22 : memref<1x1x64xi32, #tpu.memory_space<hbm>> -> memref<64xi32, #tpu.memory_space<hbm>>
      %dma_wait3A_24 = arith.constant 0 : i32
      %dma_wait3A_25 = tpu.memref_slice %arg3[%run_scoped3A, %add3A, %dma_wait3A_24] : memref<2x32x64xi32, #tpu.memory_space<hbm>> -> memref<1x1x64xi32, #tpu.memory_space<hbm>>
      %dma_wait3A_26 = tpu.memref_squeeze %dma_wait3A_25 : memref<1x1x64xi32, #tpu.memory_space<hbm>> -> memref<64xi32, #tpu.memory_space<hbm>>
      tpu.wait_dma2 semaphore(%run_scoped3A_14 : memref<!tpu.dma_semaphore, #tpu.memory_space<semaphore_mem>>) src(%dma_wait3A_26 : memref<64xi32, #tpu.memory_space<hbm>>) dst(%arg5 : memref<64xi32, #tpu.memory_space<vmem>>)
      tpu.yield
    }) : () -> ()
    %run_scoped3A_3 = arith.constant 1 : i32
    "tpu.region"() ({
      %run_scoped3A_14 = tpu.sem_alloc : memref<!tpu.dma_semaphore, #tpu.memory_space<semaphore_mem>>
      %dma_start3A_15 = arith.constant 0 : i32
      %dma_start3A_16 = tpu.memref_slice %arg3[%run_scoped3A_3, %add3A, %dma_start3A_15] : memref<2x32x64xi32, #tpu.memory_space<hbm>> -> memref<1x1x64xi32, #tpu.memory_space<hbm>>
      %dma_start3A_17 = tpu.memref_squeeze %dma_start3A_16 : memref<1x1x64xi32, #tpu.memory_space<hbm>> -> memref<64xi32, #tpu.memory_space<hbm>>
      %dma_start3A_18 = arith.constant 0 : i32
      %dma_start3A_19 = tpu.memref_slice %arg3[%run_scoped3A_3, %add3A, %dma_start3A_18] : memref<2x32x64xi32, #tpu.memory_space<hbm>> -> memref<1x1x64xi32, #tpu.memory_space<hbm>>
      %dma_start3A_20 = tpu.memref_squeeze %dma_start3A_19 : memref<1x1x64xi32, #tpu.memory_space<hbm>> -> memref<64xi32, #tpu.memory_space<hbm>>
      tpu.enqueue_dma source(%dma_start3A_20 : memref<64xi32, #tpu.memory_space<hbm>>) target(%arg6 : memref<64xi32, #tpu.memory_space<vmem>>) target_semaphore(%run_scoped3A_14 : memref<!tpu.dma_semaphore, #tpu.memory_space<semaphore_mem>>)
      %dma_wait3A_21 = arith.constant 0 : i32
      %dma_wait3A_22 = tpu.memref_slice %arg3[%run_scoped3A_3, %add3A, %dma_wait3A_21] : memref<2x32x64xi32, #tpu.memory_space<hbm>> -> memref<1x1x64xi32, #tpu.memory_space<hbm>>
      %dma_wait3A_23 = tpu.memref_squeeze %dma_wait3A_22 : memref<1x1x64xi32, #tpu.memory_space<hbm>> -> memref<64xi32, #tpu.memory_space<hbm>>
      %dma_wait3A_24 = arith.constant 0 : i32
      %dma_wait3A_25 = tpu.memref_slice %arg3[%run_scoped3A_3, %add3A, %dma_wait3A_24] : memref<2x32x64xi32, #tpu.memory_space<hbm>> -> memref<1x1x64xi32, #tpu.memory_space<hbm>>
      %dma_wait3A_26 = tpu.memref_squeeze %dma_wait3A_25 : memref<1x1x64xi32, #tpu.memory_space<hbm>> -> memref<64xi32, #tpu.memory_space<hbm>>
      tpu.wait_dma2 semaphore(%run_scoped3A_14 : memref<!tpu.dma_semaphore, #tpu.memory_space<semaphore_mem>>) src(%dma_wait3A_26 : memref<64xi32, #tpu.memory_space<hbm>>) dst(%arg6 : memref<64xi32, #tpu.memory_space<vmem>>)
      tpu.yield
    }) : () -> ()
    "tpu.region"() ({
      %run_scoped3A_14 = tpu.sem_alloc : memref<!tpu.dma_semaphore, #tpu.memory_space<semaphore_mem>>
      %dma_start3A_15 = arith.constant 0 : i32
      %dma_start3A_16 = tpu.memref_slice %arg2[%mul3A_2, %dma_start3A_15] : memref<2048x768xf32, #tpu.memory_space<hbm>> -> memref<64x768xf32, #tpu.memory_space<hbm>>
      %dma_start3A_17 = arith.constant 0 : i32
      %dma_start3A_18 = tpu.memref_slice %arg2[%mul3A_2, %dma_start3A_17] : memref<2048x768xf32, #tpu.memory_space<hbm>> -> memref<64x768xf32, #tpu.memory_space<hbm>>
      tpu.enqueue_dma source(%dma_start3A_18 : memref<64x768xf32, #tpu.memory_space<hbm>>) target(%arg7 : memref<64x768xf32, #tpu.memory_space<vmem>>) target_semaphore(%run_scoped3A_14 : memref<!tpu.dma_semaphore, #tpu.memory_space<semaphore_mem>>)
      %dma_wait3A_19 = arith.constant 0 : i32
      %dma_wait3A_20 = tpu.memref_slice %arg2[%mul3A_2, %dma_wait3A_19] : memref<2048x768xf32, #tpu.memory_space<hbm>> -> memref<64x768xf32, #tpu.memory_space<hbm>>
      %dma_wait3A_21 = arith.constant 0 : i32
      %dma_wait3A_22 = tpu.memref_slice %arg2[%mul3A_2, %dma_wait3A_21] : memref<2048x768xf32, #tpu.memory_space<hbm>> -> memref<64x768xf32, #tpu.memory_space<hbm>>
      tpu.wait_dma2 semaphore(%run_scoped3A_14 : memref<!tpu.dma_semaphore, #tpu.memory_space<semaphore_mem>>) src(%dma_wait3A_22 : memref<64x768xf32, #tpu.memory_space<hbm>>) dst(%arg7 : memref<64x768xf32, #tpu.memory_space<vmem>>)
      tpu.yield
    }) : () -> ()
    %dma_start3A = arith.constant 0 : i32
    %dma_start3A_4 = arith.constant 0 : i32
    %dma_start3A_5 = tpu.memref_slice %arg4[%dma_start3A, %dma_start3A_4] : memref<6144x768xf32, #tpu.memory_space<hbm>> -> memref<6144x768xf32, #tpu.memory_space<hbm>>
    tpu.enqueue_indirect_dma source(%arg7 : memref<64x768xf32, #tpu.memory_space<vmem>>) target(%dma_start3A_5 : memref<6144x768xf32, #tpu.memory_space<hbm>>) offsets(%arg5 : memref<64xi32, #tpu.memory_space<vmem>>) semaphore(%arg8 : memref<!tpu.dma_semaphore, #tpu.memory_space<semaphore_mem>>)
    %dma_start3A_6 = arith.constant 0 : i32
    %dma_start3A_7 = arith.constant 0 : i32
    %dma_start3A_8 = tpu.memref_slice %arg4[%dma_start3A_6, %dma_start3A_7] : memref<6144x768xf32, #tpu.memory_space<hbm>> -> memref<6144x768xf32, #tpu.memory_space<hbm>>
    tpu.enqueue_indirect_dma source(%arg7 : memref<64x768xf32, #tpu.memory_space<vmem>>) target(%dma_start3A_8 : memref<6144x768xf32, #tpu.memory_space<hbm>>) offsets(%arg6 : memref<64xi32, #tpu.memory_space<vmem>>) semaphore(%arg9 : memref<!tpu.dma_semaphore, #tpu.memory_space<semaphore_mem>>)
    %dma_wait3A = arith.constant 0 : i32
    %dma_wait3A_9 = arith.constant 0 : i32
    %dma_wait3A_10 = tpu.memref_slice %arg4[%dma_wait3A, %dma_wait3A_9] : memref<6144x768xf32, #tpu.memory_space<hbm>> -> memref<6144x768xf32, #tpu.memory_space<hbm>>
    tpu.wait_indirect_dma semaphore(%arg8 : memref<!tpu.dma_semaphore, #tpu.memory_space<semaphore_mem>>) src(%arg7 : memref<64x768xf32, #tpu.memory_space<vmem>>) dst(%dma_wait3A_10 : memref<6144x768xf32, #tpu.memory_space<hbm>>)
    %dma_wait3A_11 = arith.constant 0 : i32
    %dma_wait3A_12 = arith.constant 0 : i32
    %dma_wait3A_13 = tpu.memref_slice %arg4[%dma_wait3A_11, %dma_wait3A_12] : memref<6144x768xf32, #tpu.memory_space<hbm>> -> memref<6144x768xf32, #tpu.memory_space<hbm>>
    tpu.wait_indirect_dma semaphore(%arg9 : memref<!tpu.dma_semaphore, #tpu.memory_space<semaphore_mem>>) src(%arg7 : memref<64x768xf32, #tpu.memory_space<vmem>>) dst(%dma_wait3A_13 : memref<6144x768xf32, #tpu.memory_space<hbm>>)
    return
  }
}

#map = affine_map<(d0, d1) -> (0, 0)>
#map1 = affine_map<(d0, d1) -> (0, 0, 0)>
#map2 = affine_map<(d0, d1) -> (0, 0, 0, 0)>
module attributes {stable_mosaic.version = 14 : i64} {
  func.func @sc_combine(%arg0: i32, %arg1: i32, %arg2: memref<6144x768xf32, #tpu.memory_space<hbm>>, %arg3: memref<2x32x64xi32, #tpu.memory_space<hbm>>, %arg4: memref<2x32x64x16xf32, #tpu.memory_space<hbm>>, %arg5: memref<2048x768xf32, #tpu.memory_space<hbm>>, %arg6: memref<64xi32, #tpu.memory_space<vmem>>, %arg7: memref<64xi32, #tpu.memory_space<vmem>>, %arg8: memref<64x16xf32, #tpu.memory_space<vmem>>, %arg9: memref<64x16xf32, #tpu.memory_space<vmem>>, %arg10: memref<64x768xf32, #tpu.memory_space<vmem>>, %arg11: memref<64x768xf32, #tpu.memory_space<vmem>>, %arg12: memref<!tpu.dma_semaphore, #tpu.memory_space<semaphore_mem>>, %arg13: memref<!tpu.dma_semaphore, #tpu.memory_space<semaphore_mem>>) attributes {dimension_semantics = [#tpu.dimension_semantics<core_parallel>, #tpu.dimension_semantics<subcore_parallel>], iteration_bounds = array<i64: 2, 16>, scalar_prefetch = 0 : i64, scratch_operands = 8 : i64, tpu.core_type = #tpu.core_type<sc_vector_subcore>, window_params = [{transform_indices = #map}, {transform_indices = #map1}, {transform_indices = #map2}, {transform_indices = #map}]} {
    %mul3A = arith.constant 2 : i32
    %mul3A_0 = arith.muli %arg1, %mul3A : i32
    %add3A = arith.addi %mul3A_0, %arg0 : i32
    %mul3A_1 = arith.constant 64 : i32
    %mul3A_2 = arith.muli %add3A, %mul3A_1 : i32
    %run_scoped3A = arith.constant 0 : i32
    "tpu.region"() ({
      %run_scoped3A_21 = tpu.sem_alloc : memref<!tpu.dma_semaphore, #tpu.memory_space<semaphore_mem>>
      %dma_start3A_22 = arith.constant 0 : i32
      %dma_start3A_23 = tpu.memref_slice %arg3[%run_scoped3A, %add3A, %dma_start3A_22] : memref<2x32x64xi32, #tpu.memory_space<hbm>> -> memref<1x1x64xi32, #tpu.memory_space<hbm>>
      %dma_start3A_24 = tpu.memref_squeeze %dma_start3A_23 : memref<1x1x64xi32, #tpu.memory_space<hbm>> -> memref<64xi32, #tpu.memory_space<hbm>>
      %dma_start3A_25 = arith.constant 0 : i32
      %dma_start3A_26 = tpu.memref_slice %arg3[%run_scoped3A, %add3A, %dma_start3A_25] : memref<2x32x64xi32, #tpu.memory_space<hbm>> -> memref<1x1x64xi32, #tpu.memory_space<hbm>>
      %dma_start3A_27 = tpu.memref_squeeze %dma_start3A_26 : memref<1x1x64xi32, #tpu.memory_space<hbm>> -> memref<64xi32, #tpu.memory_space<hbm>>
      tpu.enqueue_dma source(%dma_start3A_27 : memref<64xi32, #tpu.memory_space<hbm>>) target(%arg6 : memref<64xi32, #tpu.memory_space<vmem>>) target_semaphore(%run_scoped3A_21 : memref<!tpu.dma_semaphore, #tpu.memory_space<semaphore_mem>>)
      %dma_wait3A_28 = arith.constant 0 : i32
      %dma_wait3A_29 = tpu.memref_slice %arg3[%run_scoped3A, %add3A, %dma_wait3A_28] : memref<2x32x64xi32, #tpu.memory_space<hbm>> -> memref<1x1x64xi32, #tpu.memory_space<hbm>>
      %dma_wait3A_30 = tpu.memref_squeeze %dma_wait3A_29 : memref<1x1x64xi32, #tpu.memory_space<hbm>> -> memref<64xi32, #tpu.memory_space<hbm>>
      %dma_wait3A_31 = arith.constant 0 : i32
      %dma_wait3A_32 = tpu.memref_slice %arg3[%run_scoped3A, %add3A, %dma_wait3A_31] : memref<2x32x64xi32, #tpu.memory_space<hbm>> -> memref<1x1x64xi32, #tpu.memory_space<hbm>>
      %dma_wait3A_33 = tpu.memref_squeeze %dma_wait3A_32 : memref<1x1x64xi32, #tpu.memory_space<hbm>> -> memref<64xi32, #tpu.memory_space<hbm>>
      tpu.wait_dma2 semaphore(%run_scoped3A_21 : memref<!tpu.dma_semaphore, #tpu.memory_space<semaphore_mem>>) src(%dma_wait3A_33 : memref<64xi32, #tpu.memory_space<hbm>>) dst(%arg6 : memref<64xi32, #tpu.memory_space<vmem>>)
      tpu.yield
    }) : () -> ()
    %run_scoped3A_3 = arith.constant 1 : i32
    "tpu.region"() ({
      %run_scoped3A_21 = tpu.sem_alloc : memref<!tpu.dma_semaphore, #tpu.memory_space<semaphore_mem>>
      %dma_start3A_22 = arith.constant 0 : i32
      %dma_start3A_23 = tpu.memref_slice %arg3[%run_scoped3A_3, %add3A, %dma_start3A_22] : memref<2x32x64xi32, #tpu.memory_space<hbm>> -> memref<1x1x64xi32, #tpu.memory_space<hbm>>
      %dma_start3A_24 = tpu.memref_squeeze %dma_start3A_23 : memref<1x1x64xi32, #tpu.memory_space<hbm>> -> memref<64xi32, #tpu.memory_space<hbm>>
      %dma_start3A_25 = arith.constant 0 : i32
      %dma_start3A_26 = tpu.memref_slice %arg3[%run_scoped3A_3, %add3A, %dma_start3A_25] : memref<2x32x64xi32, #tpu.memory_space<hbm>> -> memref<1x1x64xi32, #tpu.memory_space<hbm>>
      %dma_start3A_27 = tpu.memref_squeeze %dma_start3A_26 : memref<1x1x64xi32, #tpu.memory_space<hbm>> -> memref<64xi32, #tpu.memory_space<hbm>>
      tpu.enqueue_dma source(%dma_start3A_27 : memref<64xi32, #tpu.memory_space<hbm>>) target(%arg7 : memref<64xi32, #tpu.memory_space<vmem>>) target_semaphore(%run_scoped3A_21 : memref<!tpu.dma_semaphore, #tpu.memory_space<semaphore_mem>>)
      %dma_wait3A_28 = arith.constant 0 : i32
      %dma_wait3A_29 = tpu.memref_slice %arg3[%run_scoped3A_3, %add3A, %dma_wait3A_28] : memref<2x32x64xi32, #tpu.memory_space<hbm>> -> memref<1x1x64xi32, #tpu.memory_space<hbm>>
      %dma_wait3A_30 = tpu.memref_squeeze %dma_wait3A_29 : memref<1x1x64xi32, #tpu.memory_space<hbm>> -> memref<64xi32, #tpu.memory_space<hbm>>
      %dma_wait3A_31 = arith.constant 0 : i32
      %dma_wait3A_32 = tpu.memref_slice %arg3[%run_scoped3A_3, %add3A, %dma_wait3A_31] : memref<2x32x64xi32, #tpu.memory_space<hbm>> -> memref<1x1x64xi32, #tpu.memory_space<hbm>>
      %dma_wait3A_33 = tpu.memref_squeeze %dma_wait3A_32 : memref<1x1x64xi32, #tpu.memory_space<hbm>> -> memref<64xi32, #tpu.memory_space<hbm>>
      tpu.wait_dma2 semaphore(%run_scoped3A_21 : memref<!tpu.dma_semaphore, #tpu.memory_space<semaphore_mem>>) src(%dma_wait3A_33 : memref<64xi32, #tpu.memory_space<hbm>>) dst(%arg7 : memref<64xi32, #tpu.memory_space<vmem>>)
      tpu.yield
    }) : () -> ()
    %run_scoped3A_4 = arith.constant 0 : i32
    "tpu.region"() ({
      %run_scoped3A_21 = tpu.sem_alloc : memref<!tpu.dma_semaphore, #tpu.memory_space<semaphore_mem>>
      %dma_start3A_22 = arith.constant 0 : i32
      %dma_start3A_23 = arith.constant 0 : i32
      %dma_start3A_24 = tpu.memref_slice %arg4[%run_scoped3A_4, %add3A, %dma_start3A_22, %dma_start3A_23] : memref<2x32x64x16xf32, #tpu.memory_space<hbm>> -> memref<1x1x64x16xf32, #tpu.memory_space<hbm>>
      %dma_start3A_25 = tpu.memref_squeeze %dma_start3A_24 : memref<1x1x64x16xf32, #tpu.memory_space<hbm>> -> memref<64x16xf32, #tpu.memory_space<hbm>>
      %dma_start3A_26 = arith.constant 0 : i32
      %dma_start3A_27 = arith.constant 0 : i32
      %dma_start3A_28 = tpu.memref_slice %arg4[%run_scoped3A_4, %add3A, %dma_start3A_26, %dma_start3A_27] : memref<2x32x64x16xf32, #tpu.memory_space<hbm>> -> memref<1x1x64x16xf32, #tpu.memory_space<hbm>>
      %dma_start3A_29 = tpu.memref_squeeze %dma_start3A_28 : memref<1x1x64x16xf32, #tpu.memory_space<hbm>> -> memref<64x16xf32, #tpu.memory_space<hbm>>
      tpu.enqueue_dma source(%dma_start3A_29 : memref<64x16xf32, #tpu.memory_space<hbm>>) target(%arg8 : memref<64x16xf32, #tpu.memory_space<vmem>>) target_semaphore(%run_scoped3A_21 : memref<!tpu.dma_semaphore, #tpu.memory_space<semaphore_mem>>)
      %dma_wait3A_30 = arith.constant 0 : i32
      %dma_wait3A_31 = arith.constant 0 : i32
      %dma_wait3A_32 = tpu.memref_slice %arg4[%run_scoped3A_4, %add3A, %dma_wait3A_30, %dma_wait3A_31] : memref<2x32x64x16xf32, #tpu.memory_space<hbm>> -> memref<1x1x64x16xf32, #tpu.memory_space<hbm>>
      %dma_wait3A_33 = tpu.memref_squeeze %dma_wait3A_32 : memref<1x1x64x16xf32, #tpu.memory_space<hbm>> -> memref<64x16xf32, #tpu.memory_space<hbm>>
      %dma_wait3A_34 = arith.constant 0 : i32
      %dma_wait3A_35 = arith.constant 0 : i32
      %dma_wait3A_36 = tpu.memref_slice %arg4[%run_scoped3A_4, %add3A, %dma_wait3A_34, %dma_wait3A_35] : memref<2x32x64x16xf32, #tpu.memory_space<hbm>> -> memref<1x1x64x16xf32, #tpu.memory_space<hbm>>
      %dma_wait3A_37 = tpu.memref_squeeze %dma_wait3A_36 : memref<1x1x64x16xf32, #tpu.memory_space<hbm>> -> memref<64x16xf32, #tpu.memory_space<hbm>>
      tpu.wait_dma2 semaphore(%run_scoped3A_21 : memref<!tpu.dma_semaphore, #tpu.memory_space<semaphore_mem>>) src(%dma_wait3A_37 : memref<64x16xf32, #tpu.memory_space<hbm>>) dst(%arg8 : memref<64x16xf32, #tpu.memory_space<vmem>>)
      tpu.yield
    }) : () -> ()
    %run_scoped3A_5 = arith.constant 1 : i32
    "tpu.region"() ({
      %run_scoped3A_21 = tpu.sem_alloc : memref<!tpu.dma_semaphore, #tpu.memory_space<semaphore_mem>>
      %dma_start3A_22 = arith.constant 0 : i32
      %dma_start3A_23 = arith.constant 0 : i32
      %dma_start3A_24 = tpu.memref_slice %arg4[%run_scoped3A_5, %add3A, %dma_start3A_22, %dma_start3A_23] : memref<2x32x64x16xf32, #tpu.memory_space<hbm>> -> memref<1x1x64x16xf32, #tpu.memory_space<hbm>>
      %dma_start3A_25 = tpu.memref_squeeze %dma_start3A_24 : memref<1x1x64x16xf32, #tpu.memory_space<hbm>> -> memref<64x16xf32, #tpu.memory_space<hbm>>
      %dma_start3A_26 = arith.constant 0 : i32
      %dma_start3A_27 = arith.constant 0 : i32
      %dma_start3A_28 = tpu.memref_slice %arg4[%run_scoped3A_5, %add3A, %dma_start3A_26, %dma_start3A_27] : memref<2x32x64x16xf32, #tpu.memory_space<hbm>> -> memref<1x1x64x16xf32, #tpu.memory_space<hbm>>
      %dma_start3A_29 = tpu.memref_squeeze %dma_start3A_28 : memref<1x1x64x16xf32, #tpu.memory_space<hbm>> -> memref<64x16xf32, #tpu.memory_space<hbm>>
      tpu.enqueue_dma source(%dma_start3A_29 : memref<64x16xf32, #tpu.memory_space<hbm>>) target(%arg9 : memref<64x16xf32, #tpu.memory_space<vmem>>) target_semaphore(%run_scoped3A_21 : memref<!tpu.dma_semaphore, #tpu.memory_space<semaphore_mem>>)
      %dma_wait3A_30 = arith.constant 0 : i32
      %dma_wait3A_31 = arith.constant 0 : i32
      %dma_wait3A_32 = tpu.memref_slice %arg4[%run_scoped3A_5, %add3A, %dma_wait3A_30, %dma_wait3A_31] : memref<2x32x64x16xf32, #tpu.memory_space<hbm>> -> memref<1x1x64x16xf32, #tpu.memory_space<hbm>>
      %dma_wait3A_33 = tpu.memref_squeeze %dma_wait3A_32 : memref<1x1x64x16xf32, #tpu.memory_space<hbm>> -> memref<64x16xf32, #tpu.memory_space<hbm>>
      %dma_wait3A_34 = arith.constant 0 : i32
      %dma_wait3A_35 = arith.constant 0 : i32
      %dma_wait3A_36 = tpu.memref_slice %arg4[%run_scoped3A_5, %add3A, %dma_wait3A_34, %dma_wait3A_35] : memref<2x32x64x16xf32, #tpu.memory_space<hbm>> -> memref<1x1x64x16xf32, #tpu.memory_space<hbm>>
      %dma_wait3A_37 = tpu.memref_squeeze %dma_wait3A_36 : memref<1x1x64x16xf32, #tpu.memory_space<hbm>> -> memref<64x16xf32, #tpu.memory_space<hbm>>
      tpu.wait_dma2 semaphore(%run_scoped3A_21 : memref<!tpu.dma_semaphore, #tpu.memory_space<semaphore_mem>>) src(%dma_wait3A_37 : memref<64x16xf32, #tpu.memory_space<hbm>>) dst(%arg9 : memref<64x16xf32, #tpu.memory_space<vmem>>)
      tpu.yield
    }) : () -> ()
    %dma_start3A = arith.constant 0 : i32
    %dma_start3A_6 = arith.constant 0 : i32
    %dma_start3A_7 = tpu.memref_slice %arg2[%dma_start3A, %dma_start3A_6] : memref<6144x768xf32, #tpu.memory_space<hbm>> -> memref<6144x768xf32, #tpu.memory_space<hbm>>
    tpu.enqueue_indirect_dma source(%dma_start3A_7 : memref<6144x768xf32, #tpu.memory_space<hbm>>) target(%arg10 : memref<64x768xf32, #tpu.memory_space<vmem>>) offsets(%arg6 : memref<64xi32, #tpu.memory_space<vmem>>) semaphore(%arg12 : memref<!tpu.dma_semaphore, #tpu.memory_space<semaphore_mem>>)
    %dma_start3A_8 = arith.constant 0 : i32
    %dma_start3A_9 = arith.constant 0 : i32
    %dma_start3A_10 = tpu.memref_slice %arg2[%dma_start3A_8, %dma_start3A_9] : memref<6144x768xf32, #tpu.memory_space<hbm>> -> memref<6144x768xf32, #tpu.memory_space<hbm>>
    tpu.enqueue_indirect_dma source(%dma_start3A_10 : memref<6144x768xf32, #tpu.memory_space<hbm>>) target(%arg11 : memref<64x768xf32, #tpu.memory_space<vmem>>) offsets(%arg7 : memref<64xi32, #tpu.memory_space<vmem>>) semaphore(%arg13 : memref<!tpu.dma_semaphore, #tpu.memory_space<semaphore_mem>>)
    %dma_wait3A = arith.constant 0 : i32
    %dma_wait3A_11 = arith.constant 0 : i32
    %dma_wait3A_12 = tpu.memref_slice %arg2[%dma_wait3A, %dma_wait3A_11] : memref<6144x768xf32, #tpu.memory_space<hbm>> -> memref<6144x768xf32, #tpu.memory_space<hbm>>
    tpu.wait_indirect_dma semaphore(%arg12 : memref<!tpu.dma_semaphore, #tpu.memory_space<semaphore_mem>>) src(%dma_wait3A_12 : memref<6144x768xf32, #tpu.memory_space<hbm>>) dst(%arg10 : memref<64x768xf32, #tpu.memory_space<vmem>>)
    %dma_wait3A_13 = arith.constant 0 : i32
    %dma_wait3A_14 = arith.constant 0 : i32
    %dma_wait3A_15 = tpu.memref_slice %arg2[%dma_wait3A_13, %dma_wait3A_14] : memref<6144x768xf32, #tpu.memory_space<hbm>> -> memref<6144x768xf32, #tpu.memory_space<hbm>>
    tpu.wait_indirect_dma semaphore(%arg13 : memref<!tpu.dma_semaphore, #tpu.memory_space<semaphore_mem>>) src(%dma_wait3A_15 : memref<6144x768xf32, #tpu.memory_space<hbm>>) dst(%arg11 : memref<64x768xf32, #tpu.memory_space<vmem>>)
    %scan3A = arith.constant 0 : i32
    %scan3A_16 = arith.constant 0 : i32
    %scan3A_17 = arith.constant 64 : i32
    %scan3A_18 = arith.addi %scan3A_16, %scan3A_17 : i32
    %scan3A_19 = arith.constant 1 : i32
    scf.for %scan3A_21 = %scan3A_16 to %scan3A_18 step %scan3A_19  : i32 {
      %get3A = arith.index_cast %scan3A_21 : i32 to index
      %get3A_22 = arith.constant 0 : index
      %get3A_23 = tpu.vector_load %arg8[%get3A, %get3A_22] {strides = array<i32>} : memref<64x16xf32, #tpu.memory_space<vmem>>, vector<1x16xf32>,
      %get3A_24 = vector.shape_cast %get3A_23 : vector<1x16xf32> to vector<16xf32>
      %get3A_25 = arith.index_cast %scan3A_21 : i32 to index
      %get3A_26 = arith.constant 0 : index
      %get3A_27 = tpu.vector_load %arg9[%get3A_25, %get3A_26] {strides = array<i32>} : memref<64x16xf32, #tpu.memory_space<vmem>>, vector<1x16xf32>,
      %get3A_28 = vector.shape_cast %get3A_27 : vector<1x16xf32> to vector<16xf32>
      %get3A_29 = arith.index_cast %scan3A_21 : i32 to index
      %get3A_30 = arith.constant 0 : index
      %get3A_31 = tpu.vector_load %arg10[%get3A_29, %get3A_30] {strides = array<i32>} : memref<64x768xf32, #tpu.memory_space<vmem>>, vector<1x16xf32>,
      %get3A_32 = vector.shape_cast %get3A_31 : vector<1x16xf32> to vector<16xf32>
      %mul3A_33 = arith.mulf %get3A_24, %get3A_32 : vector<16xf32>
      %get3A_34 = arith.index_cast %scan3A_21 : i32 to index
      %get3A_35 = arith.constant 0 : index
      %get3A_36 = tpu.vector_load %arg11[%get3A_34, %get3A_35] {strides = array<i32>} : memref<64x768xf32, #tpu.memory_space<vmem>>, vector<1x16xf32>,
      %get3A_37 = vector.shape_cast %get3A_36 : vector<1x16xf32> to vector<16xf32>
      %mul3A_38 = arith.mulf %get3A_28, %get3A_37 : vector<16xf32>
      %add3A_39 = arith.addf %mul3A_33, %mul3A_38 : vector<16xf32>
      %swap3A = arith.index_cast %scan3A_21 : i32 to index
      %swap3A_40 = arith.constant 0 : index
      %swap3A_41 = tpu.vector_load %arg10[%swap3A, %swap3A_40] {strides = array<i32>} : memref<64x768xf32, #tpu.memory_space<vmem>>, vector<1x16xf32>,
      %swap3A_42 = vector.shape_cast %swap3A_41 : vector<1x16xf32> to vector<16xf32>
      %swap3A_43 = vector.shape_cast %add3A_39 : vector<16xf32> to vector<1x16xf32>
      tpu.vector_store %arg10[%swap3A, %swap3A_40], %swap3A_43 {strides = array<i32>} : memref<64x768xf32, #tpu.memory_space<vmem>>, vector<1x16xf32>,
      %get3A_44 = arith.index_cast %scan3A_21 : i32 to index
      %get3A_45 = arith.constant 16 : index
      %get3A_46 = tpu.vector_load %arg10[%get3A_44, %get3A_45] {strides = array<i32>} : memref<64x768xf32, #tpu.memory_space<vmem>>, vector<1x16xf32>,
      %get3A_47 = vector.shape_cast %get3A_46 : vector<1x16xf32> to vector<16xf32>
      %mul3A_48 = arith.mulf %get3A_24, %get3A_47 : vector<16xf32>
      %get3A_49 = arith.index_cast %scan3A_21 : i32 to index
      %get3A_50 = arith.constant 16 : index
      %get3A_51 = tpu.vector_load %arg11[%get3A_49, %get3A_50] {strides = array<i32>} : memref<64x768xf32, #tpu.memory_space<vmem>>, vector<1x16xf32>,
      %get3A_52 = vector.shape_cast %get3A_51 : vector<1x16xf32> to vector<16xf32>
      %mul3A_53 = arith.mulf %get3A_28, %get3A_52 : vector<16xf32>
      %add3A_54 = arith.addf %mul3A_48, %mul3A_53 : vector<16xf32>
      %swap3A_55 = arith.index_cast %scan3A_21 : i32 to index
      %swap3A_56 = arith.constant 16 : index
      %swap3A_57 = tpu.vector_load %arg10[%swap3A_55, %swap3A_56] {strides = array<i32>} : memref<64x768xf32, #tpu.memory_space<vmem>>, vector<1x16xf32>,
      %swap3A_58 = vector.shape_cast %swap3A_57 : vector<1x16xf32> to vector<16xf32>
      %swap3A_59 = vector.shape_cast %add3A_54 : vector<16xf32> to vector<1x16xf32>
      tpu.vector_store %arg10[%swap3A_55, %swap3A_56], %swap3A_59 {strides = array<i32>} : memref<64x768xf32, #tpu.memory_space<vmem>>, vector<1x16xf32>,
      %get3A_60 = arith.index_cast %scan3A_21 : i32 to index
      %get3A_61 = arith.constant 32 : index
      %get3A_62 = tpu.vector_load %arg10[%get3A_60, %get3A_61] {strides = array<i32>} : memref<64x768xf32, #tpu.memory_space<vmem>>, vector<1x16xf32>,
      %get3A_63 = vector.shape_cast %get3A_62 : vector<1x16xf32> to vector<16xf32>
      %mul3A_64 = arith.mulf %get3A_24, %get3A_63 : vector<16xf32>
      %get3A_65 = arith.index_cast %scan3A_21 : i32 to index
      %get3A_66 = arith.constant 32 : index
      %get3A_67 = tpu.vector_load %arg11[%get3A_65, %get3A_66] {strides = array<i32>} : memref<64x768xf32, #tpu.memory_space<vmem>>, vector<1x16xf32>,
      %get3A_68 = vector.shape_cast %get3A_67 : vector<1x16xf32> to vector<16xf32>
      %mul3A_69 = arith.mulf %get3A_28, %get3A_68 : vector<16xf32>
      %add3A_70 = arith.addf %mul3A_64, %mul3A_69 : vector<16xf32>
      %swap3A_71 = arith.index_cast %scan3A_21 : i32 to index
      %swap3A_72 = arith.constant 32 : index
      %swap3A_73 = tpu.vector_load %arg10[%swap3A_71, %swap3A_72] {strides = array<i32>} : memref<64x768xf32, #tpu.memory_space<vmem>>, vector<1x16xf32>,
      %swap3A_74 = vector.shape_cast %swap3A_73 : vector<1x16xf32> to vector<16xf32>
      %swap3A_75 = vector.shape_cast %add3A_70 : vector<16xf32> to vector<1x16xf32>
      tpu.vector_store %arg10[%swap3A_71, %swap3A_72], %swap3A_75 {strides = array<i32>} : memref<64x768xf32, #tpu.memory_space<vmem>>, vector<1x16xf32>,
      %get3A_76 = arith.index_cast %scan3A_21 : i32 to index
      %get3A_77 = arith.constant 48 : index
      %get3A_78 = tpu.vector_load %arg10[%get3A_76, %get3A_77] {strides = array<i32>} : memref<64x768xf32, #tpu.memory_space<vmem>>, vector<1x16xf32>,
      %get3A_79 = vector.shape_cast %get3A_78 : vector<1x16xf32> to vector<16xf32>
      %mul3A_80 = arith.mulf %get3A_24, %get3A_79 : vector<16xf32>
      %get3A_81 = arith.index_cast %scan3A_21 : i32 to index
      %get3A_82 = arith.constant 48 : index
      %get3A_83 = tpu.vector_load %arg11[%get3A_81, %get3A_82] {strides = array<i32>} : memref<64x768xf32, #tpu.memory_space<vmem>>, vector<1x16xf32>,
      %get3A_84 = vector.shape_cast %get3A_83 : vector<1x16xf32> to vector<16xf32>
      %mul3A_85 = arith.mulf %get3A_28, %get3A_84 : vector<16xf32>
      %add3A_86 = arith.addf %mul3A_80, %mul3A_85 : vector<16xf32>
      %swap3A_87 = arith.index_cast %scan3A_21 : i32 to index
      %swap3A_88 = arith.constant 48 : index
      %swap3A_89 = tpu.vector_load %arg10[%swap3A_87, %swap3A_88] {strides = array<i32>} : memref<64x768xf32, #tpu.memory_space<vmem>>, vector<1x16xf32>,
      %swap3A_90 = vector.shape_cast %swap3A_89 : vector<1x16xf32> to vector<16xf32>
      %swap3A_91 = vector.shape_cast %add3A_86 : vector<16xf32> to vector<1x16xf32>
      tpu.vector_store %arg10[%swap3A_87, %swap3A_88], %swap3A_91 {strides = array<i32>} : memref<64x768xf32, #tpu.memory_space<vmem>>, vector<1x16xf32>,
      %get3A_92 = arith.index_cast %scan3A_21 : i32 to index
      %get3A_93 = arith.constant 64 : index
      %get3A_94 = tpu.vector_load %arg10[%get3A_92, %get3A_93] {strides = array<i32>} : memref<64x768xf32, #tpu.memory_space<vmem>>, vector<1x16xf32>,
      %get3A_95 = vector.shape_cast %get3A_94 : vector<1x16xf32> to vector<16xf32>
      %mul3A_96 = arith.mulf %get3A_24, %get3A_95 : vector<16xf32>
      %get3A_97 = arith.index_cast %scan3A_21 : i32 to index
      %get3A_98 = arith.constant 64 : index
      %get3A_99 = tpu.vector_load %arg11[%get3A_97, %get3A_98] {strides = array<i32>} : memref<64x768xf32, #tpu.memory_space<vmem>>, vector<1x16xf32>,
      %get3A_100 = vector.shape_cast %get3A_99 : vector<1x16xf32> to vector<16xf32>
      %mul3A_101 = arith.mulf %get3A_28, %get3A_100 : vector<16xf32>
      %add3A_102 = arith.addf %mul3A_96, %mul3A_101 : vector<16xf32>
      %swap3A_103 = arith.index_cast %scan3A_21 : i32 to index
      %swap3A_104 = arith.constant 64 : index
      %swap3A_105 = tpu.vector_load %arg10[%swap3A_103, %swap3A_104] {strides = array<i32>} : memref<64x768xf32, #tpu.memory_space<vmem>>, vector<1x16xf32>,
      %swap3A_106 = vector.shape_cast %swap3A_105 : vector<1x16xf32> to vector<16xf32>
      %swap3A_107 = vector.shape_cast %add3A_102 : vector<16xf32> to vector<1x16xf32>
      tpu.vector_store %arg10[%swap3A_103, %swap3A_104], %swap3A_107 {strides = array<i32>} : memref<64x768xf32, #tpu.memory_space<vmem>>, vector<1x16xf32>,
      %get3A_108 = arith.index_cast %scan3A_21 : i32 to index
      %get3A_109 = arith.constant 80 : index
      %get3A_110 = tpu.vector_load %arg10[%get3A_108, %get3A_109] {strides = array<i32>} : memref<64x768xf32, #tpu.memory_space<vmem>>, vector<1x16xf32>,
      %get3A_111 = vector.shape_cast %get3A_110 : vector<1x16xf32> to vector<16xf32>
      %mul3A_112 = arith.mulf %get3A_24, %get3A_111 : vector<16xf32>
      %get3A_113 = arith.index_cast %scan3A_21 : i32 to index
      %get3A_114 = arith.constant 80 : index
      %get3A_115 = tpu.vector_load %arg11[%get3A_113, %get3A_114] {strides = array<i32>} : memref<64x768xf32, #tpu.memory_space<vmem>>, vector<1x16xf32>,
      %get3A_116 = vector.shape_cast %get3A_115 : vector<1x16xf32> to vector<16xf32>
      %mul3A_117 = arith.mulf %get3A_28, %get3A_116 : vector<16xf32>
      %add3A_118 = arith.addf %mul3A_112, %mul3A_117 : vector<16xf32>
      %swap3A_119 = arith.index_cast %scan3A_21 : i32 to index
      %swap3A_120 = arith.constant 80 : index
      %swap3A_121 = tpu.vector_load %arg10[%swap3A_119, %swap3A_120] {strides = array<i32>} : memref<64x768xf32, #tpu.memory_space<vmem>>, vector<1x16xf32>,
      %swap3A_122 = vector.shape_cast %swap3A_121 : vector<1x16xf32> to vector<16xf32>
      %swap3A_123 = vector.shape_cast %add3A_118 : vector<16xf32> to vector<1x16xf32>
      tpu.vector_store %arg10[%swap3A_119, %swap3A_120], %swap3A_123 {strides = array<i32>} : memref<64x768xf32, #tpu.memory_space<vmem>>, vector<1x16xf32>,
      %get3A_124 = arith.index_cast %scan3A_21 : i32 to index
      %get3A_125 = arith.constant 96 : index
      %get3A_126 = tpu.vector_load %arg10[%get3A_124, %get3A_125] {strides = array<i32>} : memref<64x768xf32, #tpu.memory_space<vmem>>, vector<1x16xf32>,
      %get3A_127 = vector.shape_cast %get3A_126 : vector<1x16xf32> to vector<16xf32>
      %mul3A_128 = arith.mulf %get3A_24, %get3A_127 : vector<16xf32>
      %get3A_129 = arith.index_cast %scan3A_21 : i32 to index
      %get3A_130 = arith.constant 96 : index
      %get3A_131 = tpu.vector_load %arg11[%get3A_129, %get3A_130] {strides = array<i32>} : memref<64x768xf32, #tpu.memory_space<vmem>>, vector<1x16xf32>,
      %get3A_132 = vector.shape_cast %get3A_131 : vector<1x16xf32> to vector<16xf32>
      %mul3A_133 = arith.mulf %get3A_28, %get3A_132 : vector<16xf32>
      %add3A_134 = arith.addf %mul3A_128, %mul3A_133 : vector<16xf32>
      %swap3A_135 = arith.index_cast %scan3A_21 : i32 to index
      %swap3A_136 = arith.constant 96 : index
      %swap3A_137 = tpu.vector_load %arg10[%swap3A_135, %swap3A_136] {strides = array<i32>} : memref<64x768xf32, #tpu.memory_space<vmem>>, vector<1x16xf32>,
      %swap3A_138 = vector.shape_cast %swap3A_137 : vector<1x16xf32> to vector<16xf32>
      %swap3A_139 = vector.shape_cast %add3A_134 : vector<16xf32> to vector<1x16xf32>
      tpu.vector_store %arg10[%swap3A_135, %swap3A_136], %swap3A_139 {strides = array<i32>} : memref<64x768xf32, #tpu.memory_space<vmem>>, vector<1x16xf32>,
      %get3A_140 = arith.index_cast %scan3A_21 : i32 to index
      %get3A_141 = arith.constant 112 : index
      %get3A_142 = tpu.vector_load %arg10[%get3A_140, %get3A_141] {strides = array<i32>} : memref<64x768xf32, #tpu.memory_space<vmem>>, vector<1x16xf32>,
      %get3A_143 = vector.shape_cast %get3A_142 : vector<1x16xf32> to vector<16xf32>
      %mul3A_144 = arith.mulf %get3A_24, %get3A_143 : vector<16xf32>
      %get3A_145 = arith.index_cast %scan3A_21 : i32 to index
      %get3A_146 = arith.constant 112 : index
      %get3A_147 = tpu.vector_load %arg11[%get3A_145, %get3A_146] {strides = array<i32>} : memref<64x768xf32, #tpu.memory_space<vmem>>, vector<1x16xf32>,
      %get3A_148 = vector.shape_cast %get3A_147 : vector<1x16xf32> to vector<16xf32>
      %mul3A_149 = arith.mulf %get3A_28, %get3A_148 : vector<16xf32>
      %add3A_150 = arith.addf %mul3A_144, %mul3A_149 : vector<16xf32>
      %swap3A_151 = arith.index_cast %scan3A_21 : i32 to index
      %swap3A_152 = arith.constant 112 : index
      %swap3A_153 = tpu.vector_load %arg10[%swap3A_151, %swap3A_152] {strides = array<i32>} : memref<64x768xf32, #tpu.memory_space<vmem>>, vector<1x16xf32>,
      %swap3A_154 = vector.shape_cast %swap3A_153 : vector<1x16xf32> to vector<16xf32>
      %swap3A_155 = vector.shape_cast %add3A_150 : vector<16xf32> to vector<1x16xf32>
      tpu.vector_store %arg10[%swap3A_151, %swap3A_152], %swap3A_155 {strides = array<i32>} : memref<64x768xf32, #tpu.memory_space<vmem>>, vector<1x16xf32>,
      %get3A_156 = arith.index_cast %scan3A_21 : i32 to index
      %get3A_157 = arith.constant 128 : index
      %get3A_158 = tpu.vector_load %arg10[%get3A_156, %get3A_157] {strides = array<i32>} : memref<64x768xf32, #tpu.memory_space<vmem>>, vector<1x16xf32>,
      %get3A_159 = vector.shape_cast %get3A_158 : vector<1x16xf32> to vector<16xf32>
      %mul3A_160 = arith.mulf %get3A_24, %get3A_159 : vector<16xf32>
      %get3A_161 = arith.index_cast %scan3A_21 : i32 to index
      %get3A_162 = arith.constant 128 : index
      %get3A_163 = tpu.vector_load %arg11[%get3A_161, %get3A_162] {strides = array<i32>} : memref<64x768xf32, #tpu.memory_space<vmem>>, vector<1x16xf32>,
      %get3A_164 = vector.shape_cast %get3A_163 : vector<1x16xf32> to vector<16xf32>
      %mul3A_165 = arith.mulf %get3A_28, %get3A_164 : vector<16xf32>
      %add3A_166 = arith.addf %mul3A_160, %mul3A_165 : vector<16xf32>
      %swap3A_167 = arith.index_cast %scan3A_21 : i32 to index
      %swap3A_168 = arith.constant 128 : index
      %swap3A_169 = tpu.vector_load %arg10[%swap3A_167, %swap3A_168] {strides = array<i32>} : memref<64x768xf32, #tpu.memory_space<vmem>>, vector<1x16xf32>,
      %swap3A_170 = vector.shape_cast %swap3A_169 : vector<1x16xf32> to vector<16xf32>
      %swap3A_171 = vector.shape_cast %add3A_166 : vector<16xf32> to vector<1x16xf32>
      tpu.vector_store %arg10[%swap3A_167, %swap3A_168], %swap3A_171 {strides = array<i32>} : memref<64x768xf32, #tpu.memory_space<vmem>>, vector<1x16xf32>,
      %get3A_172 = arith.index_cast %scan3A_21 : i32 to index
      %get3A_173 = arith.constant 144 : index
      %get3A_174 = tpu.vector_load %arg10[%get3A_172, %get3A_173] {strides = array<i32>} : memref<64x768xf32, #tpu.memory_space<vmem>>, vector<1x16xf32>,
      %get3A_175 = vector.shape_cast %get3A_174 : vector<1x16xf32> to vector<16xf32>
      %mul3A_176 = arith.mulf %get3A_24, %get3A_175 : vector<16xf32>
      %get3A_177 = arith.index_cast %scan3A_21 : i32 to index
      %get3A_178 = arith.constant 144 : index
      %get3A_179 = tpu.vector_load %arg11[%get3A_177, %get3A_178] {strides = array<i32>} : memref<64x768xf32, #tpu.memory_space<vmem>>, vector<1x16xf32>,
      %get3A_180 = vector.shape_cast %get3A_179 : vector<1x16xf32> to vector<16xf32>
      %mul3A_181 = arith.mulf %get3A_28, %get3A_180 : vector<16xf32>
      %add3A_182 = arith.addf %mul3A_176, %mul3A_181 : vector<16xf32>
      %swap3A_183 = arith.index_cast %scan3A_21 : i32 to index
      %swap3A_184 = arith.constant 144 : index
      %swap3A_185 = tpu.vector_load %arg10[%swap3A_183, %swap3A_184] {strides = array<i32>} : memref<64x768xf32, #tpu.memory_space<vmem>>, vector<1x16xf32>,
      %swap3A_186 = vector.shape_cast %swap3A_185 : vector<1x16xf32> to vector<16xf32>
      %swap3A_187 = vector.shape_cast %add3A_182 : vector<16xf32> to vector<1x16xf32>
      tpu.vector_store %arg10[%swap3A_183, %swap3A_184], %swap3A_187 {strides = array<i32>} : memref<64x768xf32, #tpu.memory_space<vmem>>, vector<1x16xf32>,
      %get3A_188 = arith.index_cast %scan3A_21 : i32 to index
      %get3A_189 = arith.constant 160 : index
      %get3A_190 = tpu.vector_load %arg10[%get3A_188, %get3A_189] {strides = array<i32>} : memref<64x768xf32, #tpu.memory_space<vmem>>, vector<1x16xf32>,
      %get3A_191 = vector.shape_cast %get3A_190 : vector<1x16xf32> to vector<16xf32>
      %mul3A_192 = arith.mulf %get3A_24, %get3A_191 : vector<16xf32>
      %get3A_193 = arith.index_cast %scan3A_21 : i32 to index
      %get3A_194 = arith.constant 160 : index
      %get3A_195 = tpu.vector_load %arg11[%get3A_193, %get3A_194] {strides = array<i32>} : memref<64x768xf32, #tpu.memory_space<vmem>>, vector<1x16xf32>,
      %get3A_196 = vector.shape_cast %get3A_195 : vector<1x16xf32> to vector<16xf32>
      %mul3A_197 = arith.mulf %get3A_28, %get3A_196 : vector<16xf32>
      %add3A_198 = arith.addf %mul3A_192, %mul3A_197 : vector<16xf32>
      %swap3A_199 = arith.index_cast %scan3A_21 : i32 to index
      %swap3A_200 = arith.constant 160 : index
      %swap3A_201 = tpu.vector_load %arg10[%swap3A_199, %swap3A_200] {strides = array<i32>} : memref<64x768xf32, #tpu.memory_space<vmem>>, vector<1x16xf32>,
      %swap3A_202 = vector.shape_cast %swap3A_201 : vector<1x16xf32> to vector<16xf32>
      %swap3A_203 = vector.shape_cast %add3A_198 : vector<16xf32> to vector<1x16xf32>
      tpu.vector_store %arg10[%swap3A_199, %swap3A_200], %swap3A_203 {strides = array<i32>} : memref<64x768xf32, #tpu.memory_space<vmem>>, vector<1x16xf32>,
      %get3A_204 = arith.index_cast %scan3A_21 : i32 to index
      %get3A_205 = arith.constant 176 : index
      %get3A_206 = tpu.vector_load %arg10[%get3A_204, %get3A_205] {strides = array<i32>} : memref<64x768xf32, #tpu.memory_space<vmem>>, vector<1x16xf32>,
      %get3A_207 = vector.shape_cast %get3A_206 : vector<1x16xf32> to vector<16xf32>
      %mul3A_208 = arith.mulf %get3A_24, %get3A_207 : vector<16xf32>
      %get3A_209 = arith.index_cast %scan3A_21 : i32 to index
      %get3A_210 = arith.constant 176 : index
      %get3A_211 = tpu.vector_load %arg11[%get3A_209, %get3A_210] {strides = array<i32>} : memref<64x768xf32, #tpu.memory_space<vmem>>, vector<1x16xf32>,
      %get3A_212 = vector.shape_cast %get3A_211 : vector<1x16xf32> to vector<16xf32>
      %mul3A_213 = arith.mulf %get3A_28, %get3A_212 : vector<16xf32>
      %add3A_214 = arith.addf %mul3A_208, %mul3A_213 : vector<16xf32>
      %swap3A_215 = arith.index_cast %scan3A_21 : i32 to index
      %swap3A_216 = arith.constant 176 : index
      %swap3A_217 = tpu.vector_load %arg10[%swap3A_215, %swap3A_216] {strides = array<i32>} : memref<64x768xf32, #tpu.memory_space<vmem>>, vector<1x16xf32>,
      %swap3A_218 = vector.shape_cast %swap3A_217 : vector<1x16xf32> to vector<16xf32>
      %swap3A_219 = vector.shape_cast %add3A_214 : vector<16xf32> to vector<1x16xf32>
      tpu.vector_store %arg10[%swap3A_215, %swap3A_216], %swap3A_219 {strides = array<i32>} : memref<64x768xf32, #tpu.memory_space<vmem>>, vector<1x16xf32>,
      %get3A_220 = arith.index_cast %scan3A_21 : i32 to index
      %get3A_221 = arith.constant 192 : index
      %get3A_222 = tpu.vector_load %arg10[%get3A_220, %get3A_221] {strides = array<i32>} : memref<64x768xf32, #tpu.memory_space<vmem>>, vector<1x16xf32>,
      %get3A_223 = vector.shape_cast %get3A_222 : vector<1x16xf32> to vector<16xf32>
      %mul3A_224 = arith.mulf %get3A_24, %get3A_223 : vector<16xf32>
      %get3A_225 = arith.index_cast %scan3A_21 : i32 to index
      %get3A_226 = arith.constant 192 : index
      %get3A_227 = tpu.vector_load %arg11[%get3A_225, %get3A_226] {strides = array<i32>} : memref<64x768xf32, #tpu.memory_space<vmem>>, vector<1x16xf32>,
      %get3A_228 = vector.shape_cast %get3A_227 : vector<1x16xf32> to vector<16xf32>
      %mul3A_229 = arith.mulf %get3A_28, %get3A_228 : vector<16xf32>
      %add3A_230 = arith.addf %mul3A_224, %mul3A_229 : vector<16xf32>
      %swap3A_231 = arith.index_cast %scan3A_21 : i32 to index
      %swap3A_232 = arith.constant 192 : index
      %swap3A_233 = tpu.vector_load %arg10[%swap3A_231, %swap3A_232] {strides = array<i32>} : memref<64x768xf32, #tpu.memory_space<vmem>>, vector<1x16xf32>,
      %swap3A_234 = vector.shape_cast %swap3A_233 : vector<1x16xf32> to vector<16xf32>
      %swap3A_235 = vector.shape_cast %add3A_230 : vector<16xf32> to vector<1x16xf32>
      tpu.vector_store %arg10[%swap3A_231, %swap3A_232], %swap3A_235 {strides = array<i32>} : memref<64x768xf32, #tpu.memory_space<vmem>>, vector<1x16xf32>,
      %get3A_236 = arith.index_cast %scan3A_21 : i32 to index
      %get3A_237 = arith.constant 208 : index
      %get3A_238 = tpu.vector_load %arg10[%get3A_236, %get3A_237] {strides = array<i32>} : memref<64x768xf32, #tpu.memory_space<vmem>>, vector<1x16xf32>,
      %get3A_239 = vector.shape_cast %get3A_238 : vector<1x16xf32> to vector<16xf32>
      %mul3A_240 = arith.mulf %get3A_24, %get3A_239 : vector<16xf32>
      %get3A_241 = arith.index_cast %scan3A_21 : i32 to index
      %get3A_242 = arith.constant 208 : index
      %get3A_243 = tpu.vector_load %arg11[%get3A_241, %get3A_242] {strides = array<i32>} : memref<64x768xf32, #tpu.memory_space<vmem>>, vector<1x16xf32>,
      %get3A_244 = vector.shape_cast %get3A_243 : vector<1x16xf32> to vector<16xf32>
      %mul3A_245 = arith.mulf %get3A_28, %get3A_244 : vector<16xf32>
      %add3A_246 = arith.addf %mul3A_240, %mul3A_245 : vector<16xf32>
      %swap3A_247 = arith.index_cast %scan3A_21 : i32 to index
      %swap3A_248 = arith.constant 208 : index
      %swap3A_249 = tpu.vector_load %arg10[%swap3A_247, %swap3A_248] {strides = array<i32>} : memref<64x768xf32, #tpu.memory_space<vmem>>, vector<1x16xf32>,
      %swap3A_250 = vector.shape_cast %swap3A_249 : vector<1x16xf32> to vector<16xf32>
      %swap3A_251 = vector.shape_cast %add3A_246 : vector<16xf32> to vector<1x16xf32>
      tpu.vector_store %arg10[%swap3A_247, %swap3A_248], %swap3A_251 {strides = array<i32>} : memref<64x768xf32, #tpu.memory_space<vmem>>, vector<1x16xf32>,
      %get3A_252 = arith.index_cast %scan3A_21 : i32 to index
      %get3A_253 = arith.constant 224 : index
      %get3A_254 = tpu.vector_load %arg10[%get3A_252, %get3A_253] {strides = array<i32>} : memref<64x768xf32, #tpu.memory_space<vmem>>, vector<1x16xf32>,
      %get3A_255 = vector.shape_cast %get3A_254 : vector<1x16xf32> to vector<16xf32>
      %mul3A_256 = arith.mulf %get3A_24, %get3A_255 : vector<16xf32>
      %get3A_257 = arith.index_cast %scan3A_21 : i32 to index
      %get3A_258 = arith.constant 224 : index
      %get3A_259 = tpu.vector_load %arg11[%get3A_257, %get3A_258] {strides = array<i32>} : memref<64x768xf32, #tpu.memory_space<vmem>>, vector<1x16xf32>,
      %get3A_260 = vector.shape_cast %get3A_259 : vector<1x16xf32> to vector<16xf32>
      %mul3A_261 = arith.mulf %get3A_28, %get3A_260 : vector<16xf32>
      %add3A_262 = arith.addf %mul3A_256, %mul3A_261 : vector<16xf32>
      %swap3A_263 = arith.index_cast %scan3A_21 : i32 to index
      %swap3A_264 = arith.constant 224 : index
      %swap3A_265 = tpu.vector_load %arg10[%swap3A_263, %swap3A_264] {strides = array<i32>} : memref<64x768xf32, #tpu.memory_space<vmem>>, vector<1x16xf32>,
      %swap3A_266 = vector.shape_cast %swap3A_265 : vector<1x16xf32> to vector<16xf32>
      %swap3A_267 = vector.shape_cast %add3A_262 : vector<16xf32> to vector<1x16xf32>
      tpu.vector_store %arg10[%swap3A_263, %swap3A_264], %swap3A_267 {strides = array<i32>} : memref<64x768xf32, #tpu.memory_space<vmem>>, vector<1x16xf32>,
      %get3A_268 = arith.index_cast %scan3A_21 : i32 to index
      %get3A_269 = arith.constant 240 : index
      %get3A_270 = tpu.vector_load %arg10[%get3A_268, %get3A_269] {strides = array<i32>} : memref<64x768xf32, #tpu.memory_space<vmem>>, vector<1x16xf32>,
      %get3A_271 = vector.shape_cast %get3A_270 : vector<1x16xf32> to vector<16xf32>
      %mul3A_272 = arith.mulf %get3A_24, %get3A_271 : vector<16xf32>
      %get3A_273 = arith.index_cast %scan3A_21 : i32 to index
      %get3A_274 = arith.constant 240 : index
      %get3A_275 = tpu.vector_load %arg11[%get3A_273, %get3A_274] {strides = array<i32>} : memref<64x768xf32, #tpu.memory_space<vmem>>, vector<1x16xf32>,
      %get3A_276 = vector.shape_cast %get3A_275 : vector<1x16xf32> to vector<16xf32>
      %mul3A_277 = arith.mulf %get3A_28, %get3A_276 : vector<16xf32>
      %add3A_278 = arith.addf %mul3A_272, %mul3A_277 : vector<16xf32>
      %swap3A_279 = arith.index_cast %scan3A_21 : i32 to index
      %swap3A_280 = arith.constant 240 : index
      %swap3A_281 = tpu.vector_load %arg10[%swap3A_279, %swap3A_280] {strides = array<i32>} : memref<64x768xf32, #tpu.memory_space<vmem>>, vector<1x16xf32>,
      %swap3A_282 = vector.shape_cast %swap3A_281 : vector<1x16xf32> to vector<16xf32>
      %swap3A_283 = vector.shape_cast %add3A_278 : vector<16xf32> to vector<1x16xf32>
      tpu.vector_store %arg10[%swap3A_279, %swap3A_280], %swap3A_283 {strides = array<i32>} : memref<64x768xf32, #tpu.memory_space<vmem>>, vector<1x16xf32>,
      %get3A_284 = arith.index_cast %scan3A_21 : i32 to index
      %get3A_285 = arith.constant 256 : index
      %get3A_286 = tpu.vector_load %arg10[%get3A_284, %get3A_285] {strides = array<i32>} : memref<64x768xf32, #tpu.memory_space<vmem>>, vector<1x16xf32>,
      %get3A_287 = vector.shape_cast %get3A_286 : vector<1x16xf32> to vector<16xf32>
      %mul3A_288 = arith.mulf %get3A_24, %get3A_287 : vector<16xf32>
      %get3A_289 = arith.index_cast %scan3A_21 : i32 to index
      %get3A_290 = arith.constant 256 : index
      %get3A_291 = tpu.vector_load %arg11[%get3A_289, %get3A_290] {strides = array<i32>} : memref<64x768xf32, #tpu.memory_space<vmem>>, vector<1x16xf32>,
      %get3A_292 = vector.shape_cast %get3A_291 : vector<1x16xf32> to vector<16xf32>
      %mul3A_293 = arith.mulf %get3A_28, %get3A_292 : vector<16xf32>
      %add3A_294 = arith.addf %mul3A_288, %mul3A_293 : vector<16xf32>
      %swap3A_295 = arith.index_cast %scan3A_21 : i32 to index
      %swap3A_296 = arith.constant 256 : index
      %swap3A_297 = tpu.vector_load %arg10[%swap3A_295, %swap3A_296] {strides = array<i32>} : memref<64x768xf32, #tpu.memory_space<vmem>>, vector<1x16xf32>,
      %swap3A_298 = vector.shape_cast %swap3A_297 : vector<1x16xf32> to vector<16xf32>
      %swap3A_299 = vector.shape_cast %add3A_294 : vector<16xf32> to vector<1x16xf32>
      tpu.vector_store %arg10[%swap3A_295, %swap3A_296], %swap3A_299 {strides = array<i32>} : memref<64x768xf32, #tpu.memory_space<vmem>>, vector<1x16xf32>,
      %get3A_300 = arith.index_cast %scan3A_21 : i32 to index
      %get3A_301 = arith.constant 272 : index
      %get3A_302 = tpu.vector_load %arg10[%get3A_300, %get3A_301] {strides = array<i32>} : memref<64x768xf32, #tpu.memory_space<vmem>>, vector<1x16xf32>,
      %get3A_303 = vector.shape_cast %get3A_302 : vector<1x16xf32> to vector<16xf32>
      %mul3A_304 = arith.mulf %get3A_24, %get3A_303 : vector<16xf32>
      %get3A_305 = arith.index_cast %scan3A_21 : i32 to index
      %get3A_306 = arith.constant 272 : index
      %get3A_307 = tpu.vector_load %arg11[%get3A_305, %get3A_306] {strides = array<i32>} : memref<64x768xf32, #tpu.memory_space<vmem>>, vector<1x16xf32>,
      %get3A_308 = vector.shape_cast %get3A_307 : vector<1x16xf32> to vector<16xf32>
      %mul3A_309 = arith.mulf %get3A_28, %get3A_308 : vector<16xf32>
      %add3A_310 = arith.addf %mul3A_304, %mul3A_309 : vector<16xf32>
      %swap3A_311 = arith.index_cast %scan3A_21 : i32 to index
      %swap3A_312 = arith.constant 272 : index
      %swap3A_313 = tpu.vector_load %arg10[%swap3A_311, %swap3A_312] {strides = array<i32>} : memref<64x768xf32, #tpu.memory_space<vmem>>, vector<1x16xf32>,
      %swap3A_314 = vector.shape_cast %swap3A_313 : vector<1x16xf32> to vector<16xf32>
      %swap3A_315 = vector.shape_cast %add3A_310 : vector<16xf32> to vector<1x16xf32>
      tpu.vector_store %arg10[%swap3A_311, %swap3A_312], %swap3A_315 {strides = array<i32>} : memref<64x768xf32, #tpu.memory_space<vmem>>, vector<1x16xf32>,
      %get3A_316 = arith.index_cast %scan3A_21 : i32 to index
      %get3A_317 = arith.constant 288 : index
      %get3A_318 = tpu.vector_load %arg10[%get3A_316, %get3A_317] {strides = array<i32>} : memref<64x768xf32, #tpu.memory_space<vmem>>, vector<1x16xf32>,
      %get3A_319 = vector.shape_cast %get3A_318 : vector<1x16xf32> to vector<16xf32>
      %mul3A_320 = arith.mulf %get3A_24, %get3A_319 : vector<16xf32>
      %get3A_321 = arith.index_cast %scan3A_21 : i32 to index
      %get3A_322 = arith.constant 288 : index
      %get3A_323 = tpu.vector_load %arg11[%get3A_321, %get3A_322] {strides = array<i32>} : memref<64x768xf32, #tpu.memory_space<vmem>>, vector<1x16xf32>,
      %get3A_324 = vector.shape_cast %get3A_323 : vector<1x16xf32> to vector<16xf32>
      %mul3A_325 = arith.mulf %get3A_28, %get3A_324 : vector<16xf32>
      %add3A_326 = arith.addf %mul3A_320, %mul3A_325 : vector<16xf32>
      %swap3A_327 = arith.index_cast %scan3A_21 : i32 to index
      %swap3A_328 = arith.constant 288 : index
      %swap3A_329 = tpu.vector_load %arg10[%swap3A_327, %swap3A_328] {strides = array<i32>} : memref<64x768xf32, #tpu.memory_space<vmem>>, vector<1x16xf32>,
      %swap3A_330 = vector.shape_cast %swap3A_329 : vector<1x16xf32> to vector<16xf32>
      %swap3A_331 = vector.shape_cast %add3A_326 : vector<16xf32> to vector<1x16xf32>
      tpu.vector_store %arg10[%swap3A_327, %swap3A_328], %swap3A_331 {strides = array<i32>} : memref<64x768xf32, #tpu.memory_space<vmem>>, vector<1x16xf32>,
      %get3A_332 = arith.index_cast %scan3A_21 : i32 to index
      %get3A_333 = arith.constant 304 : index
      %get3A_334 = tpu.vector_load %arg10[%get3A_332, %get3A_333] {strides = array<i32>} : memref<64x768xf32, #tpu.memory_space<vmem>>, vector<1x16xf32>,
      %get3A_335 = vector.shape_cast %get3A_334 : vector<1x16xf32> to vector<16xf32>
      %mul3A_336 = arith.mulf %get3A_24, %get3A_335 : vector<16xf32>
      %get3A_337 = arith.index_cast %scan3A_21 : i32 to index
      %get3A_338 = arith.constant 304 : index
      %get3A_339 = tpu.vector_load %arg11[%get3A_337, %get3A_338] {strides = array<i32>} : memref<64x768xf32, #tpu.memory_space<vmem>>, vector<1x16xf32>,
      %get3A_340 = vector.shape_cast %get3A_339 : vector<1x16xf32> to vector<16xf32>
      %mul3A_341 = arith.mulf %get3A_28, %get3A_340 : vector<16xf32>
      %add3A_342 = arith.addf %mul3A_336, %mul3A_341 : vector<16xf32>
      %swap3A_343 = arith.index_cast %scan3A_21 : i32 to index
      %swap3A_344 = arith.constant 304 : index
      %swap3A_345 = tpu.vector_load %arg10[%swap3A_343, %swap3A_344] {strides = array<i32>} : memref<64x768xf32, #tpu.memory_space<vmem>>, vector<1x16xf32>,
      %swap3A_346 = vector.shape_cast %swap3A_345 : vector<1x16xf32> to vector<16xf32>
      %swap3A_347 = vector.shape_cast %add3A_342 : vector<16xf32> to vector<1x16xf32>
      tpu.vector_store %arg10[%swap3A_343, %swap3A_344], %swap3A_347 {strides = array<i32>} : memref<64x768xf32, #tpu.memory_space<vmem>>, vector<1x16xf32>,
      %get3A_348 = arith.index_cast %scan3A_21 : i32 to index
      %get3A_349 = arith.constant 320 : index
      %get3A_350 = tpu.vector_load %arg10[%get3A_348, %get3A_349] {strides = array<i32>} : memref<64x768xf32, #tpu.memory_space<vmem>>, vector<1x16xf32>,
      %get3A_351 = vector.shape_cast %get3A_350 : vector<1x16xf32> to vector<16xf32>
      %mul3A_352 = arith.mulf %get3A_24, %get3A_351 : vector<16xf32>
      %get3A_353 = arith.index_cast %scan3A_21 : i32 to index
      %get3A_354 = arith.constant 320 : index
      %get3A_355 = tpu.vector_load %arg11[%get3A_353, %get3A_354] {strides = array<i32>} : memref<64x768xf32, #tpu.memory_space<vmem>>, vector<1x16xf32>,
      %get3A_356 = vector.shape_cast %get3A_355 : vector<1x16xf32> to vector<16xf32>
      %mul3A_357 = arith.mulf %get3A_28, %get3A_356 : vector<16xf32>
      %add3A_358 = arith.addf %mul3A_352, %mul3A_357 : vector<16xf32>
      %swap3A_359 = arith.index_cast %scan3A_21 : i32 to index
      %swap3A_360 = arith.constant 320 : index
      %swap3A_361 = tpu.vector_load %arg10[%swap3A_359, %swap3A_360] {strides = array<i32>} : memref<64x768xf32, #tpu.memory_space<vmem>>, vector<1x16xf32>,
      %swap3A_362 = vector.shape_cast %swap3A_361 : vector<1x16xf32> to vector<16xf32>
      %swap3A_363 = vector.shape_cast %add3A_358 : vector<16xf32> to vector<1x16xf32>
      tpu.vector_store %arg10[%swap3A_359, %swap3A_360], %swap3A_363 {strides = array<i32>} : memref<64x768xf32, #tpu.memory_space<vmem>>, vector<1x16xf32>,
      %get3A_364 = arith.index_cast %scan3A_21 : i32 to index
      %get3A_365 = arith.constant 336 : index
      %get3A_366 = tpu.vector_load %arg10[%get3A_364, %get3A_365] {strides = array<i32>} : memref<64x768xf32, #tpu.memory_space<vmem>>, vector<1x16xf32>,
      %get3A_367 = vector.shape_cast %get3A_366 : vector<1x16xf32> to vector<16xf32>
      %mul3A_368 = arith.mulf %get3A_24, %get3A_367 : vector<16xf32>
      %get3A_369 = arith.index_cast %scan3A_21 : i32 to index
      %get3A_370 = arith.constant 336 : index
      %get3A_371 = tpu.vector_load %arg11[%get3A_369, %get3A_370] {strides = array<i32>} : memref<64x768xf32, #tpu.memory_space<vmem>>, vector<1x16xf32>,
      %get3A_372 = vector.shape_cast %get3A_371 : vector<1x16xf32> to vector<16xf32>
      %mul3A_373 = arith.mulf %get3A_28, %get3A_372 : vector<16xf32>
      %add3A_374 = arith.addf %mul3A_368, %mul3A_373 : vector<16xf32>
      %swap3A_375 = arith.index_cast %scan3A_21 : i32 to index
      %swap3A_376 = arith.constant 336 : index
      %swap3A_377 = tpu.vector_load %arg10[%swap3A_375, %swap3A_376] {strides = array<i32>} : memref<64x768xf32, #tpu.memory_space<vmem>>, vector<1x16xf32>,
      %swap3A_378 = vector.shape_cast %swap3A_377 : vector<1x16xf32> to vector<16xf32>
      %swap3A_379 = vector.shape_cast %add3A_374 : vector<16xf32> to vector<1x16xf32>
      tpu.vector_store %arg10[%swap3A_375, %swap3A_376], %swap3A_379 {strides = array<i32>} : memref<64x768xf32, #tpu.memory_space<vmem>>, vector<1x16xf32>,
      %get3A_380 = arith.index_cast %scan3A_21 : i32 to index
      %get3A_381 = arith.constant 352 : index
      %get3A_382 = tpu.vector_load %arg10[%get3A_380, %get3A_381] {strides = array<i32>} : memref<64x768xf32, #tpu.memory_space<vmem>>, vector<1x16xf32>,
      %get3A_383 = vector.shape_cast %get3A_382 : vector<1x16xf32> to vector<16xf32>
      %mul3A_384 = arith.mulf %get3A_24, %get3A_383 : vector<16xf32>
      %get3A_385 = arith.index_cast %scan3A_21 : i32 to index
      %get3A_386 = arith.constant 352 : index
      %get3A_387 = tpu.vector_load %arg11[%get3A_385, %get3A_386] {strides = array<i32>} : memref<64x768xf32, #tpu.memory_space<vmem>>, vector<1x16xf32>,
      %get3A_388 = vector.shape_cast %get3A_387 : vector<1x16xf32> to vector<16xf32>
      %mul3A_389 = arith.mulf %get3A_28, %get3A_388 : vector<16xf32>
      %add3A_390 = arith.addf %mul3A_384, %mul3A_389 : vector<16xf32>
      %swap3A_391 = arith.index_cast %scan3A_21 : i32 to index
      %swap3A_392 = arith.constant 352 : index
      %swap3A_393 = tpu.vector_load %arg10[%swap3A_391, %swap3A_392] {strides = array<i32>} : memref<64x768xf32, #tpu.memory_space<vmem>>, vector<1x16xf32>,
      %swap3A_394 = vector.shape_cast %swap3A_393 : vector<1x16xf32> to vector<16xf32>
      %swap3A_395 = vector.shape_cast %add3A_390 : vector<16xf32> to vector<1x16xf32>
      tpu.vector_store %arg10[%swap3A_391, %swap3A_392], %swap3A_395 {strides = array<i32>} : memref<64x768xf32, #tpu.memory_space<vmem>>, vector<1x16xf32>,
      %get3A_396 = arith.index_cast %scan3A_21 : i32 to index
      %get3A_397 = arith.constant 368 : index
      %get3A_398 = tpu.vector_load %arg10[%get3A_396, %get3A_397] {strides = array<i32>} : memref<64x768xf32, #tpu.memory_space<vmem>>, vector<1x16xf32>,
      %get3A_399 = vector.shape_cast %get3A_398 : vector<1x16xf32> to vector<16xf32>
      %mul3A_400 = arith.mulf %get3A_24, %get3A_399 : vector<16xf32>
      %get3A_401 = arith.index_cast %scan3A_21 : i32 to index
      %get3A_402 = arith.constant 368 : index
      %get3A_403 = tpu.vector_load %arg11[%get3A_401, %get3A_402] {strides = array<i32>} : memref<64x768xf32, #tpu.memory_space<vmem>>, vector<1x16xf32>,
      %get3A_404 = vector.shape_cast %get3A_403 : vector<1x16xf32> to vector<16xf32>
      %mul3A_405 = arith.mulf %get3A_28, %get3A_404 : vector<16xf32>
      %add3A_406 = arith.addf %mul3A_400, %mul3A_405 : vector<16xf32>
      %swap3A_407 = arith.index_cast %scan3A_21 : i32 to index
      %swap3A_408 = arith.constant 368 : index
      %swap3A_409 = tpu.vector_load %arg10[%swap3A_407, %swap3A_408] {strides = array<i32>} : memref<64x768xf32, #tpu.memory_space<vmem>>, vector<1x16xf32>,
      %swap3A_410 = vector.shape_cast %swap3A_409 : vector<1x16xf32> to vector<16xf32>
      %swap3A_411 = vector.shape_cast %add3A_406 : vector<16xf32> to vector<1x16xf32>
      tpu.vector_store %arg10[%swap3A_407, %swap3A_408], %swap3A_411 {strides = array<i32>} : memref<64x768xf32, #tpu.memory_space<vmem>>, vector<1x16xf32>,
      %get3A_412 = arith.index_cast %scan3A_21 : i32 to index
      %get3A_413 = arith.constant 384 : index
      %get3A_414 = tpu.vector_load %arg10[%get3A_412, %get3A_413] {strides = array<i32>} : memref<64x768xf32, #tpu.memory_space<vmem>>, vector<1x16xf32>,
      %get3A_415 = vector.shape_cast %get3A_414 : vector<1x16xf32> to vector<16xf32>
      %mul3A_416 = arith.mulf %get3A_24, %get3A_415 : vector<16xf32>
      %get3A_417 = arith.index_cast %scan3A_21 : i32 to index
      %get3A_418 = arith.constant 384 : index
      %get3A_419 = tpu.vector_load %arg11[%get3A_417, %get3A_418] {strides = array<i32>} : memref<64x768xf32, #tpu.memory_space<vmem>>, vector<1x16xf32>,
      %get3A_420 = vector.shape_cast %get3A_419 : vector<1x16xf32> to vector<16xf32>
      %mul3A_421 = arith.mulf %get3A_28, %get3A_420 : vector<16xf32>
      %add3A_422 = arith.addf %mul3A_416, %mul3A_421 : vector<16xf32>
      %swap3A_423 = arith.index_cast %scan3A_21 : i32 to index
      %swap3A_424 = arith.constant 384 : index
      %swap3A_425 = tpu.vector_load %arg10[%swap3A_423, %swap3A_424] {strides = array<i32>} : memref<64x768xf32, #tpu.memory_space<vmem>>, vector<1x16xf32>,
      %swap3A_426 = vector.shape_cast %swap3A_425 : vector<1x16xf32> to vector<16xf32>
      %swap3A_427 = vector.shape_cast %add3A_422 : vector<16xf32> to vector<1x16xf32>
      tpu.vector_store %arg10[%swap3A_423, %swap3A_424], %swap3A_427 {strides = array<i32>} : memref<64x768xf32, #tpu.memory_space<vmem>>, vector<1x16xf32>,
      %get3A_428 = arith.index_cast %scan3A_21 : i32 to index
      %get3A_429 = arith.constant 400 : index
      %get3A_430 = tpu.vector_load %arg10[%get3A_428, %get3A_429] {strides = array<i32>} : memref<64x768xf32, #tpu.memory_space<vmem>>, vector<1x16xf32>,
      %get3A_431 = vector.shape_cast %get3A_430 : vector<1x16xf32> to vector<16xf32>
      %mul3A_432 = arith.mulf %get3A_24, %get3A_431 : vector<16xf32>
      %get3A_433 = arith.index_cast %scan3A_21 : i32 to index
      %get3A_434 = arith.constant 400 : index
      %get3A_435 = tpu.vector_load %arg11[%get3A_433, %get3A_434] {strides = array<i32>} : memref<64x768xf32, #tpu.memory_space<vmem>>, vector<1x16xf32>,
      %get3A_436 = vector.shape_cast %get3A_435 : vector<1x16xf32> to vector<16xf32>
      %mul3A_437 = arith.mulf %get3A_28, %get3A_436 : vector<16xf32>
      %add3A_438 = arith.addf %mul3A_432, %mul3A_437 : vector<16xf32>
      %swap3A_439 = arith.index_cast %scan3A_21 : i32 to index
      %swap3A_440 = arith.constant 400 : index
      %swap3A_441 = tpu.vector_load %arg10[%swap3A_439, %swap3A_440] {strides = array<i32>} : memref<64x768xf32, #tpu.memory_space<vmem>>, vector<1x16xf32>,
      %swap3A_442 = vector.shape_cast %swap3A_441 : vector<1x16xf32> to vector<16xf32>
      %swap3A_443 = vector.shape_cast %add3A_438 : vector<16xf32> to vector<1x16xf32>
      tpu.vector_store %arg10[%swap3A_439, %swap3A_440], %swap3A_443 {strides = array<i32>} : memref<64x768xf32, #tpu.memory_space<vmem>>, vector<1x16xf32>,
      %get3A_444 = arith.index_cast %scan3A_21 : i32 to index
      %get3A_445 = arith.constant 416 : index
      %get3A_446 = tpu.vector_load %arg10[%get3A_444, %get3A_445] {strides = array<i32>} : memref<64x768xf32, #tpu.memory_space<vmem>>, vector<1x16xf32>,
      %get3A_447 = vector.shape_cast %get3A_446 : vector<1x16xf32> to vector<16xf32>
      %mul3A_448 = arith.mulf %get3A_24, %get3A_447 : vector<16xf32>
      %get3A_449 = arith.index_cast %scan3A_21 : i32 to index
      %get3A_450 = arith.constant 416 : index
      %get3A_451 = tpu.vector_load %arg11[%get3A_449, %get3A_450] {strides = array<i32>} : memref<64x768xf32, #tpu.memory_space<vmem>>, vector<1x16xf32>,
      %get3A_452 = vector.shape_cast %get3A_451 : vector<1x16xf32> to vector<16xf32>
      %mul3A_453 = arith.mulf %get3A_28, %get3A_452 : vector<16xf32>
      %add3A_454 = arith.addf %mul3A_448, %mul3A_453 : vector<16xf32>
      %swap3A_455 = arith.index_cast %scan3A_21 : i32 to index
      %swap3A_456 = arith.constant 416 : index
      %swap3A_457 = tpu.vector_load %arg10[%swap3A_455, %swap3A_456] {strides = array<i32>} : memref<64x768xf32, #tpu.memory_space<vmem>>, vector<1x16xf32>,
      %swap3A_458 = vector.shape_cast %swap3A_457 : vector<1x16xf32> to vector<16xf32>
      %swap3A_459 = vector.shape_cast %add3A_454 : vector<16xf32> to vector<1x16xf32>
      tpu.vector_store %arg10[%swap3A_455, %swap3A_456], %swap3A_459 {strides = array<i32>} : memref<64x768xf32, #tpu.memory_space<vmem>>, vector<1x16xf32>,
      %get3A_460 = arith.index_cast %scan3A_21 : i32 to index
      %get3A_461 = arith.constant 432 : index
      %get3A_462 = tpu.vector_load %arg10[%get3A_460, %get3A_461] {strides = array<i32>} : memref<64x768xf32, #tpu.memory_space<vmem>>, vector<1x16xf32>,
      %get3A_463 = vector.shape_cast %get3A_462 : vector<1x16xf32> to vector<16xf32>
      %mul3A_464 = arith.mulf %get3A_24, %get3A_463 : vector<16xf32>
      %get3A_465 = arith.index_cast %scan3A_21 : i32 to index
      %get3A_466 = arith.constant 432 : index
      %get3A_467 = tpu.vector_load %arg11[%get3A_465, %get3A_466] {strides = array<i32>} : memref<64x768xf32, #tpu.memory_space<vmem>>, vector<1x16xf32>,
      %get3A_468 = vector.shape_cast %get3A_467 : vector<1x16xf32> to vector<16xf32>
      %mul3A_469 = arith.mulf %get3A_28, %get3A_468 : vector<16xf32>
      %add3A_470 = arith.addf %mul3A_464, %mul3A_469 : vector<16xf32>
      %swap3A_471 = arith.index_cast %scan3A_21 : i32 to index
      %swap3A_472 = arith.constant 432 : index
      %swap3A_473 = tpu.vector_load %arg10[%swap3A_471, %swap3A_472] {strides = array<i32>} : memref<64x768xf32, #tpu.memory_space<vmem>>, vector<1x16xf32>,
      %swap3A_474 = vector.shape_cast %swap3A_473 : vector<1x16xf32> to vector<16xf32>
      %swap3A_475 = vector.shape_cast %add3A_470 : vector<16xf32> to vector<1x16xf32>
      tpu.vector_store %arg10[%swap3A_471, %swap3A_472], %swap3A_475 {strides = array<i32>} : memref<64x768xf32, #tpu.memory_space<vmem>>, vector<1x16xf32>,
      %get3A_476 = arith.index_cast %scan3A_21 : i32 to index
      %get3A_477 = arith.constant 448 : index
      %get3A_478 = tpu.vector_load %arg10[%get3A_476, %get3A_477] {strides = array<i32>} : memref<64x768xf32, #tpu.memory_space<vmem>>, vector<1x16xf32>,
      %get3A_479 = vector.shape_cast %get3A_478 : vector<1x16xf32> to vector<16xf32>
      %mul3A_480 = arith.mulf %get3A_24, %get3A_479 : vector<16xf32>
      %get3A_481 = arith.index_cast %scan3A_21 : i32 to index
      %get3A_482 = arith.constant 448 : index
      %get3A_483 = tpu.vector_load %arg11[%get3A_481, %get3A_482] {strides = array<i32>} : memref<64x768xf32, #tpu.memory_space<vmem>>, vector<1x16xf32>,
      %get3A_484 = vector.shape_cast %get3A_483 : vector<1x16xf32> to vector<16xf32>
      %mul3A_485 = arith.mulf %get3A_28, %get3A_484 : vector<16xf32>
      %add3A_486 = arith.addf %mul3A_480, %mul3A_485 : vector<16xf32>
      %swap3A_487 = arith.index_cast %scan3A_21 : i32 to index
      %swap3A_488 = arith.constant 448 : index
      %swap3A_489 = tpu.vector_load %arg10[%swap3A_487, %swap3A_488] {strides = array<i32>} : memref<64x768xf32, #tpu.memory_space<vmem>>, vector<1x16xf32>,
      %swap3A_490 = vector.shape_cast %swap3A_489 : vector<1x16xf32> to vector<16xf32>
      %swap3A_491 = vector.shape_cast %add3A_486 : vector<16xf32> to vector<1x16xf32>
      tpu.vector_store %arg10[%swap3A_487, %swap3A_488], %swap3A_491 {strides = array<i32>} : memref<64x768xf32, #tpu.memory_space<vmem>>, vector<1x16xf32>,
      %get3A_492 = arith.index_cast %scan3A_21 : i32 to index
      %get3A_493 = arith.constant 464 : index
      %get3A_494 = tpu.vector_load %arg10[%get3A_492, %get3A_493] {strides = array<i32>} : memref<64x768xf32, #tpu.memory_space<vmem>>, vector<1x16xf32>,
      %get3A_495 = vector.shape_cast %get3A_494 : vector<1x16xf32> to vector<16xf32>
      %mul3A_496 = arith.mulf %get3A_24, %get3A_495 : vector<16xf32>
      %get3A_497 = arith.index_cast %scan3A_21 : i32 to index
      %get3A_498 = arith.constant 464 : index
      %get3A_499 = tpu.vector_load %arg11[%get3A_497, %get3A_498] {strides = array<i32>} : memref<64x768xf32, #tpu.memory_space<vmem>>, vector<1x16xf32>,
      %get3A_500 = vector.shape_cast %get3A_499 : vector<1x16xf32> to vector<16xf32>
      %mul3A_501 = arith.mulf %get3A_28, %get3A_500 : vector<16xf32>
      %add3A_502 = arith.addf %mul3A_496, %mul3A_501 : vector<16xf32>
      %swap3A_503 = arith.index_cast %scan3A_21 : i32 to index
      %swap3A_504 = arith.constant 464 : index
      %swap3A_505 = tpu.vector_load %arg10[%swap3A_503, %swap3A_504] {strides = array<i32>} : memref<64x768xf32, #tpu.memory_space<vmem>>, vector<1x16xf32>,
      %swap3A_506 = vector.shape_cast %swap3A_505 : vector<1x16xf32> to vector<16xf32>
      %swap3A_507 = vector.shape_cast %add3A_502 : vector<16xf32> to vector<1x16xf32>
      tpu.vector_store %arg10[%swap3A_503, %swap3A_504], %swap3A_507 {strides = array<i32>} : memref<64x768xf32, #tpu.memory_space<vmem>>, vector<1x16xf32>,
      %get3A_508 = arith.index_cast %scan3A_21 : i32 to index
      %get3A_509 = arith.constant 480 : index
      %get3A_510 = tpu.vector_load %arg10[%get3A_508, %get3A_509] {strides = array<i32>} : memref<64x768xf32, #tpu.memory_space<vmem>>, vector<1x16xf32>,
      %get3A_511 = vector.shape_cast %get3A_510 : vector<1x16xf32> to vector<16xf32>
      %mul3A_512 = arith.mulf %get3A_24, %get3A_511 : vector<16xf32>
      %get3A_513 = arith.index_cast %scan3A_21 : i32 to index
      %get3A_514 = arith.constant 480 : index
      %get3A_515 = tpu.vector_load %arg11[%get3A_513, %get3A_514] {strides = array<i32>} : memref<64x768xf32, #tpu.memory_space<vmem>>, vector<1x16xf32>,
      %get3A_516 = vector.shape_cast %get3A_515 : vector<1x16xf32> to vector<16xf32>
      %mul3A_517 = arith.mulf %get3A_28, %get3A_516 : vector<16xf32>
      %add3A_518 = arith.addf %mul3A_512, %mul3A_517 : vector<16xf32>
      %swap3A_519 = arith.index_cast %scan3A_21 : i32 to index
      %swap3A_520 = arith.constant 480 : index
      %swap3A_521 = tpu.vector_load %arg10[%swap3A_519, %swap3A_520] {strides = array<i32>} : memref<64x768xf32, #tpu.memory_space<vmem>>, vector<1x16xf32>,
      %swap3A_522 = vector.shape_cast %swap3A_521 : vector<1x16xf32> to vector<16xf32>
      %swap3A_523 = vector.shape_cast %add3A_518 : vector<16xf32> to vector<1x16xf32>
      tpu.vector_store %arg10[%swap3A_519, %swap3A_520], %swap3A_523 {strides = array<i32>} : memref<64x768xf32, #tpu.memory_space<vmem>>, vector<1x16xf32>,
      %get3A_524 = arith.index_cast %scan3A_21 : i32 to index
      %get3A_525 = arith.constant 496 : index
      %get3A_526 = tpu.vector_load %arg10[%get3A_524, %get3A_525] {strides = array<i32>} : memref<64x768xf32, #tpu.memory_space<vmem>>, vector<1x16xf32>,
      %get3A_527 = vector.shape_cast %get3A_526 : vector<1x16xf32> to vector<16xf32>
      %mul3A_528 = arith.mulf %get3A_24, %get3A_527 : vector<16xf32>
      %get3A_529 = arith.index_cast %scan3A_21 : i32 to index
      %get3A_530 = arith.constant 496 : index
      %get3A_531 = tpu.vector_load %arg11[%get3A_529, %get3A_530] {strides = array<i32>} : memref<64x768xf32, #tpu.memory_space<vmem>>, vector<1x16xf32>,
      %get3A_532 = vector.shape_cast %get3A_531 : vector<1x16xf32> to vector<16xf32>
      %mul3A_533 = arith.mulf %get3A_28, %get3A_532 : vector<16xf32>
      %add3A_534 = arith.addf %mul3A_528, %mul3A_533 : vector<16xf32>
      %swap3A_535 = arith.index_cast %scan3A_21 : i32 to index
      %swap3A_536 = arith.constant 496 : index
      %swap3A_537 = tpu.vector_load %arg10[%swap3A_535, %swap3A_536] {strides = array<i32>} : memref<64x768xf32, #tpu.memory_space<vmem>>, vector<1x16xf32>,
      %swap3A_538 = vector.shape_cast %swap3A_537 : vector<1x16xf32> to vector<16xf32>
      %swap3A_539 = vector.shape_cast %add3A_534 : vector<16xf32> to vector<1x16xf32>
      tpu.vector_store %arg10[%swap3A_535, %swap3A_536], %swap3A_539 {strides = array<i32>} : memref<64x768xf32, #tpu.memory_space<vmem>>, vector<1x16xf32>,
      %get3A_540 = arith.index_cast %scan3A_21 : i32 to index
      %get3A_541 = arith.constant 512 : index
      %get3A_542 = tpu.vector_load %arg10[%get3A_540, %get3A_541] {strides = array<i32>} : memref<64x768xf32, #tpu.memory_space<vmem>>, vector<1x16xf32>,
      %get3A_543 = vector.shape_cast %get3A_542 : vector<1x16xf32> to vector<16xf32>
      %mul3A_544 = arith.mulf %get3A_24, %get3A_543 : vector<16xf32>
      %get3A_545 = arith.index_cast %scan3A_21 : i32 to index
      %get3A_546 = arith.constant 512 : index
      %get3A_547 = tpu.vector_load %arg11[%get3A_545, %get3A_546] {strides = array<i32>} : memref<64x768xf32, #tpu.memory_space<vmem>>, vector<1x16xf32>,
      %get3A_548 = vector.shape_cast %get3A_547 : vector<1x16xf32> to vector<16xf32>
      %mul3A_549 = arith.mulf %get3A_28, %get3A_548 : vector<16xf32>
      %add3A_550 = arith.addf %mul3A_544, %mul3A_549 : vector<16xf32>
      %swap3A_551 = arith.index_cast %scan3A_21 : i32 to index
      %swap3A_552 = arith.constant 512 : index
      %swap3A_553 = tpu.vector_load %arg10[%swap3A_551, %swap3A_552] {strides = array<i32>} : memref<64x768xf32, #tpu.memory_space<vmem>>, vector<1x16xf32>,
      %swap3A_554 = vector.shape_cast %swap3A_553 : vector<1x16xf32> to vector<16xf32>
      %swap3A_555 = vector.shape_cast %add3A_550 : vector<16xf32> to vector<1x16xf32>
      tpu.vector_store %arg10[%swap3A_551, %swap3A_552], %swap3A_555 {strides = array<i32>} : memref<64x768xf32, #tpu.memory_space<vmem>>, vector<1x16xf32>,
      %get3A_556 = arith.index_cast %scan3A_21 : i32 to index
      %get3A_557 = arith.constant 528 : index
      %get3A_558 = tpu.vector_load %arg10[%get3A_556, %get3A_557] {strides = array<i32>} : memref<64x768xf32, #tpu.memory_space<vmem>>, vector<1x16xf32>,
      %get3A_559 = vector.shape_cast %get3A_558 : vector<1x16xf32> to vector<16xf32>
      %mul3A_560 = arith.mulf %get3A_24, %get3A_559 : vector<16xf32>
      %get3A_561 = arith.index_cast %scan3A_21 : i32 to index
      %get3A_562 = arith.constant 528 : index
      %get3A_563 = tpu.vector_load %arg11[%get3A_561, %get3A_562] {strides = array<i32>} : memref<64x768xf32, #tpu.memory_space<vmem>>, vector<1x16xf32>,
      %get3A_564 = vector.shape_cast %get3A_563 : vector<1x16xf32> to vector<16xf32>
      %mul3A_565 = arith.mulf %get3A_28, %get3A_564 : vector<16xf32>
      %add3A_566 = arith.addf %mul3A_560, %mul3A_565 : vector<16xf32>
      %swap3A_567 = arith.index_cast %scan3A_21 : i32 to index
      %swap3A_568 = arith.constant 528 : index
      %swap3A_569 = tpu.vector_load %arg10[%swap3A_567, %swap3A_568] {strides = array<i32>} : memref<64x768xf32, #tpu.memory_space<vmem>>, vector<1x16xf32>,
      %swap3A_570 = vector.shape_cast %swap3A_569 : vector<1x16xf32> to vector<16xf32>
      %swap3A_571 = vector.shape_cast %add3A_566 : vector<16xf32> to vector<1x16xf32>
      tpu.vector_store %arg10[%swap3A_567, %swap3A_568], %swap3A_571 {strides = array<i32>} : memref<64x768xf32, #tpu.memory_space<vmem>>, vector<1x16xf32>,
      %get3A_572 = arith.index_cast %scan3A_21 : i32 to index
      %get3A_573 = arith.constant 544 : index
      %get3A_574 = tpu.vector_load %arg10[%get3A_572, %get3A_573] {strides = array<i32>} : memref<64x768xf32, #tpu.memory_space<vmem>>, vector<1x16xf32>,
      %get3A_575 = vector.shape_cast %get3A_574 : vector<1x16xf32> to vector<16xf32>
      %mul3A_576 = arith.mulf %get3A_24, %get3A_575 : vector<16xf32>
      %get3A_577 = arith.index_cast %scan3A_21 : i32 to index
      %get3A_578 = arith.constant 544 : index
      %get3A_579 = tpu.vector_load %arg11[%get3A_577, %get3A_578] {strides = array<i32>} : memref<64x768xf32, #tpu.memory_space<vmem>>, vector<1x16xf32>,
      %get3A_580 = vector.shape_cast %get3A_579 : vector<1x16xf32> to vector<16xf32>
      %mul3A_581 = arith.mulf %get3A_28, %get3A_580 : vector<16xf32>
      %add3A_582 = arith.addf %mul3A_576, %mul3A_581 : vector<16xf32>
      %swap3A_583 = arith.index_cast %scan3A_21 : i32 to index
      %swap3A_584 = arith.constant 544 : index
      %swap3A_585 = tpu.vector_load %arg10[%swap3A_583, %swap3A_584] {strides = array<i32>} : memref<64x768xf32, #tpu.memory_space<vmem>>, vector<1x16xf32>,
      %swap3A_586 = vector.shape_cast %swap3A_585 : vector<1x16xf32> to vector<16xf32>
      %swap3A_587 = vector.shape_cast %add3A_582 : vector<16xf32> to vector<1x16xf32>
      tpu.vector_store %arg10[%swap3A_583, %swap3A_584], %swap3A_587 {strides = array<i32>} : memref<64x768xf32, #tpu.memory_space<vmem>>, vector<1x16xf32>,
      %get3A_588 = arith.index_cast %scan3A_21 : i32 to index
      %get3A_589 = arith.constant 560 : index
      %get3A_590 = tpu.vector_load %arg10[%get3A_588, %get3A_589] {strides = array<i32>} : memref<64x768xf32, #tpu.memory_space<vmem>>, vector<1x16xf32>,
      %get3A_591 = vector.shape_cast %get3A_590 : vector<1x16xf32> to vector<16xf32>
      %mul3A_592 = arith.mulf %get3A_24, %get3A_591 : vector<16xf32>
      %get3A_593 = arith.index_cast %scan3A_21 : i32 to index
      %get3A_594 = arith.constant 560 : index
      %get3A_595 = tpu.vector_load %arg11[%get3A_593, %get3A_594] {strides = array<i32>} : memref<64x768xf32, #tpu.memory_space<vmem>>, vector<1x16xf32>,
      %get3A_596 = vector.shape_cast %get3A_595 : vector<1x16xf32> to vector<16xf32>
      %mul3A_597 = arith.mulf %get3A_28, %get3A_596 : vector<16xf32>
      %add3A_598 = arith.addf %mul3A_592, %mul3A_597 : vector<16xf32>
      %swap3A_599 = arith.index_cast %scan3A_21 : i32 to index
      %swap3A_600 = arith.constant 560 : index
      %swap3A_601 = tpu.vector_load %arg10[%swap3A_599, %swap3A_600] {strides = array<i32>} : memref<64x768xf32, #tpu.memory_space<vmem>>, vector<1x16xf32>,
      %swap3A_602 = vector.shape_cast %swap3A_601 : vector<1x16xf32> to vector<16xf32>
      %swap3A_603 = vector.shape_cast %add3A_598 : vector<16xf32> to vector<1x16xf32>
      tpu.vector_store %arg10[%swap3A_599, %swap3A_600], %swap3A_603 {strides = array<i32>} : memref<64x768xf32, #tpu.memory_space<vmem>>, vector<1x16xf32>,
      %get3A_604 = arith.index_cast %scan3A_21 : i32 to index
      %get3A_605 = arith.constant 576 : index
      %get3A_606 = tpu.vector_load %arg10[%get3A_604, %get3A_605] {strides = array<i32>} : memref<64x768xf32, #tpu.memory_space<vmem>>, vector<1x16xf32>,
      %get3A_607 = vector.shape_cast %get3A_606 : vector<1x16xf32> to vector<16xf32>
      %mul3A_608 = arith.mulf %get3A_24, %get3A_607 : vector<16xf32>
      %get3A_609 = arith.index_cast %scan3A_21 : i32 to index
      %get3A_610 = arith.constant 576 : index
      %get3A_611 = tpu.vector_load %arg11[%get3A_609, %get3A_610] {strides = array<i32>} : memref<64x768xf32, #tpu.memory_space<vmem>>, vector<1x16xf32>,
      %get3A_612 = vector.shape_cast %get3A_611 : vector<1x16xf32> to vector<16xf32>
      %mul3A_613 = arith.mulf %get3A_28, %get3A_612 : vector<16xf32>
      %add3A_614 = arith.addf %mul3A_608, %mul3A_613 : vector<16xf32>
      %swap3A_615 = arith.index_cast %scan3A_21 : i32 to index
      %swap3A_616 = arith.constant 576 : index
      %swap3A_617 = tpu.vector_load %arg10[%swap3A_615, %swap3A_616] {strides = array<i32>} : memref<64x768xf32, #tpu.memory_space<vmem>>, vector<1x16xf32>,
      %swap3A_618 = vector.shape_cast %swap3A_617 : vector<1x16xf32> to vector<16xf32>
      %swap3A_619 = vector.shape_cast %add3A_614 : vector<16xf32> to vector<1x16xf32>
      tpu.vector_store %arg10[%swap3A_615, %swap3A_616], %swap3A_619 {strides = array<i32>} : memref<64x768xf32, #tpu.memory_space<vmem>>, vector<1x16xf32>,
      %get3A_620 = arith.index_cast %scan3A_21 : i32 to index
      %get3A_621 = arith.constant 592 : index
      %get3A_622 = tpu.vector_load %arg10[%get3A_620, %get3A_621] {strides = array<i32>} : memref<64x768xf32, #tpu.memory_space<vmem>>, vector<1x16xf32>,
      %get3A_623 = vector.shape_cast %get3A_622 : vector<1x16xf32> to vector<16xf32>
      %mul3A_624 = arith.mulf %get3A_24, %get3A_623 : vector<16xf32>
      %get3A_625 = arith.index_cast %scan3A_21 : i32 to index
      %get3A_626 = arith.constant 592 : index
      %get3A_627 = tpu.vector_load %arg11[%get3A_625, %get3A_626] {strides = array<i32>} : memref<64x768xf32, #tpu.memory_space<vmem>>, vector<1x16xf32>,
      %get3A_628 = vector.shape_cast %get3A_627 : vector<1x16xf32> to vector<16xf32>
      %mul3A_629 = arith.mulf %get3A_28, %get3A_628 : vector<16xf32>
      %add3A_630 = arith.addf %mul3A_624, %mul3A_629 : vector<16xf32>
      %swap3A_631 = arith.index_cast %scan3A_21 : i32 to index
      %swap3A_632 = arith.constant 592 : index
      %swap3A_633 = tpu.vector_load %arg10[%swap3A_631, %swap3A_632] {strides = array<i32>} : memref<64x768xf32, #tpu.memory_space<vmem>>, vector<1x16xf32>,
      %swap3A_634 = vector.shape_cast %swap3A_633 : vector<1x16xf32> to vector<16xf32>
      %swap3A_635 = vector.shape_cast %add3A_630 : vector<16xf32> to vector<1x16xf32>
      tpu.vector_store %arg10[%swap3A_631, %swap3A_632], %swap3A_635 {strides = array<i32>} : memref<64x768xf32, #tpu.memory_space<vmem>>, vector<1x16xf32>,
      %get3A_636 = arith.index_cast %scan3A_21 : i32 to index
      %get3A_637 = arith.constant 608 : index
      %get3A_638 = tpu.vector_load %arg10[%get3A_636, %get3A_637] {strides = array<i32>} : memref<64x768xf32, #tpu.memory_space<vmem>>, vector<1x16xf32>,
      %get3A_639 = vector.shape_cast %get3A_638 : vector<1x16xf32> to vector<16xf32>
      %mul3A_640 = arith.mulf %get3A_24, %get3A_639 : vector<16xf32>
      %get3A_641 = arith.index_cast %scan3A_21 : i32 to index
      %get3A_642 = arith.constant 608 : index
      %get3A_643 = tpu.vector_load %arg11[%get3A_641, %get3A_642] {strides = array<i32>} : memref<64x768xf32, #tpu.memory_space<vmem>>, vector<1x16xf32>,
      %get3A_644 = vector.shape_cast %get3A_643 : vector<1x16xf32> to vector<16xf32>
      %mul3A_645 = arith.mulf %get3A_28, %get3A_644 : vector<16xf32>
      %add3A_646 = arith.addf %mul3A_640, %mul3A_645 : vector<16xf32>
      %swap3A_647 = arith.index_cast %scan3A_21 : i32 to index
      %swap3A_648 = arith.constant 608 : index
      %swap3A_649 = tpu.vector_load %arg10[%swap3A_647, %swap3A_648] {strides = array<i32>} : memref<64x768xf32, #tpu.memory_space<vmem>>, vector<1x16xf32>,
      %swap3A_650 = vector.shape_cast %swap3A_649 : vector<1x16xf32> to vector<16xf32>
      %swap3A_651 = vector.shape_cast %add3A_646 : vector<16xf32> to vector<1x16xf32>
      tpu.vector_store %arg10[%swap3A_647, %swap3A_648], %swap3A_651 {strides = array<i32>} : memref<64x768xf32, #tpu.memory_space<vmem>>, vector<1x16xf32>,
      %get3A_652 = arith.index_cast %scan3A_21 : i32 to index
      %get3A_653 = arith.constant 624 : index
      %get3A_654 = tpu.vector_load %arg10[%get3A_652, %get3A_653] {strides = array<i32>} : memref<64x768xf32, #tpu.memory_space<vmem>>, vector<1x16xf32>,
      %get3A_655 = vector.shape_cast %get3A_654 : vector<1x16xf32> to vector<16xf32>
      %mul3A_656 = arith.mulf %get3A_24, %get3A_655 : vector<16xf32>
      %get3A_657 = arith.index_cast %scan3A_21 : i32 to index
      %get3A_658 = arith.constant 624 : index
      %get3A_659 = tpu.vector_load %arg11[%get3A_657, %get3A_658] {strides = array<i32>} : memref<64x768xf32, #tpu.memory_space<vmem>>, vector<1x16xf32>,
      %get3A_660 = vector.shape_cast %get3A_659 : vector<1x16xf32> to vector<16xf32>
      %mul3A_661 = arith.mulf %get3A_28, %get3A_660 : vector<16xf32>
      %add3A_662 = arith.addf %mul3A_656, %mul3A_661 : vector<16xf32>
      %swap3A_663 = arith.index_cast %scan3A_21 : i32 to index
      %swap3A_664 = arith.constant 624 : index
      %swap3A_665 = tpu.vector_load %arg10[%swap3A_663, %swap3A_664] {strides = array<i32>} : memref<64x768xf32, #tpu.memory_space<vmem>>, vector<1x16xf32>,
      %swap3A_666 = vector.shape_cast %swap3A_665 : vector<1x16xf32> to vector<16xf32>
      %swap3A_667 = vector.shape_cast %add3A_662 : vector<16xf32> to vector<1x16xf32>
      tpu.vector_store %arg10[%swap3A_663, %swap3A_664], %swap3A_667 {strides = array<i32>} : memref<64x768xf32, #tpu.memory_space<vmem>>, vector<1x16xf32>,
      %get3A_668 = arith.index_cast %scan3A_21 : i32 to index
      %get3A_669 = arith.constant 640 : index
      %get3A_670 = tpu.vector_load %arg10[%get3A_668, %get3A_669] {strides = array<i32>} : memref<64x768xf32, #tpu.memory_space<vmem>>, vector<1x16xf32>,
      %get3A_671 = vector.shape_cast %get3A_670 : vector<1x16xf32> to vector<16xf32>
      %mul3A_672 = arith.mulf %get3A_24, %get3A_671 : vector<16xf32>
      %get3A_673 = arith.index_cast %scan3A_21 : i32 to index
      %get3A_674 = arith.constant 640 : index
      %get3A_675 = tpu.vector_load %arg11[%get3A_673, %get3A_674] {strides = array<i32>} : memref<64x768xf32, #tpu.memory_space<vmem>>, vector<1x16xf32>,
      %get3A_676 = vector.shape_cast %get3A_675 : vector<1x16xf32> to vector<16xf32>
      %mul3A_677 = arith.mulf %get3A_28, %get3A_676 : vector<16xf32>
      %add3A_678 = arith.addf %mul3A_672, %mul3A_677 : vector<16xf32>
      %swap3A_679 = arith.index_cast %scan3A_21 : i32 to index
      %swap3A_680 = arith.constant 640 : index
      %swap3A_681 = tpu.vector_load %arg10[%swap3A_679, %swap3A_680] {strides = array<i32>} : memref<64x768xf32, #tpu.memory_space<vmem>>, vector<1x16xf32>,
      %swap3A_682 = vector.shape_cast %swap3A_681 : vector<1x16xf32> to vector<16xf32>
      %swap3A_683 = vector.shape_cast %add3A_678 : vector<16xf32> to vector<1x16xf32>
      tpu.vector_store %arg10[%swap3A_679, %swap3A_680], %swap3A_683 {strides = array<i32>} : memref<64x768xf32, #tpu.memory_space<vmem>>, vector<1x16xf32>,
      %get3A_684 = arith.index_cast %scan3A_21 : i32 to index
      %get3A_685 = arith.constant 656 : index
      %get3A_686 = tpu.vector_load %arg10[%get3A_684, %get3A_685] {strides = array<i32>} : memref<64x768xf32, #tpu.memory_space<vmem>>, vector<1x16xf32>,
      %get3A_687 = vector.shape_cast %get3A_686 : vector<1x16xf32> to vector<16xf32>
      %mul3A_688 = arith.mulf %get3A_24, %get3A_687 : vector<16xf32>
      %get3A_689 = arith.index_cast %scan3A_21 : i32 to index
      %get3A_690 = arith.constant 656 : index
      %get3A_691 = tpu.vector_load %arg11[%get3A_689, %get3A_690] {strides = array<i32>} : memref<64x768xf32, #tpu.memory_space<vmem>>, vector<1x16xf32>,
      %get3A_692 = vector.shape_cast %get3A_691 : vector<1x16xf32> to vector<16xf32>
      %mul3A_693 = arith.mulf %get3A_28, %get3A_692 : vector<16xf32>
      %add3A_694 = arith.addf %mul3A_688, %mul3A_693 : vector<16xf32>
      %swap3A_695 = arith.index_cast %scan3A_21 : i32 to index
      %swap3A_696 = arith.constant 656 : index
      %swap3A_697 = tpu.vector_load %arg10[%swap3A_695, %swap3A_696] {strides = array<i32>} : memref<64x768xf32, #tpu.memory_space<vmem>>, vector<1x16xf32>,
      %swap3A_698 = vector.shape_cast %swap3A_697 : vector<1x16xf32> to vector<16xf32>
      %swap3A_699 = vector.shape_cast %add3A_694 : vector<16xf32> to vector<1x16xf32>
      tpu.vector_store %arg10[%swap3A_695, %swap3A_696], %swap3A_699 {strides = array<i32>} : memref<64x768xf32, #tpu.memory_space<vmem>>, vector<1x16xf32>,
      %get3A_700 = arith.index_cast %scan3A_21 : i32 to index
      %get3A_701 = arith.constant 672 : index
      %get3A_702 = tpu.vector_load %arg10[%get3A_700, %get3A_701] {strides = array<i32>} : memref<64x768xf32, #tpu.memory_space<vmem>>, vector<1x16xf32>,
      %get3A_703 = vector.shape_cast %get3A_702 : vector<1x16xf32> to vector<16xf32>
      %mul3A_704 = arith.mulf %get3A_24, %get3A_703 : vector<16xf32>
      %get3A_705 = arith.index_cast %scan3A_21 : i32 to index
      %get3A_706 = arith.constant 672 : index
      %get3A_707 = tpu.vector_load %arg11[%get3A_705, %get3A_706] {strides = array<i32>} : memref<64x768xf32, #tpu.memory_space<vmem>>, vector<1x16xf32>,
      %get3A_708 = vector.shape_cast %get3A_707 : vector<1x16xf32> to vector<16xf32>
      %mul3A_709 = arith.mulf %get3A_28, %get3A_708 : vector<16xf32>
      %add3A_710 = arith.addf %mul3A_704, %mul3A_709 : vector<16xf32>
      %swap3A_711 = arith.index_cast %scan3A_21 : i32 to index
      %swap3A_712 = arith.constant 672 : index
      %swap3A_713 = tpu.vector_load %arg10[%swap3A_711, %swap3A_712] {strides = array<i32>} : memref<64x768xf32, #tpu.memory_space<vmem>>, vector<1x16xf32>,
      %swap3A_714 = vector.shape_cast %swap3A_713 : vector<1x16xf32> to vector<16xf32>
      %swap3A_715 = vector.shape_cast %add3A_710 : vector<16xf32> to vector<1x16xf32>
      tpu.vector_store %arg10[%swap3A_711, %swap3A_712], %swap3A_715 {strides = array<i32>} : memref<64x768xf32, #tpu.memory_space<vmem>>, vector<1x16xf32>,
      %get3A_716 = arith.index_cast %scan3A_21 : i32 to index
      %get3A_717 = arith.constant 688 : index
      %get3A_718 = tpu.vector_load %arg10[%get3A_716, %get3A_717] {strides = array<i32>} : memref<64x768xf32, #tpu.memory_space<vmem>>, vector<1x16xf32>,
      %get3A_719 = vector.shape_cast %get3A_718 : vector<1x16xf32> to vector<16xf32>
      %mul3A_720 = arith.mulf %get3A_24, %get3A_719 : vector<16xf32>
      %get3A_721 = arith.index_cast %scan3A_21 : i32 to index
      %get3A_722 = arith.constant 688 : index
      %get3A_723 = tpu.vector_load %arg11[%get3A_721, %get3A_722] {strides = array<i32>} : memref<64x768xf32, #tpu.memory_space<vmem>>, vector<1x16xf32>,
      %get3A_724 = vector.shape_cast %get3A_723 : vector<1x16xf32> to vector<16xf32>
      %mul3A_725 = arith.mulf %get3A_28, %get3A_724 : vector<16xf32>
      %add3A_726 = arith.addf %mul3A_720, %mul3A_725 : vector<16xf32>
      %swap3A_727 = arith.index_cast %scan3A_21 : i32 to index
      %swap3A_728 = arith.constant 688 : index
      %swap3A_729 = tpu.vector_load %arg10[%swap3A_727, %swap3A_728] {strides = array<i32>} : memref<64x768xf32, #tpu.memory_space<vmem>>, vector<1x16xf32>,
      %swap3A_730 = vector.shape_cast %swap3A_729 : vector<1x16xf32> to vector<16xf32>
      %swap3A_731 = vector.shape_cast %add3A_726 : vector<16xf32> to vector<1x16xf32>
      tpu.vector_store %arg10[%swap3A_727, %swap3A_728], %swap3A_731 {strides = array<i32>} : memref<64x768xf32, #tpu.memory_space<vmem>>, vector<1x16xf32>,
      %get3A_732 = arith.index_cast %scan3A_21 : i32 to index
      %get3A_733 = arith.constant 704 : index
      %get3A_734 = tpu.vector_load %arg10[%get3A_732, %get3A_733] {strides = array<i32>} : memref<64x768xf32, #tpu.memory_space<vmem>>, vector<1x16xf32>,
      %get3A_735 = vector.shape_cast %get3A_734 : vector<1x16xf32> to vector<16xf32>
      %mul3A_736 = arith.mulf %get3A_24, %get3A_735 : vector<16xf32>
      %get3A_737 = arith.index_cast %scan3A_21 : i32 to index
      %get3A_738 = arith.constant 704 : index
      %get3A_739 = tpu.vector_load %arg11[%get3A_737, %get3A_738] {strides = array<i32>} : memref<64x768xf32, #tpu.memory_space<vmem>>, vector<1x16xf32>,
      %get3A_740 = vector.shape_cast %get3A_739 : vector<1x16xf32> to vector<16xf32>
      %mul3A_741 = arith.mulf %get3A_28, %get3A_740 : vector<16xf32>
      %add3A_742 = arith.addf %mul3A_736, %mul3A_741 : vector<16xf32>
      %swap3A_743 = arith.index_cast %scan3A_21 : i32 to index
      %swap3A_744 = arith.constant 704 : index
      %swap3A_745 = tpu.vector_load %arg10[%swap3A_743, %swap3A_744] {strides = array<i32>} : memref<64x768xf32, #tpu.memory_space<vmem>>, vector<1x16xf32>,
      %swap3A_746 = vector.shape_cast %swap3A_745 : vector<1x16xf32> to vector<16xf32>
      %swap3A_747 = vector.shape_cast %add3A_742 : vector<16xf32> to vector<1x16xf32>
      tpu.vector_store %arg10[%swap3A_743, %swap3A_744], %swap3A_747 {strides = array<i32>} : memref<64x768xf32, #tpu.memory_space<vmem>>, vector<1x16xf32>,
      %get3A_748 = arith.index_cast %scan3A_21 : i32 to index
      %get3A_749 = arith.constant 720 : index
      %get3A_750 = tpu.vector_load %arg10[%get3A_748, %get3A_749] {strides = array<i32>} : memref<64x768xf32, #tpu.memory_space<vmem>>, vector<1x16xf32>,
      %get3A_751 = vector.shape_cast %get3A_750 : vector<1x16xf32> to vector<16xf32>
      %mul3A_752 = arith.mulf %get3A_24, %get3A_751 : vector<16xf32>
      %get3A_753 = arith.index_cast %scan3A_21 : i32 to index
      %get3A_754 = arith.constant 720 : index
      %get3A_755 = tpu.vector_load %arg11[%get3A_753, %get3A_754] {strides = array<i32>} : memref<64x768xf32, #tpu.memory_space<vmem>>, vector<1x16xf32>,
      %get3A_756 = vector.shape_cast %get3A_755 : vector<1x16xf32> to vector<16xf32>
      %mul3A_757 = arith.mulf %get3A_28, %get3A_756 : vector<16xf32>
      %add3A_758 = arith.addf %mul3A_752, %mul3A_757 : vector<16xf32>
      %swap3A_759 = arith.index_cast %scan3A_21 : i32 to index
      %swap3A_760 = arith.constant 720 : index
      %swap3A_761 = tpu.vector_load %arg10[%swap3A_759, %swap3A_760] {strides = array<i32>} : memref<64x768xf32, #tpu.memory_space<vmem>>, vector<1x16xf32>,
      %swap3A_762 = vector.shape_cast %swap3A_761 : vector<1x16xf32> to vector<16xf32>
      %swap3A_763 = vector.shape_cast %add3A_758 : vector<16xf32> to vector<1x16xf32>
      tpu.vector_store %arg10[%swap3A_759, %swap3A_760], %swap3A_763 {strides = array<i32>} : memref<64x768xf32, #tpu.memory_space<vmem>>, vector<1x16xf32>,
      %get3A_764 = arith.index_cast %scan3A_21 : i32 to index
      %get3A_765 = arith.constant 736 : index
      %get3A_766 = tpu.vector_load %arg10[%get3A_764, %get3A_765] {strides = array<i32>} : memref<64x768xf32, #tpu.memory_space<vmem>>, vector<1x16xf32>,
      %get3A_767 = vector.shape_cast %get3A_766 : vector<1x16xf32> to vector<16xf32>
      %mul3A_768 = arith.mulf %get3A_24, %get3A_767 : vector<16xf32>
      %get3A_769 = arith.index_cast %scan3A_21 : i32 to index
      %get3A_770 = arith.constant 736 : index
      %get3A_771 = tpu.vector_load %arg11[%get3A_769, %get3A_770] {strides = array<i32>} : memref<64x768xf32, #tpu.memory_space<vmem>>, vector<1x16xf32>,
      %get3A_772 = vector.shape_cast %get3A_771 : vector<1x16xf32> to vector<16xf32>
      %mul3A_773 = arith.mulf %get3A_28, %get3A_772 : vector<16xf32>
      %add3A_774 = arith.addf %mul3A_768, %mul3A_773 : vector<16xf32>
      %swap3A_775 = arith.index_cast %scan3A_21 : i32 to index
      %swap3A_776 = arith.constant 736 : index
      %swap3A_777 = tpu.vector_load %arg10[%swap3A_775, %swap3A_776] {strides = array<i32>} : memref<64x768xf32, #tpu.memory_space<vmem>>, vector<1x16xf32>,
      %swap3A_778 = vector.shape_cast %swap3A_777 : vector<1x16xf32> to vector<16xf32>
      %swap3A_779 = vector.shape_cast %add3A_774 : vector<16xf32> to vector<1x16xf32>
      tpu.vector_store %arg10[%swap3A_775, %swap3A_776], %swap3A_779 {strides = array<i32>} : memref<64x768xf32, #tpu.memory_space<vmem>>, vector<1x16xf32>,
      %get3A_780 = arith.index_cast %scan3A_21 : i32 to index
      %get3A_781 = arith.constant 752 : index
      %get3A_782 = tpu.vector_load %arg10[%get3A_780, %get3A_781] {strides = array<i32>} : memref<64x768xf32, #tpu.memory_space<vmem>>, vector<1x16xf32>,
      %get3A_783 = vector.shape_cast %get3A_782 : vector<1x16xf32> to vector<16xf32>
      %mul3A_784 = arith.mulf %get3A_24, %get3A_783 : vector<16xf32>
      %get3A_785 = arith.index_cast %scan3A_21 : i32 to index
      %get3A_786 = arith.constant 752 : index
      %get3A_787 = tpu.vector_load %arg11[%get3A_785, %get3A_786] {strides = array<i32>} : memref<64x768xf32, #tpu.memory_space<vmem>>, vector<1x16xf32>,
      %get3A_788 = vector.shape_cast %get3A_787 : vector<1x16xf32> to vector<16xf32>
      %mul3A_789 = arith.mulf %get3A_28, %get3A_788 : vector<16xf32>
      %add3A_790 = arith.addf %mul3A_784, %mul3A_789 : vector<16xf32>
      %swap3A_791 = arith.index_cast %scan3A_21 : i32 to index
      %swap3A_792 = arith.constant 752 : index
      %swap3A_793 = tpu.vector_load %arg10[%swap3A_791, %swap3A_792] {strides = array<i32>} : memref<64x768xf32, #tpu.memory_space<vmem>>, vector<1x16xf32>,
      %swap3A_794 = vector.shape_cast %swap3A_793 : vector<1x16xf32> to vector<16xf32>
      %swap3A_795 = vector.shape_cast %add3A_790 : vector<16xf32> to vector<1x16xf32>
      tpu.vector_store %arg10[%swap3A_791, %swap3A_792], %swap3A_795 {strides = array<i32>} : memref<64x768xf32, #tpu.memory_space<vmem>>, vector<1x16xf32>,
    }
    %scan3A_20 = arith.constant 64 : i32
    "tpu.region"() ({
      %run_scoped3A_21 = tpu.sem_alloc : memref<!tpu.dma_semaphore, #tpu.memory_space<semaphore_mem>>
      %dma_start3A_22 = arith.constant 0 : i32
      %dma_start3A_23 = tpu.memref_slice %arg5[%mul3A_2, %dma_start3A_22] : memref<2048x768xf32, #tpu.memory_space<hbm>> -> memref<64x768xf32, #tpu.memory_space<hbm>>
      %dma_start3A_24 = arith.constant 0 : i32
      %dma_start3A_25 = tpu.memref_slice %arg5[%mul3A_2, %dma_start3A_24] : memref<2048x768xf32, #tpu.memory_space<hbm>> -> memref<64x768xf32, #tpu.memory_space<hbm>>
      tpu.enqueue_dma source(%arg10 : memref<64x768xf32, #tpu.memory_space<vmem>>) target(%dma_start3A_25 : memref<64x768xf32, #tpu.memory_space<hbm>>) target_semaphore(%run_scoped3A_21 : memref<!tpu.dma_semaphore, #tpu.memory_space<semaphore_mem>>)
      %dma_wait3A_26 = arith.constant 0 : i32
      %dma_wait3A_27 = tpu.memref_slice %arg5[%mul3A_2, %dma_wait3A_26] : memref<2048x768xf32, #tpu.memory_space<hbm>> -> memref<64x768xf32, #tpu.memory_space<hbm>>
      %dma_wait3A_28 = arith.constant 0 : i32
      %dma_wait3A_29 = tpu.memref_slice %arg5[%mul3A_2, %dma_wait3A_28] : memref<2048x768xf32, #tpu.memory_space<hbm>> -> memref<64x768xf32, #tpu.memory_space<hbm>>
      tpu.wait_dma2 semaphore(%run_scoped3A_21 : memref<!tpu.dma_semaphore, #tpu.memory_space<semaphore_mem>>) src(%arg10 : memref<64x768xf32, #tpu.memory_space<vmem>>) dst(%dma_wait3A_29 : memref<64x768xf32, #tpu.memory_space<hbm>>)
      tpu.yield
    }) : () -> ()
    return
  }
}

module attributes {stable_mosaic.version = 14 : i64} {
  func.func @_ffn_body(%arg0: i32, %arg1: memref<24xi32, #tpu.memory_space<smem>>, %arg2: memref<24xi32, #tpu.memory_space<smem>>, %arg3: memref<24xi32, #tpu.memory_space<smem>>, %arg4: memref<24xi32, #tpu.memory_space<smem>>, %arg5: memref<256x768xf32, #tpu.memory_space<vmem>>, %arg6: memref<1x1x2048xf32, #tpu.memory_space<vmem>>, %arg7: memref<1x1x768xf32, #tpu.memory_space<vmem>>, %arg8: memref<8x768x2048xf32, #tpu.memory_space<any>>, %arg9: memref<8x2048x768xf32, #tpu.memory_space<any>>, %arg10: memref<256x768xf32, #tpu.memory_space<vmem>>, %arg11: memref<2x768x2048xf32, #tpu.memory_space<vmem>>, %arg12: memref<2x2048x768xf32, #tpu.memory_space<vmem>>, %arg13: memref<!tpu.dma_semaphore, #tpu.memory_space<semaphore_mem>>) attributes {dimension_semantics = [#tpu.dimension_semantics<arbitrary>], iteration_bounds = array<i64: 24>, scalar_prefetch = 4 : i64, scratch_operands = 3 : i64, tpu.core_type = #tpu.core_type<tc>, window_params = [{transform_indices = @transform_0, window_bounds = array<i64: 256, 768>}, {transform_indices = @transform_1, window_bounds = array<i64: 1, 1, 2048>}, {transform_indices = @transform_2, window_bounds = array<i64: 1, 1, 768>}, {}, {}, {transform_indices = @transform_5, window_bounds = array<i64: 256, 768>}]} {
    %get3A = arith.index_cast %arg0 : i32 to index
    %get3A_0 = memref.load %arg2[%get3A] : memref<24xi32, #tpu.memory_space<smem>>
    %eq3A = arith.constant 0 : i32
    %eq3A_1 = arith.cmpi eq, %arg0, %eq3A : i32
    %convert_element_type3A = arith.extui %eq3A_1 : i1 to i32
    %cond3A = arith.constant 0 : i32
    %cond3A_2 = arith.cmpi ne, %convert_element_type3A, %cond3A : i32
    scf.if %cond3A_2 {
      %get3A_55 = arith.constant 0 : index
      %get3A_56 = memref.load %arg1[%get3A_55] : memref<24xi32, #tpu.memory_space<smem>>
      %dma_start3A = arith.constant 0 : i32
      %dma_start3A_57 = arith.constant 0 : i32
      %dma_start3A_58 = arith.constant 0 : i32
      %dma_start3A_59 = tpu.memref_slice %arg11[%dma_start3A, %dma_start3A_57, %dma_start3A_58] : memref<2x768x2048xf32, #tpu.memory_space<vmem>> -> memref<1x768x2048xf32, #tpu.memory_space<vmem>>
      %dma_start3A_60 = tpu.memref_squeeze %dma_start3A_59 : memref<1x768x2048xf32, #tpu.memory_space<vmem>> -> memref<768x2048xf32, #tpu.memory_space<vmem>>
      %dma_start3A_61 = arith.constant 0 : i32
      %dma_start3A_62 = arith.constant 0 : i32
      %dma_start3A_63 = tpu.memref_slice %arg8[%get3A_56, %dma_start3A_61, %dma_start3A_62] : memref<8x768x2048xf32, #tpu.memory_space<any>> -> memref<1x768x2048xf32, #tpu.memory_space<any>>
      %dma_start3A_64 = tpu.memref_squeeze %dma_start3A_63 : memref<1x768x2048xf32, #tpu.memory_space<any>> -> memref<768x2048xf32, #tpu.memory_space<any>>
      tpu.enqueue_dma source(%dma_start3A_64 : memref<768x2048xf32, #tpu.memory_space<any>>) target(%dma_start3A_60 : memref<768x2048xf32, #tpu.memory_space<vmem>>) target_semaphore(%arg13 : memref<!tpu.dma_semaphore, #tpu.memory_space<semaphore_mem>>)
      %dma_start3A_65 = arith.constant 0 : i32
      %dma_start3A_66 = arith.constant 0 : i32
      %dma_start3A_67 = arith.constant 0 : i32
      %dma_start3A_68 = tpu.memref_slice %arg12[%dma_start3A_65, %dma_start3A_66, %dma_start3A_67] : memref<2x2048x768xf32, #tpu.memory_space<vmem>> -> memref<1x2048x768xf32, #tpu.memory_space<vmem>>
      %dma_start3A_69 = tpu.memref_squeeze %dma_start3A_68 : memref<1x2048x768xf32, #tpu.memory_space<vmem>> -> memref<2048x768xf32, #tpu.memory_space<vmem>>
      %dma_start3A_70 = arith.constant 0 : i32
      %dma_start3A_71 = arith.constant 0 : i32
      %dma_start3A_72 = tpu.memref_slice %arg9[%get3A_56, %dma_start3A_70, %dma_start3A_71] : memref<8x2048x768xf32, #tpu.memory_space<any>> -> memref<1x2048x768xf32, #tpu.memory_space<any>>
      %dma_start3A_73 = tpu.memref_squeeze %dma_start3A_72 : memref<1x2048x768xf32, #tpu.memory_space<any>> -> memref<2048x768xf32, #tpu.memory_space<any>>
      tpu.enqueue_dma source(%dma_start3A_73 : memref<2048x768xf32, #tpu.memory_space<any>>) target(%dma_start3A_69 : memref<2048x768xf32, #tpu.memory_space<vmem>>) target_semaphore(%arg13 : memref<!tpu.dma_semaphore, #tpu.memory_space<semaphore_mem>>)
    } else {
    }
    %get3A_3 = arith.index_cast %arg0 : i32 to index
    %get3A_4 = memref.load %arg3[%get3A_3] : memref<24xi32, #tpu.memory_space<smem>>
    %eq3A_5 = arith.constant 1 : i32
    %eq3A_6 = arith.cmpi eq, %get3A_4, %eq3A_5 : i32
    %convert_element_type3A_7 = arith.extui %eq3A_6 : i1 to i32
    %cond3A_8 = arith.constant 0 : i32
    %cond3A_9 = arith.cmpi ne, %convert_element_type3A_7, %cond3A_8 : i32
    scf.if %cond3A_9 {
      %get3A_55 = arith.index_cast %arg0 : i32 to index
      %get3A_56 = memref.load %arg1[%get3A_55] : memref<24xi32, #tpu.memory_space<smem>>
      %dma_wait3A = arith.constant 0 : i32
      %dma_wait3A_57 = arith.constant 0 : i32
      %dma_wait3A_58 = tpu.memref_slice %arg11[%get3A_0, %dma_wait3A, %dma_wait3A_57] : memref<2x768x2048xf32, #tpu.memory_space<vmem>> -> memref<1x768x2048xf32, #tpu.memory_space<vmem>>
      %dma_wait3A_59 = tpu.memref_squeeze %dma_wait3A_58 : memref<1x768x2048xf32, #tpu.memory_space<vmem>> -> memref<768x2048xf32, #tpu.memory_space<vmem>>
      %dma_wait3A_60 = arith.constant 0 : i32
      %dma_wait3A_61 = arith.constant 0 : i32
      %dma_wait3A_62 = tpu.memref_slice %arg8[%get3A_56, %dma_wait3A_60, %dma_wait3A_61] : memref<8x768x2048xf32, #tpu.memory_space<any>> -> memref<1x768x2048xf32, #tpu.memory_space<any>>
      %dma_wait3A_63 = tpu.memref_squeeze %dma_wait3A_62 : memref<1x768x2048xf32, #tpu.memory_space<any>> -> memref<768x2048xf32, #tpu.memory_space<any>>
      tpu.wait_dma2 semaphore(%arg13 : memref<!tpu.dma_semaphore, #tpu.memory_space<semaphore_mem>>) src(%dma_wait3A_63 : memref<768x2048xf32, #tpu.memory_space<any>>) dst(%dma_wait3A_59 : memref<768x2048xf32, #tpu.memory_space<vmem>>)
      %dma_wait3A_64 = arith.constant 0 : i32
      %dma_wait3A_65 = arith.constant 0 : i32
      %dma_wait3A_66 = tpu.memref_slice %arg12[%get3A_0, %dma_wait3A_64, %dma_wait3A_65] : memref<2x2048x768xf32, #tpu.memory_space<vmem>> -> memref<1x2048x768xf32, #tpu.memory_space<vmem>>
      %dma_wait3A_67 = tpu.memref_squeeze %dma_wait3A_66 : memref<1x2048x768xf32, #tpu.memory_space<vmem>> -> memref<2048x768xf32, #tpu.memory_space<vmem>>
      %dma_wait3A_68 = arith.constant 0 : i32
      %dma_wait3A_69 = arith.constant 0 : i32
      %dma_wait3A_70 = tpu.memref_slice %arg9[%get3A_56, %dma_wait3A_68, %dma_wait3A_69] : memref<8x2048x768xf32, #tpu.memory_space<any>> -> memref<1x2048x768xf32, #tpu.memory_space<any>>
      %dma_wait3A_71 = tpu.memref_squeeze %dma_wait3A_70 : memref<1x2048x768xf32, #tpu.memory_space<any>> -> memref<2048x768xf32, #tpu.memory_space<any>>
      tpu.wait_dma2 semaphore(%arg13 : memref<!tpu.dma_semaphore, #tpu.memory_space<semaphore_mem>>) src(%dma_wait3A_71 : memref<2048x768xf32, #tpu.memory_space<any>>) dst(%dma_wait3A_67 : memref<2048x768xf32, #tpu.memory_space<vmem>>)
      %get3A_72 = arith.index_cast %arg0 : i32 to index
      %get3A_73 = memref.load %arg4[%get3A_72] : memref<24xi32, #tpu.memory_space<smem>>
      %ge3A = arith.constant 0 : i32
      %ge3A_74 = arith.cmpi sge, %get3A_73, %ge3A : i32
      %convert_element_type3A_75 = arith.extui %ge3A_74 : i1 to i32
      %cond3A_76 = arith.constant 0 : i32
      %cond3A_77 = arith.cmpi ne, %convert_element_type3A_75, %cond3A_76 : i32
      scf.if %cond3A_77 {
        %sub3A = arith.constant 1 : i32
        %sub3A_78 = arith.subi %sub3A, %get3A_0 : i32
        %get3A_79 = arith.index_cast %arg0 : i32 to index
        %get3A_80 = memref.load %arg4[%get3A_79] : memref<24xi32, #tpu.memory_space<smem>>
        %dma_start3A = arith.constant 0 : i32
        %dma_start3A_81 = arith.constant 0 : i32
        %dma_start3A_82 = tpu.memref_slice %arg11[%sub3A_78, %dma_start3A, %dma_start3A_81] : memref<2x768x2048xf32, #tpu.memory_space<vmem>> -> memref<1x768x2048xf32, #tpu.memory_space<vmem>>
        %dma_start3A_83 = tpu.memref_squeeze %dma_start3A_82 : memref<1x768x2048xf32, #tpu.memory_space<vmem>> -> memref<768x2048xf32, #tpu.memory_space<vmem>>
        %dma_start3A_84 = arith.constant 0 : i32
        %dma_start3A_85 = arith.constant 0 : i32
        %dma_start3A_86 = tpu.memref_slice %arg8[%get3A_80, %dma_start3A_84, %dma_start3A_85] : memref<8x768x2048xf32, #tpu.memory_space<any>> -> memref<1x768x2048xf32, #tpu.memory_space<any>>
        %dma_start3A_87 = tpu.memref_squeeze %dma_start3A_86 : memref<1x768x2048xf32, #tpu.memory_space<any>> -> memref<768x2048xf32, #tpu.memory_space<any>>
        tpu.enqueue_dma source(%dma_start3A_87 : memref<768x2048xf32, #tpu.memory_space<any>>) target(%dma_start3A_83 : memref<768x2048xf32, #tpu.memory_space<vmem>>) target_semaphore(%arg13 : memref<!tpu.dma_semaphore, #tpu.memory_space<semaphore_mem>>)
        %dma_start3A_88 = arith.constant 0 : i32
        %dma_start3A_89 = arith.constant 0 : i32
        %dma_start3A_90 = tpu.memref_slice %arg12[%sub3A_78, %dma_start3A_88, %dma_start3A_89] : memref<2x2048x768xf32, #tpu.memory_space<vmem>> -> memref<1x2048x768xf32, #tpu.memory_space<vmem>>
        %dma_start3A_91 = tpu.memref_squeeze %dma_start3A_90 : memref<1x2048x768xf32, #tpu.memory_space<vmem>> -> memref<2048x768xf32, #tpu.memory_space<vmem>>
        %dma_start3A_92 = arith.constant 0 : i32
        %dma_start3A_93 = arith.constant 0 : i32
        %dma_start3A_94 = tpu.memref_slice %arg9[%get3A_80, %dma_start3A_92, %dma_start3A_93] : memref<8x2048x768xf32, #tpu.memory_space<any>> -> memref<1x2048x768xf32, #tpu.memory_space<any>>
        %dma_start3A_95 = tpu.memref_squeeze %dma_start3A_94 : memref<1x2048x768xf32, #tpu.memory_space<any>> -> memref<2048x768xf32, #tpu.memory_space<any>>
        tpu.enqueue_dma source(%dma_start3A_95 : memref<2048x768xf32, #tpu.memory_space<any>>) target(%dma_start3A_91 : memref<2048x768xf32, #tpu.memory_space<vmem>>) target_semaphore(%arg13 : memref<!tpu.dma_semaphore, #tpu.memory_space<semaphore_mem>>)
      } else {
      }
    } else {
    }
    %get3A_10 = arith.constant 0 : index
    %get3A_11 = arith.constant 0 : index
    %get3A_12 = vector.load %arg5[%get3A_10, %get3A_11] : memref<256x768xf32, #tpu.memory_space<vmem>>, vector<256x768xf32>
    %get3A_13 = arith.index_cast %get3A_0 : i32 to index
    %get3A_14 = arith.constant 0 : index
    %get3A_15 = arith.constant 0 : index
    %get3A_16 = vector.load %arg11[%get3A_13, %get3A_14, %get3A_15] : memref<2x768x2048xf32, #tpu.memory_space<vmem>>, vector<1x768x2048xf32>
    %get3A_17 = vector.shape_cast %get3A_16 : vector<1x768x2048xf32> to vector<768x2048xf32>
    %dot_general3A = arith.constant dense<0.000000e+00> : vector<256x2048xf32>
    %dot_general3A_18 = tpu.matmul %get3A_12, %get3A_17, %dot_general3A {dimension_numbers = #tpu.dot_dimension_numbers<[1], [0], [0], [1], [0, 0, 1, 1], [], []>, transpose_lhs_hint = false} : vector<256x768xf32>, vector<768x2048xf32>, vector<256x2048xf32> -> vector<256x2048xf32>
    %get3A_19 = arith.constant 0 : index
    %get3A_20 = arith.constant 0 : index
    %get3A_21 = arith.constant 0 : index
    %get3A_22 = vector.load %arg6[%get3A_19, %get3A_20, %get3A_21] : memref<1x1x2048xf32, #tpu.memory_space<vmem>>, vector<1x1x2048xf32>
    %get3A_23 = vector.shape_cast %get3A_22 : vector<1x1x2048xf32> to vector<1x2048xf32>
    %add3A = vector.broadcast %get3A_23 : vector<1x2048xf32> to vector<256x2048xf32>
    %add3A_24 = arith.addf %dot_general3A_18, %add3A : vector<256x2048xf32>
    %integer_pow3A = arith.mulf %add3A_24, %add3A_24 : vector<256x2048xf32>
    %integer_pow3A_25 = arith.mulf %add3A_24, %integer_pow3A : vector<256x2048xf32>
    %mul3A = arith.constant 4.471500e-02 : f32
    %mul3A_26 = vector.broadcast %mul3A : f32 to vector<256x2048xf32>
    %mul3A_27 = arith.mulf %mul3A_26, %integer_pow3A_25 : vector<256x2048xf32>
    %add3A_28 = arith.addf %add3A_24, %mul3A_27 : vector<256x2048xf32>
    %mul3A_29 = arith.constant 0.797884583 : f32
    %mul3A_30 = vector.broadcast %mul3A_29 : f32 to vector<256x2048xf32>
    %mul3A_31 = arith.mulf %mul3A_30, %add3A_28 : vector<256x2048xf32>
    %tanh3A = math.tanh %mul3A_31 : vector<256x2048xf32>
    %add3A_32 = arith.constant 1.000000e+00 : f32
    %add3A_33 = vector.broadcast %add3A_32 : f32 to vector<256x2048xf32>
    %add3A_34 = arith.addf %add3A_33, %tanh3A : vector<256x2048xf32>
    %mul3A_35 = arith.constant 5.000000e-01 : f32
    %mul3A_36 = vector.broadcast %mul3A_35 : f32 to vector<256x2048xf32>
    %mul3A_37 = arith.mulf %mul3A_36, %add3A_34 : vector<256x2048xf32>
    %mul3A_38 = arith.mulf %add3A_24, %mul3A_37 : vector<256x2048xf32>
    %get3A_39 = arith.index_cast %get3A_0 : i32 to index
    %get3A_40 = arith.constant 0 : index
    %get3A_41 = arith.constant 0 : index
    %get3A_42 = vector.load %arg12[%get3A_39, %get3A_40, %get3A_41] : memref<2x2048x768xf32, #tpu.memory_space<vmem>>, vector<1x2048x768xf32>
    %get3A_43 = vector.shape_cast %get3A_42 : vector<1x2048x768xf32> to vector<2048x768xf32>
    %dot_general3A_44 = arith.constant dense<0.000000e+00> : vector<256x768xf32>
    %dot_general3A_45 = tpu.matmul %mul3A_38, %get3A_43, %dot_general3A_44 {dimension_numbers = #tpu.dot_dimension_numbers<[1], [0], [0], [1], [0, 0, 1, 1], [], []>, transpose_lhs_hint = false} : vector<256x2048xf32>, vector<2048x768xf32>, vector<256x768xf32> -> vector<256x768xf32>
    %get3A_46 = arith.constant 0 : index
    %get3A_47 = arith.constant 0 : index
    %get3A_48 = arith.constant 0 : index
    %get3A_49 = vector.load %arg7[%get3A_46, %get3A_47, %get3A_48] : memref<1x1x768xf32, #tpu.memory_space<vmem>>, vector<1x1x768xf32>
    %get3A_50 = vector.shape_cast %get3A_49 : vector<1x1x768xf32> to vector<1x768xf32>
    %add3A_51 = vector.broadcast %get3A_50 : vector<1x768xf32> to vector<256x768xf32>
    %add3A_52 = arith.addf %dot_general3A_45, %add3A_51 : vector<256x768xf32>
    %swap3A = arith.constant 0 : index
    %swap3A_53 = arith.constant 0 : index
    %swap3A_54 = vector.load %arg10[%swap3A, %swap3A_53] : memref<256x768xf32, #tpu.memory_space<vmem>>, vector<256x768xf32>
    tpu.vector_store %arg10[%swap3A, %swap3A_53], %add3A_52 {strides = array<i32>} : memref<256x768xf32, #tpu.memory_space<vmem>>, vector<256x768xf32>,
    return
  }
  func.func @transform_0(%arg0: i32, %arg1: memref<24xi32, #tpu.memory_space<smem>>, %arg2: memref<24xi32, #tpu.memory_space<smem>>, %arg3: memref<24xi32, #tpu.memory_space<smem>>, %arg4: memref<24xi32, #tpu.memory_space<smem>>) -> (i32, i32) {
    %c0_i32 = arith.constant 0 : i32
    %c0_i32_0 = arith.constant 0 : i32
    return %arg0, %c0_i32 : i32, i32
  }
  func.func @transform_1(%arg0: i32, %arg1: memref<24xi32, #tpu.memory_space<smem>>, %arg2: memref<24xi32, #tpu.memory_space<smem>>, %arg3: memref<24xi32, #tpu.memory_space<smem>>, %arg4: memref<24xi32, #tpu.memory_space<smem>>) -> (i32, i32, i32) {
    %get3A = arith.index_cast %arg0 : i32 to index
    %get3A_0 = memref.load %arg1[%get3A] : memref<24xi32, #tpu.memory_space<smem>>
    %c0_i32 = arith.constant 0 : i32
    %c0_i32_1 = arith.constant 0 : i32
    %c0_i32_2 = arith.constant 0 : i32
    return %get3A_0, %c0_i32, %c0_i32_1 : i32, i32, i32
  }
  func.func @transform_2(%arg0: i32, %arg1: memref<24xi32, #tpu.memory_space<smem>>, %arg2: memref<24xi32, #tpu.memory_space<smem>>, %arg3: memref<24xi32, #tpu.memory_space<smem>>, %arg4: memref<24xi32, #tpu.memory_space<smem>>) -> (i32, i32, i32) {
    %get3A = arith.index_cast %arg0 : i32 to index
    %get3A_0 = memref.load %arg1[%get3A] : memref<24xi32, #tpu.memory_space<smem>>
    %c0_i32 = arith.constant 0 : i32
    %c0_i32_1 = arith.constant 0 : i32
    %c0_i32_2 = arith.constant 0 : i32
    return %get3A_0, %c0_i32, %c0_i32_1 : i32, i32, i32
  }
  func.func @transform_5(%arg0: i32, %arg1: memref<24xi32, #tpu.memory_space<smem>>, %arg2: memref<24xi32, #tpu.memory_space<smem>>, %arg3: memref<24xi32, #tpu.memory_space<smem>>, %arg4: memref<24xi32, #tpu.memory_space<smem>>) -> (i32, i32) {
    %c0_i32 = arith.constant 0 : i32
    %c0_i32_0 = arith.constant 0 : i32
    return %arg0, %c0_i32 : i32, i32
  }
}

</mosaic_0001>

<sc_bundles>
// kernel: kernel.5.cloned.1.call-start
scs
__scs_entry_jumppad:
0x0: {  	(pc) =	sbr.rel $0x88, $3  }
0x1: {  	(tag) =	ssettag $0x0;
	lr =	simm.s32 $0x1  }
0x2: {  	[smem:$0x3F9B] =	sst lr;
	_ =	strace $0xD0000000  }
0x3: {  	_ = 	snop  }
0x4: {  	_ = 	snop  }
0x5: {  	_ = 	snop  }
0x6: {  	_ = 	snop  }
0x7: {  	_ = 	snop  }
__scs_overlays_trampoline_lowered:
0x8: {  	[smem:$0x3FAA] =	sst s0  }
0x9: {  	[smem:$0x3FAB] =	sst s1  }
0xa: {  	[smem:$0x3FAC] =	sst s2  }
0xb: {  	[smem:$0x3FAD] =	sst s3  }
0xc: {  	[smem:$0x3FAE] =	sst s4  }
0xd: {  	[smem:$0x3FAF] =	sst s5  }
0xe: {  	[smem:$0x3FB0] =	sst s6  }
0xf: {  	[smem:$0x3FB1] =	sst s7  }
0x10: {  	[smem:$0x3FB2] =	sst s8  }
0x11: {  	[smem:$0x3FB3] =	sst s9;
	s0 =	simm.s32 @!p0 $0x0  }
0x12: {  	s1 =	sld [smem:$0x3F99];
	s0 =	simm.s32 @p0 $0x1  }
0x13: {  	[smem:$0x3FB4] =	sst s0;
	s0 =	simm.s32 @!p1 $0x0  }
0x14: {  	s2 =	sld [smem:$0x3F98];
	s0 =	simm.s32 @p1 $0x1  }
0x15: {  	[smem:$0x3FB5] =	sst s0;
	s0 =	simm.s32 @!p2 $0x0  }
0x16: {  	s3 =	sld [smem:$0x3FDB];
	s0 =	simm.s32 @p2 $0x1  }
0x17: {  	s4 =	simm.s32 $0x1BF5;
	[smem:$0x3FB7] =	sst s0  }
0x18: {  	s0 =	sld [smem:$0x3F9A];
	_ =	swait.ge [sflag:s4], $0x0  }
0x19: {  	s7 =	sld [smem:$0x3F9B]  }
0x1a: {  	s8 =	sadd.s32 $0xFFFFE003, lr  }
0x1b: {  	s9 =	sadd.s32 $0xFFFFFEF7, lr;
	s5 =	simm.s32 $0xFFFFFFFF;
	p2 =	slt.u32 s8, $0xFFFFF086  }
0x1c: {  	p1 =	slt.u32 s9, $0xF7A;
	s5 =	simm.s32 @!p2 $0x0  }
0x1d: {  	s5 =	simm.s32 @p1 $0x1;
	p0 =	seq.s32 s7, s2  }
0x1e: {  	s7 =	smul.u32 @!p0 $0xF7A, s2;
	p2 =	seq.s32 @!p0 s5, $0x0  }
0x1f: {  	s9 =	smul.u32 $0xF7A, s1;
	s8 =	simm.s32 @!p0 $0x1BF5;
	p2 =	por !p2, p0  }
0x20: {  	[sflag:s8] =	ssyncset.s32 @!p0 $0xFFFFF086;
	s6 =	sadd.s32 @!p0 s3, s7;
	s7 =	simm.s32 @!p0 $0x108  }
0x21: {  	s3 =	sadd.s32 s3, s9;
	s6 =	sadd.s32 @!p0 $0x88, s6;
	s7 =	simm.s32 @p2 $0x1082  }
0x22: {  	[simem:s7], [sflag:s8] =	dma.local @!p0 [hbm:s6], $0xF7A  }
0x23: {  	s9 =	sor.u32 $0xD0000000, s2;
	s6 =	simm.s32 $0x108;
	_ =	swait.ge @!p0 [sflag:s8], $0x0  }
0x24: {  	s3 =	sadd.s32 $0x88, s3;
	s6 =	simm.s32 @!p1 $0x1082;
	[sflag:s4] =	ssyncset.s32 $0xFFFFF086  }
0x25: {  	[simem:s6], [sflag:s4] =	dma.local [hbm:s3], $0xF7A  }
0x26: {  	[smem:$0x3F9B] =	sst s1;
	(tag) =	ssettag s2;
	_ =	strace s9  }
0x27: {  	s1 =	sld [smem:$0x3FAB]  }
0x28: {  	s2 =	sld [smem:$0x3FAC]  }
0x29: {  	s4 =	sld [smem:$0x3FAE]  }
0x2a: {  	p0 =	seq.s32 s5, $0x0;
	s5 =	sld [smem:$0x3FAF]  }
0x2b: {  	s6 =	sld [smem:$0x3FB0]  }
0x2c: {  	s7 =	sld [smem:$0x3FB1]  }
0x2d: {  	s3 =	simm.s32 $0x108;
	s8 =	sld [smem:$0x3FB2]  }
0x2e: {  	s3 =	simm.s32 @!p0 $0x1082;
	s9 =	sld [smem:$0x3FB3]  }
0x2f: {  	lr =	sadd.s32 s0, s3;
	s0 =	sld [smem:$0x3FAA]  }
0x30: {  	s3 =	sld [smem:$0x3FAD]  }
0x31: {  	[smem:$0x3FB6] =	sst s10  }
0x32: {  	s10 =	sld [smem:$0x3FB4];
	_ =	sdelay $0x3  }
0x33: {  	p0 =	seq.s32 s10, $0x1;
	s10 =	sld [smem:$0x3FB6];
	_ =	sdelay $0x3  }
0x34: {  	[smem:$0x3FB6] =	sst s10  }
0x35: {  	s10 =	sld [smem:$0x3FB5];
	_ =	sdelay $0x3  }
0x36: {  	p1 =	seq.s32 s10, $0x1;
	s10 =	sld [smem:$0x3FB6];
	_ =	sdelay $0x3  }
0x37: {  	[smem:$0x3FB6] =	sst s10  }
0x38: {  	s10 =	sld [smem:$0x3FB7]  }
0x39: {  	_ = 	snop;
	(pc) =	sbr.ind lr, $3  }
0x3a: {  	_ = 	snop  }
0x3b: {  	_ = 	snop  }
0x3c: {  	p2 =	seq.s32 s10, $0x1;
	s10 =	sld [smem:$0x3FB6]  }
0x3d: {  	_ =	shalt  }
0x3e: {  	_ =	shalt  }
0x3f: {  	_ =	shalt  }
0x40: {  	_ =	shalt  }
0x41: {  	_ =	shalt  }
0x42: {  	_ =	shalt  }
0x43: {  	_ =	shalt  }
0x44: {  	_ =	shalt  }
0x45: {  	_ =	shalt  }
0x46: {  	_ =	shalt  }
0x47: {  	_ =	shalt  }
0x48: {  	_ =	shalt  }
0x49: {  	_ =	shalt  }
0x4a: {  	_ =	shalt  }
0x4b: {  	_ =	shalt  }
0x4c: {  	_ =	shalt  }
0x4d: {  	_ =	shalt  }
0x4e: {  	_ =	shalt  }
0x4f: {  	_ =	shalt  }
0x50: {  	_ =	shalt  }
0x51: {  	_ =	shalt  }
0x52: {  	_ =	shalt  }
0x53: {  	_ =	shalt  }
0x54: {  	_ =	shalt  }
0x55: {  	_ =	shalt  }
0x56: {  	_ =	shalt  }
0x57: {  	_ =	shalt  }
0x58: {  	_ =	shalt  }
0x59: {  	_ =	shalt  }
0x5a: {  	_ =	shalt  }
0x5b: {  	_ =	shalt  }
0x5c: {  	_ =	shalt  }
0x5d: {  	_ =	shalt  }
0x5e: {  	_ =	shalt  }
0x5f: {  	_ =	shalt  }
0x60: {  	_ =	shalt  }
0x61: {  	_ =	shalt  }
0x62: {  	_ =	shalt  }
0x63: {  	_ =	shalt  }
0x64: {  	_ =	shalt  }
0x65: {  	_ =	shalt  }
0x66: {  	_ =	shalt  }
0x67: {  	_ =	shalt  }
0x68: {  	_ =	shalt  }
0x69: {  	_ =	shalt  }
0x6a: {  	_ =	shalt  }
0x6b: {  	_ =	shalt  }
0x6c: {  	_ =	shalt  }
0x6d: {  	_ =	shalt  }
0x6e: {  	_ =	shalt  }
0x6f: {  	_ =	shalt  }
0x70: {  	_ =	shalt  }
0x71: {  	_ =	shalt  }
0x72: {  	_ =	shalt  }
0x73: {  	_ =	shalt  }
0x74: {  	_ =	shalt  }
0x75: {  	_ =	shalt  }
0x76: {  	_ =	shalt  }
0x77: {  	_ =	shalt  }
0x78: {  	_ =	shalt  }
0x79: {  	_ =	shalt  }
0x7a: {  	_ =	shalt  }
0x7b: {  	_ =	shalt  }
0x7c: {  	_ =	shalt  }
0x7d: {  	_ =	shalt  }
0x7e: {  	_ =	shalt  }
0x7f: {  	_ =	shalt  }
0x80: {  	_ =	shalt  }
0x81: {  	_ =	shalt  }
0x82: {  	_ =	shalt  }
0x83: {  	_ =	shalt  }
0x84: {  	_ =	shalt  }
0x85: {  	_ =	shalt  }
0x86: {  	_ =	shalt  }
0x87: {  	_ =	shalt  }
.Lfunc_end0:
.L_simem_size_0:
called_computation_lowered:
.L_overlay_start_0:
0x88: {  	s2 =	sld [smem:$0x3FD9]  }
0x89: {  	s3 =	sld [smem:$0x3FFE];
	_ =	sdelay $0x1  }
0x8a: {  	s1 =	srdreg.scid  }
0x8b: {  	s0 =	sand.u32 $0x1, s1  }
0x8c: {  	s17 =	sshll.u32 s0, $0xA;
	s2 =	sadd.s32 s3, s2  }
0x8d: {  	s2 =	sadd.s32 s2, s17  }
0x8e: {  	[smem:$0x3FC2] =	sst s2  }
0x8f: {  	_ = 	snop  }
0x90: {  	s2 =	sld [smem:$0x3FC9];
	(tm) =	ssettm $0x1  }
0x91: {  	s18 =	sld [smem:$0x3FFB];
	_ =	sdelay $0x3  }
0x92: {  	_ =	strace s18  }
0x93: {  	s3 =	sld [smem:$0x3FFC];
	_ =	sdelay $0x3  }
0x94: {  	_ =	strace s3  }
0x95: {  	s3 =	sld [smem:$0x3FFD];
	_ =	sdelay $0x3  }
0x96: {  	_ =	strace s3  }
0x97: {  	_ =	strace $0x8FFFFFFF  }
0x98: {  	s19 =	sld [smem:$0x3FDB];
	_ =	sdelay $0x1  }
0x99: {  	s4 =	simm.s32 $_scs_section_size  }
0x9a: {  	s5 =	simm.s32 $_size__tile_overlayer_lowered;
	s6 =	simm.s32 $_tile_overlayer_lowered  }
0x9b: {  	s22 =	simm.s32 $0x1BFF;
	s21 =	sshll.u32 s6, $0x1;
	s3 =	sadd.s32 s4, s19  }
0x9c: {  	s7 =	simm.s32 $0x0;
	s20 =	sshll.u32 s5, $0x1;
	s5 =	sadd.s32 s21, s3  }
0x9d: {  	[timem:s7], [sflag:s22] =	dma.local [hbm:s5], s20  }
0x9e: {  	_ =	swait.ge [sflag:s22], s20  }
0x9f: {  	s4 =	ssub.s32 $0x0, s20;
	[sflag:s22] =	ssyncset.done $0x0  }
0xa0: {  	[sflag:s22] =	ssyncadd.s32 s4;
	_ =	sdelay $0x1  }
0xa1: {  	s23 =	simm.s32 $0x1B8B  }
0xa2: {  	_ =	swait.ge [sflag:s23], $0x1  }
0xa3: {  	[sflag:s23] =	ssyncset.done $0x0  }
0xa4: {  	s25 =	simm.s32 $0x1B8E;
	s24 =	sld [smem:$0x3FFE];
	[sflag:s23] =	ssyncadd.s32 $0xFFFFFFFF  }
0xa5: {  	s26 =	simm.s32 $execute0_lowered;
	[smem:$0x3FD2] =	sst s25  }
0xa6: {  	s5 =	sshll.u32 s26, $0x1;
	_ =	strace $0x80000046;
	[dreg:$0x1] =	wrdreg $0xFFFFFFFF  }
0xa7: {  	s28 =	simm.s32 $_size_execute0_lowered;
	s3 =	sadd.s32 s3, s5;
	[dreg:$0x0] =	wrdreg $0x0  }
0xa8: {  	s5 =	sshll.u32 s28, $0x1;
	[dreg:$0x2] =	wrdreg s3  }
0xa9: {  	[dreg:$0x3] =	wrdreg s5  }
0xaa: {  	[dreg:$0x4] =	wrdreg $0xC0  }
0xab: {  	_ =	task [dreg:s7], $0x5FFFF  }
0xac: {  	[dreg:$0x1] =	wrdreg $0xFFFFFFFF  }
0xad: {  	[dreg:$0x0] =	wrdreg $0x60  }
0xae: {  	[dreg:$0x2] =	wrdreg s2  }
0xaf: {  	[dreg:$0x3] =	wrdreg s24  }
0xb0: {  	[dreg:$0x4] =	wrdreg $0x9  }
0xb1: {  	_ =	task.clear_ibuf [dreg:s7], $0x5FFFF;
	_ =	strace $0x90000046  }
0xb2: {  	s29 =	simm.s32 $0x9;
	_ =	strace $0x80000048  }
0xb3: {  	_ =	swait.ge [sflag:s29], $0x1  }
0xb4: {  	[sflag:s29] =	ssyncadd.s32 $0xFFFFFFFF  }
0xb5: {  	_ =	strace $0x90000048  }
0xb6: {  	_ =	sfence  }
0xb7: {  	s30 =	sld [smem:$0x0];
	_ =	sdelay $0x2  }
0xb8: {  	s31 =	sshll.u32 s1, $0xD;
	s1 =	sshrl.u32 s1, $0x2  }
0xb9: {  	s3 =	sand.u32 $0x4000, s31;
	s1 =	sadd.s32 s1, s30  }
0xba: {  	s0 =	sor.u32 s3, s0;
	s1 =	sshll.u32 s1, $0x11  }
0xbb: {  	s0 =	sor.u32 s1, s0  }
0xbc: {  	s0 =	sadd.s32 $0x8F2B, s0  }
0xbd: {  	[sflag:s0] =	ssyncadd.remote.s32 $0x1  }
0xbe: {  	_ =	sfence.sel $0xFFFF  }
0xbf: {  	[dreg:$0x0] =	wrdreg $0xFFFFFFFF;
	(pc) =	sbr.abs _section_cstart, $3  }
0xc0: {  	[dreg:$0x1] =	wrdreg $0xFFFFFFFF  }
0xc1: {  	_ =	task.clear_ibuf [dreg:s7], $0x2FFFF;
	_ =	strace $0x9FFFFFFF  }
0xc2: {  	(tm) =	ssettm $0x7FFFFFFF  }
0xc3: {  	_ =	shalt  }
tec
execute0_lowered:
.L_overlay_start_1:
0x0: {  	(tag) =	ssettag $0x1  }
0x1: {  	s0 =	rddreg [dreg:$0x0]  }
0x2: {  	s1 =	rddreg [dreg:$0x1]  }
0x3: {  	s3 =	srdreg.scid;
	s4 =	stileid.u32;
	s2 =	simm.s32 $0x0  }
0x4: {  	s8 =	simm.s32 $0x3;
	s26 =	simm.s32 $0x80;
	s10 =	simm.s32 $0x2  }
0x5: {  	s13 =	simm.s32 $0x1900;
	s14 =	simm.s32 $0x2100;
	s15 =	simm.s32 $0x2900  }
0x6: {  	s16 =	simm.s32 $0x3100;
	s17 =	simm.s32 $0x3900;
	s18 =	simm.s32 $0x4100  }
0x7: {  	s19 =	simm.s32 $0x4900;
	s20 =	simm.s32 $0x5100;
	s21 =	simm.s32 $0x5900  }
0x8: {  	s22 =	simm.s32 $0x6100;
	s23 =	simm.s32 $0x6900;
	s24 =	simm.s32 $0x7100  }
0x9: {  	s28 =	simm.s32 $0x8900;
	s29 =	simm.s32 $0x9100;
	s30 =	simm.s32 $0x9900  }
0xa: {  	s31 =	simm.s32 $0xA100;
	s3 =	sand.u32 $0x1, s3;
	s4 =	sshll.u32 s4, $0x1  }
0xb: {  	s9 =	simm.s32 $0xB900;
	[smem:$0x7FF] =	sst s2;
	s4 =	sor.u32 s3, s4  }
0xc: {  	_ =	strace $0x80000047;
	s3 =	ssub.s32 $0x2, s3;
	[dreg:$0x5] =	wrdreg s26  }
0xd: {  	s26 =	simm.s32 $0x8100;
	s5 =	sshll.u32 s4, $0x4;
	s25 =	smul.u32 $0x1800, s4  }
0xe: {  	s4 =	sadd.s32 $0x400, s1;
	s6 =	sshrl.u32 s3, $0x1;
	s7 =	sadd.s32 s1, s5  }
0xf: {  	s3 =	ssub.s32 s3, s6;
	s5 =	sadd.s32 $0x500, s1;
	s6 =	sadd.s32 $0x600, s1  }
0x10: {  	v2 =	vlaneseq.u32;
	s1 =	simm.s32 $0xB100;
	[dreg:$0x6] =	wrdreg s7;
	s7 =	sadd.s32 $0x200, s7  }
0x11: {  	vm0 =	vmmov $0xffff;
	v1 =	vshrl.u32 v2, $0x3;
	s0 =	sadd.s32 s0, s25;
	s25 =	simm.s32 $0x7900;
	[dreg:$0x3] =	wrdreg s7  }
0x12: {  	v0 =	vand.u32 $0x7, v2;
	v2 =	vor.u32 $0x8, v2;
	v1 =	vmul.u32 $0x8, v1;
	[dreg:$0x4] =	wrdreg s0;
	s7 =	smax.u32 s3, $0x1;
	s3 =	simm.s32 $0x100  }
.LBB2_1:
0x13: {  	s11 =	rddreg [dreg:$0x6]  }
0x14: {  	[tilespmem:s2], [sflag:$0x3] =	stream.linear.gather [hbm4b:s11+s2], $0x80, $0x38;
	[tilespmem:$0xC100] =	vst v63  }
0x15: {  	_ =	swait.ge [sflag:s8], $0x80  }
0x16: {  	s0 =	rddreg [dreg:$0x3];
	[sflag:s8] =	ssyncset.done $0x0  }
0x17: {  	s12 =	rddreg [dreg:$0x5];
	[sflag:s8] =	ssyncadd.s32 $0xFFFFFF80  }
0x18: {  	[tilespmem:s12], [sflag:$0x3] =	stream.linear.gather [hbm4b:s0+s2], $0x80, $0x38;
	[tilespmem:$0xC100] =	vst v63  }
0x19: {  	_ =	swait.ge [sflag:s8], $0x80  }
0x1a: {  	[sflag:s8] =	ssyncset.done $0x0  }
0x1b: {  	s0 =	rddreg [dreg:$0x4];
	[sflag:s8] =	ssyncadd.s32 $0xFFFFFF80  }
0x1c: {  	[tilespmem:s3], [sflag:$0x3] =	stream.linear.gather [hbm4b:s0+s2], $0xC000, $0x38;
	[tilespmem:$0xC100] =	vst v63  }
0x1d: {  	_ =	swait.ge [sflag:s8], $0xC000  }
0x1e: {  	[sflag:s8] =	ssyncset.done $0x0  }
0x1f: {  	[sflag:s8] =	ssyncadd.s32 $0xFFFF4000  }
0x20: {  	v3 =	vld [tilespmem:$0x0];
	_ =	sdelay $0x4  }
0x21: {  	v4 =	vshrl.u32 v3, $0x3  }
0x22: {  	v4 =	vmul.u32 $0x30, v4  }
0x23: {  	v3 =	vand.u32 $0x7, v3  }
0x24: {  	v3 =	vor.u32 v3, v4  }
0x25: {  	v4 =	vperm.xlane v3, v0;
	_ =	sdelay $0x1  }
0x26: {  	v4 =	vadd.s32 v1, v4;
	_ =	sdelay $0x3  }
0x27: {  	v3 =	vperm.xlane v3, v2  }
0x28: {  	[hbm4b:s4+s2] =	stream.indirect_vreg.scatter [tilespmem:s3], [sflag:$0x1], $0x80, v4, vm0, $0xb8;
	[tilespmem:$0xC100] =	vst v63  }
0x29: {  	s11 =	simm.s32 $0x900;
	v3 =	vadd.s32 v1, v3  }
0x2a: {  	[hbm4b:s5+s2] =	stream.indirect_vreg.scatter [tilespmem:s11], [sflag:$0x1], $0x80, v4, vm0, $0xb8;
	[tilespmem:$0xC100] =	vst v63  }
0x2b: {  	s12 =	simm.s32 $0x1100  }
0x2c: {  	[hbm4b:s6+s2] =	stream.indirect_vreg.scatter [tilespmem:s12], [sflag:$0x1], $0x80, v4, vm0, $0xb8;
	[tilespmem:$0xC100] =	vst v63  }
0x2d: {  	_ = 	snop  }
0x2e: {  	[hbm4b:s4+s2] =	stream.indirect_vreg.scatter [tilespmem:s13], [sflag:$0x1], $0x80, v3, vm0, $0xb8;
	[tilespmem:$0xC100] =	vst v63  }
0x2f: {  	_ = 	snop  }
0x30: {  	[hbm4b:s5+s2] =	stream.indirect_vreg.scatter [tilespmem:s14], [sflag:$0x1], $0x80, v3, vm0, $0xb8;
	[tilespmem:$0xC100] =	vst v63  }
0x31: {  	_ = 	snop  }
0x32: {  	[hbm4b:s6+s2] =	stream.indirect_vreg.scatter [tilespmem:s15], [sflag:$0x1], $0x80, v3, vm0, $0xb8;
	[tilespmem:$0xC100] =	vst v63  }
0x33: {  	v3 =	vld [tilespmem:$0x10];
	_ =	sdelay $0x4  }
0x34: {  	v57 =	vshrl.u32 v3, $0x3  }
0x35: {  	v4 =	vmul.u32 $0x30, v57  }
0x36: {  	v3 =	vand.u32 $0x7, v3  }
0x37: {  	v3 =	vor.u32 v3, v4  }
0x38: {  	v4 =	vperm.xlane v3, v0;
	_ =	sdelay $0x1  }
0x39: {  	v4 =	vadd.s32 v1, v4;
	_ =	sdelay $0x3  }
0x3a: {  	v3 =	vperm.xlane v3, v2  }
0x3b: {  	[hbm4b:s4+s2] =	stream.indirect_vreg.scatter [tilespmem:s16], [sflag:$0x1], $0x80, v4, vm0, $0xb8;
	[tilespmem:$0xC100] =	vst v63  }
0x3c: {  	v3 =	vadd.s32 v1, v3  }
0x3d: {  	[hbm4b:s5+s2] =	stream.indirect_vreg.scatter [tilespmem:s17], [sflag:$0x1], $0x80, v4, vm0, $0xb8;
	[tilespmem:$0xC100] =	vst v63  }
0x3e: {  	_ = 	snop  }
0x3f: {  	[hbm4b:s6+s2] =	stream.indirect_vreg.scatter [tilespmem:s18], [sflag:$0x1], $0x80, v4, vm0, $0xb8;
	[tilespmem:$0xC100] =	vst v63  }
0x40: {  	_ = 	snop  }
0x41: {  	[hbm4b:s4+s2] =	stream.indirect_vreg.scatter [tilespmem:s19], [sflag:$0x1], $0x80, v3, vm0, $0xb8;
	[tilespmem:$0xC100] =	vst v63  }
0x42: {  	_ = 	snop  }
0x43: {  	[hbm4b:s5+s2] =	stream.indirect_vreg.scatter [tilespmem:s20], [sflag:$0x1], $0x80, v3, vm0, $0xb8;
	[tilespmem:$0xC100] =	vst v63  }
0x44: {  	_ = 	snop  }
0x45: {  	[hbm4b:s6+s2] =	stream.indirect_vreg.scatter [tilespmem:s21], [sflag:$0x1], $0x80, v3, vm0, $0xb8;
	[tilespmem:$0xC100] =	vst v63  }
0x46: {  	v3 =	vld [tilespmem:$0x20];
	_ =	sdelay $0x4  }
0x47: {  	v58 =	vshrl.u32 v3, $0x3  }
0x48: {  	v4 =	vmul.u32 $0x30, v58  }
0x49: {  	v3 =	vand.u32 $0x7, v3  }
0x4a: {  	v3 =	vor.u32 v3, v4  }
0x4b: {  	v4 =	vperm.xlane v3, v0;
	_ =	sdelay $0x1  }
0x4c: {  	v4 =	vadd.s32 v1, v4;
	_ =	sdelay $0x3  }
0x4d: {  	v3 =	vperm.xlane v3, v2  }
0x4e: {  	[hbm4b:s4+s2] =	stream.indirect_vreg.scatter [tilespmem:s22], [sflag:$0x1], $0x80, v4, vm0, $0xb8;
	[tilespmem:$0xC100] =	vst v63  }
0x4f: {  	v3 =	vadd.s32 v1, v3  }
0x50: {  	[hbm4b:s5+s2] =	stream.indirect_vreg.scatter [tilespmem:s23], [sflag:$0x1], $0x80, v4, vm0, $0xb8;
	[tilespmem:$0xC100] =	vst v63  }
0x51: {  	_ = 	snop  }
0x52: {  	[hbm4b:s6+s2] =	stream.indirect_vreg.scatter [tilespmem:s24], [sflag:$0x1], $0x80, v4, vm0, $0xb8;
	[tilespmem:$0xC100] =	vst v63  }
0x53: {  	_ = 	snop  }
0x54: {  	[hbm4b:s4+s2] =	stream.indirect_vreg.scatter [tilespmem:s25], [sflag:$0x1], $0x80, v3, vm0, $0xb8;
	[tilespmem:$0xC100] =	vst v63  }
0x55: {  	_ = 	snop  }
0x56: {  	[hbm4b:s5+s2] =	stream.indirect_vreg.scatter [tilespmem:s26], [sflag:$0x1], $0x80, v3, vm0, $0xb8;
	[tilespmem:$0xC100] =	vst v63  }
0x57: {  	_ = 	snop  }
0x58: {  	[hbm4b:s6+s2] =	stream.indirect_vreg.scatter [tilespmem:s28], [sflag:$0x1], $0x80, v3, vm0, $0xb8;
	[tilespmem:$0xC100] =	vst v63  }
0x59: {  	v3 =	vld [tilespmem:$0x30];
	_ =	sdelay $0x4  }
0x5a: {  	v59 =	vshrl.u32 v3, $0x3  }
0x5b: {  	v4 =	vmul.u32 $0x30, v59  }
0x5c: {  	v3 =	vand.u32 $0x7, v3  }
0x5d: {  	v3 =	vor.u32 v3, v4  }
0x5e: {  	v4 =	vperm.xlane v3, v0;
	_ =	sdelay $0x1  }
0x5f: {  	v4 =	vadd.s32 v1, v4;
	_ =	sdelay $0x3  }
0x60: {  	v3 =	vperm.xlane v3, v2  }
0x61: {  	[hbm4b:s4+s2] =	stream.indirect_vreg.scatter [tilespmem:s29], [sflag:$0x1], $0x80, v4, vm0, $0xb8;
	[tilespmem:$0xC100] =	vst v63  }
0x62: {  	v3 =	vadd.s32 v1, v3  }
0x63: {  	[hbm4b:s5+s2] =	stream.indirect_vreg.scatter [tilespmem:s30], [sflag:$0x1], $0x80, v4, vm0, $0xb8;
	[tilespmem:$0xC100] =	vst v63  }
0x64: {  	_ = 	snop  }
0x65: {  	[hbm4b:s6+s2] =	stream.indirect_vreg.scatter [tilespmem:s31], [sflag:$0x1], $0x80, v4, vm0, $0xb8;
	[tilespmem:$0xC100] =	vst v63  }
0x66: {  	s0 =	simm.s32 $0xA900  }
0x67: {  	[hbm4b:s4+s2] =	stream.indirect_vreg.scatter [tilespmem:s0], [sflag:$0x1], $0x80, v3, vm0, $0xb8;
	[tilespmem:$0xC100] =	vst v63  }
0x68: {  	_ = 	snop  }
0x69: {  	[hbm4b:s5+s2] =	stream.indirect_vreg.scatter [tilespmem:s1], [sflag:$0x1], $0x80, v3, vm0, $0xb8;
	[tilespmem:$0xC100] =	vst v63  }
0x6a: {  	_ = 	snop  }
0x6b: {  	[hbm4b:s6+s2] =	stream.indirect_vreg.scatter [tilespmem:s9], [sflag:$0x1], $0x80, v3, vm0, $0xb8;
	[tilespmem:$0xC100] =	vst v63  }
0x6c: {  	v3 =	vld [tilespmem:$0x80];
	_ =	sdelay $0x4  }
0x6d: {  	v60 =	vshrl.u32 v3, $0x3  }
0x6e: {  	v4 =	vmul.u32 $0x30, v60  }
0x6f: {  	v3 =	vand.u32 $0x7, v3  }
0x70: {  	v3 =	vor.u32 v3, v4  }
0x71: {  	v4 =	vperm.xlane v3, v0;
	_ =	sdelay $0x1  }
0x72: {  	v4 =	vadd.s32 v1, v4;
	_ =	sdelay $0x3  }
0x73: {  	v3 =	vperm.xlane v3, v2  }
0x74: {  	[hbm4b:s4+s2] =	stream.indirect_vreg.scatter [tilespmem:s3], [sflag:$0x2], $0x80, v4, vm0, $0xb8;
	[tilespmem:$0xC100] =	vst v63  }
0x75: {  	v3 =	vadd.s32 v1, v3  }
0x76: {  	[hbm4b:s5+s2] =	stream.indirect_vreg.scatter [tilespmem:s11], [sflag:$0x2], $0x80, v4, vm0, $0xb8;
	[tilespmem:$0xC100] =	vst v63  }
0x77: {  	_ = 	snop  }
0x78: {  	[hbm4b:s6+s2] =	stream.indirect_vreg.scatter [tilespmem:s12], [sflag:$0x2], $0x80, v4, vm0, $0xb8;
	[tilespmem:$0xC100] =	vst v63  }
0x79: {  	_ = 	snop  }
0x7a: {  	[hbm4b:s4+s2] =	stream.indirect_vreg.scatter [tilespmem:s13], [sflag:$0x2], $0x80, v3, vm0, $0xb8;
	[tilespmem:$0xC100] =	vst v63  }
0x7b: {  	_ = 	snop  }
0x7c: {  	[hbm4b:s5+s2] =	stream.indirect_vreg.scatter [tilespmem:s14], [sflag:$0x2], $0x80, v3, vm0, $0xb8;
	[tilespmem:$0xC100] =	vst v63  }
0x7d: {  	_ = 	snop  }
0x7e: {  	[hbm4b:s6+s2] =	stream.indirect_vreg.scatter [tilespmem:s15], [sflag:$0x2], $0x80, v3, vm0, $0xb8;
	[tilespmem:$0xC100] =	vst v63  }
0x7f: {  	v3 =	vld [tilespmem:$0x90];
	_ =	sdelay $0x4  }
0x80: {  	v61 =	vshrl.u32 v3, $0x3  }
0x81: {  	v4 =	vmul.u32 $0x30, v61  }
0x82: {  	v3 =	vand.u32 $0x7, v3  }
0x83: {  	v3 =	vor.u32 v3, v4  }
0x84: {  	v4 =	vperm.xlane v3, v0;
	_ =	sdelay $0x1  }
0x85: {  	v4 =	vadd.s32 v1, v4;
	_ =	sdelay $0x3  }
0x86: {  	v3 =	vperm.xlane v3, v2  }
0x87: {  	[hbm4b:s4+s2] =	stream.indirect_vreg.scatter [tilespmem:s16], [sflag:$0x2], $0x80, v4, vm0, $0xb8;
	[tilespmem:$0xC100] =	vst v63  }
0x88: {  	v3 =	vadd.s32 v1, v3  }
0x89: {  	[hbm4b:s5+s2] =	stream.indirect_vreg.scatter [tilespmem:s17], [sflag:$0x2], $0x80, v4, vm0, $0xb8;
	[tilespmem:$0xC100] =	vst v63  }
0x8a: {  	_ = 	snop  }
0x8b: {  	[hbm4b:s6+s2] =	stream.indirect_vreg.scatter [tilespmem:s18], [sflag:$0x2], $0x80, v4, vm0, $0xb8;
	[tilespmem:$0xC100] =	vst v63  }
0x8c: {  	_ = 	snop  }
0x8d: {  	[hbm4b:s4+s2] =	stream.indirect_vreg.scatter [tilespmem:s19], [sflag:$0x2], $0x80, v3, vm0, $0xb8;
	[tilespmem:$0xC100] =	vst v63  }
0x8e: {  	_ = 	snop  }
0x8f: {  	[hbm4b:s5+s2] =	stream.indirect_vreg.scatter [tilespmem:s20], [sflag:$0x2], $0x80, v3, vm0, $0xb8;
	[tilespmem:$0xC100] =	vst v63  }
0x90: {  	_ = 	snop  }
0x91: {  	[hbm4b:s6+s2] =	stream.indirect_vreg.scatter [tilespmem:s21], [sflag:$0x2], $0x80, v3, vm0, $0xb8;
	[tilespmem:$0xC100] =	vst v63  }
0x92: {  	v3 =	vld [tilespmem:$0xA0];
	_ =	sdelay $0x4  }
0x93: {  	v62 =	vshrl.u32 v3, $0x3  }
0x94: {  	v4 =	vmul.u32 $0x30, v62  }
0x95: {  	v3 =	vand.u32 $0x7, v3  }
0x96: {  	v3 =	vor.u32 v3, v4  }
0x97: {  	v4 =	vperm.xlane v3, v0;
	_ =	sdelay $0x1  }
0x98: {  	v4 =	vadd.s32 v1, v4;
	_ =	sdelay $0x3  }
0x99: {  	v3 =	vperm.xlane v3, v2  }
0x9a: {  	[hbm4b:s4+s2] =	stream.indirect_vreg.scatter [tilespmem:s22], [sflag:$0x2], $0x80, v4, vm0, $0xb8;
	[tilespmem:$0xC100] =	vst v63  }
0x9b: {  	v3 =	vadd.s32 v1, v3  }
0x9c: {  	[hbm4b:s5+s2] =	stream.indirect_vreg.scatter [tilespmem:s23], [sflag:$0x2], $0x80, v4, vm0, $0xb8;
	[tilespmem:$0xC100] =	vst v63  }
0x9d: {  	_ = 	snop  }
0x9e: {  	[hbm4b:s6+s2] =	stream.indirect_vreg.scatter [tilespmem:s24], [sflag:$0x2], $0x80, v4, vm0, $0xb8;
	[tilespmem:$0xC100] =	vst v63  }
0x9f: {  	_ = 	snop  }
0xa0: {  	[hbm4b:s4+s2] =	stream.indirect_vreg.scatter [tilespmem:s25], [sflag:$0x2], $0x80, v3, vm0, $0xb8;
	[tilespmem:$0xC100] =	vst v63  }
0xa1: {  	_ = 	snop  }
0xa2: {  	[hbm4b:s5+s2] =	stream.indirect_vreg.scatter [tilespmem:s26], [sflag:$0x2], $0x80, v3, vm0, $0xb8;
	[tilespmem:$0xC100] =	vst v63  }
0xa3: {  	_ = 	snop  }
0xa4: {  	[hbm4b:s6+s2] =	stream.indirect_vreg.scatter [tilespmem:s28], [sflag:$0x2], $0x80, v3, vm0, $0xb8;
	[tilespmem:$0xC100] =	vst v63  }
0xa5: {  	v3 =	vld [tilespmem:$0xB0];
	_ =	sdelay $0x4  }
0xa6: {  	v63 =	vshrl.u32 v3, $0x3  }
0xa7: {  	v4 =	vmul.u32 $0x30, v63  }
0xa8: {  	v3 =	vand.u32 $0x7, v3  }
0xa9: {  	v3 =	vor.u32 v3, v4  }
0xaa: {  	v4 =	vperm.xlane v3, v0;
	_ =	sdelay $0x1  }
0xab: {  	v4 =	vadd.s32 v1, v4;
	_ =	sdelay $0x3  }
0xac: {  	v3 =	vperm.xlane v3, v2  }
0xad: {  	[hbm4b:s4+s2] =	stream.indirect_vreg.scatter [tilespmem:s29], [sflag:$0x2], $0x80, v4, vm0, $0xb8;
	[tilespmem:$0xC100] =	vst v63  }
0xae: {  	v3 =	vadd.s32 v1, v3  }
0xaf: {  	[hbm4b:s5+s2] =	stream.indirect_vreg.scatter [tilespmem:s30], [sflag:$0x2], $0x80, v4, vm0, $0xb8;
	[tilespmem:$0xC100] =	vst v63  }
0xb0: {  	_ = 	snop  }
0xb1: {  	[hbm4b:s6+s2] =	stream.indirect_vreg.scatter [tilespmem:s31], [sflag:$0x2], $0x80, v4, vm0, $0xb8;
	[tilespmem:$0xC100] =	vst v63  }
0xb2: {  	_ = 	snop  }
0xb3: {  	[hbm4b:s4+s2] =	stream.indirect_vreg.scatter [tilespmem:s0], [sflag:$0x2], $0x80, v3, vm0, $0xb8;
	[tilespmem:$0xC100] =	vst v63  }
0xb4: {  	_ = 	snop  }
0xb5: {  	[hbm4b:s5+s2] =	stream.indirect_vreg.scatter [tilespmem:s1], [sflag:$0x2], $0x80, v3, vm0, $0xb8;
	[tilespmem:$0xC100] =	vst v63  }
0xb6: {  	s12 =	simm.s32 $0x1  }
0xb7: {  	[hbm4b:s6+s2] =	stream.indirect_vreg.scatter [tilespmem:s9], [sflag:$0x2], $0x80, v3, vm0, $0xb8;
	[tilespmem:$0xC100] =	vst v63  }
0xb8: {  	p0 =	sne.s32 s7, $0x1;
	_ =	swait.ge [sflag:s12], $0xC000  }
.Ltmp0:
0xb9: {  	[sflag:s12] =	ssyncset.done $0x0;
	(pc) =	sbr.rel @p0 .LBB2_1-.Ltmp0, $4  }
0xba: {  	[sflag:s12] =	ssyncadd.s32 $0xFFFF4000  }
0xbb: {  	_ =	swait.ge [sflag:s10], $0xC000  }
0xbc: {  	[sflag:s10] =	ssyncset.done $0x0  }
0xbd: {  	s7 =	sadd.s32 $0xFFFFFFFF, s7;
	[sflag:s10] =	ssyncadd.s32 $0xFFFF4000  }
0xbe: {  	_ =	sfence.sel $0x180000  }
0xbf: {  	[bflag:$0x0] =	sbarrier.arrive $0xFFFF  }
0xc0: {  	_ =	strace $0x90000047  }
0xc1: {  	s0 =	stileid.u32;
	[bflag:$0x2] =	sbarrier.arrive $0xFFFF  }
0xc2: {  	p0 =	sne.s32 s0, $0x0;
	s0 =	rddreg [dreg:$0x2]  }
0xc3: {  	s0 =	sadd.s32 @!p0 $0x100000, s0  }
0xc4: {  	[sflag:s0] =	ssyncadd.tile.s32 @!p0 $0x1;
	_ =	shalt  }
.Lfunc_end2:
_tile_overlayer_lowered:
.L_overlay_start_2:
0xc5: {  	(tag) =	ssettag $0x2  }
0xc6: {  	s0 =	rddreg [dreg:$0x0];
	s2 =	stileid.u32  }
0xc7: {  	s1 =	rddreg [dreg:$0x1];
	p0 =	sne.s32 s2, $0x0  }
0xc8: {  	s3 =	rddreg [dreg:$0x2];
	[bflag:$0x3] =	sbarrier.arrive $0xFFFF;
	s2 =	simm.s32 @!p0 $0x1C03  }
0xc9: {  	[timem:s3], [sflag:s2] =	dma.local @!p0 [hbm:s0], s1  }
0xca: {  	s0 =	simm.s32 @!p0 $0x3  }
0xcb: {  	_ =	swait.ge @!p0 [sflag:s0], s1  }
0xcc: {  	s1 =	ssub.s32 @!p0 $0x0, s1;
	[sflag:s0] =	ssyncset.done @!p0 $0x0  }
0xcd: {  	[sflag:s0] =	ssyncadd.s32 @!p0 s1  }
0xce: {  	[bflag:$0x3] =	sbarrier.arrive $0xFFFF  }
0xcf: {  	_ =	shalt  }

// kernel: kernel.8.cloned.1.call-start
scs
__scs_entry_jumppad:
0x0: {  	(pc) =	sbr.rel $0x88, $3  }
0x1: {  	(tag) =	ssettag $0x0;
	lr =	simm.s32 $0x1  }
0x2: {  	[smem:$0x3F9B] =	sst lr;
	_ =	strace $0xD0000000  }
0x3: {  	_ = 	snop  }
0x4: {  	_ = 	snop  }
0x5: {  	_ = 	snop  }
0x6: {  	_ = 	snop  }
0x7: {  	_ = 	snop  }
__scs_overlays_trampoline_lowered:
0x8: {  	[smem:$0x3FAA] =	sst s0  }
0x9: {  	[smem:$0x3FAB] =	sst s1  }
0xa: {  	[smem:$0x3FAC] =	sst s2  }
0xb: {  	[smem:$0x3FAD] =	sst s3  }
0xc: {  	[smem:$0x3FAE] =	sst s4  }
0xd: {  	[smem:$0x3FAF] =	sst s5  }
0xe: {  	[smem:$0x3FB0] =	sst s6  }
0xf: {  	[smem:$0x3FB1] =	sst s7  }
0x10: {  	[smem:$0x3FB2] =	sst s8  }
0x11: {  	[smem:$0x3FB3] =	sst s9;
	s0 =	simm.s32 @!p0 $0x0  }
0x12: {  	s1 =	sld [smem:$0x3F99];
	s0 =	simm.s32 @p0 $0x1  }
0x13: {  	[smem:$0x3FB4] =	sst s0;
	s0 =	simm.s32 @!p1 $0x0  }
0x14: {  	s2 =	sld [smem:$0x3F98];
	s0 =	simm.s32 @p1 $0x1  }
0x15: {  	[smem:$0x3FB5] =	sst s0;
	s0 =	simm.s32 @!p2 $0x0  }
0x16: {  	s3 =	sld [smem:$0x3FDB];
	s0 =	simm.s32 @p2 $0x1  }
0x17: {  	s4 =	simm.s32 $0x1BF5;
	[smem:$0x3FB7] =	sst s0  }
0x18: {  	s0 =	sld [smem:$0x3F9A];
	_ =	swait.ge [sflag:s4], $0x0  }
0x19: {  	s7 =	sld [smem:$0x3F9B]  }
0x1a: {  	s8 =	sadd.s32 $0xFFFFE003, lr  }
0x1b: {  	s9 =	sadd.s32 $0xFFFFFEF7, lr;
	s5 =	simm.s32 $0xFFFFFFFF;
	p2 =	slt.u32 s8, $0xFFFFF086  }
0x1c: {  	p1 =	slt.u32 s9, $0xF7A;
	s5 =	simm.s32 @!p2 $0x0  }
0x1d: {  	s5 =	simm.s32 @p1 $0x1;
	p0 =	seq.s32 s7, s2  }
0x1e: {  	s7 =	smul.u32 @!p0 $0xF7A, s2;
	p2 =	seq.s32 @!p0 s5, $0x0  }
0x1f: {  	s9 =	smul.u32 $0xF7A, s1;
	s8 =	simm.s32 @!p0 $0x1BF5;
	p2 =	por !p2, p0  }
0x20: {  	[sflag:s8] =	ssyncset.s32 @!p0 $0xFFFFF086;
	s6 =	sadd.s32 @!p0 s3, s7;
	s7 =	simm.s32 @!p0 $0x108  }
0x21: {  	s3 =	sadd.s32 s3, s9;
	s6 =	sadd.s32 @!p0 $0x88, s6;
	s7 =	simm.s32 @p2 $0x1082  }
0x22: {  	[simem:s7], [sflag:s8] =	dma.local @!p0 [hbm:s6], $0xF7A  }
0x23: {  	s9 =	sor.u32 $0xD0000000, s2;
	s6 =	simm.s32 $0x108;
	_ =	swait.ge @!p0 [sflag:s8], $0x0  }
0x24: {  	s3 =	sadd.s32 $0x88, s3;
	s6 =	simm.s32 @!p1 $0x1082;
	[sflag:s4] =	ssyncset.s32 $0xFFFFF086  }
0x25: {  	[simem:s6], [sflag:s4] =	dma.local [hbm:s3], $0xF7A  }
0x26: {  	[smem:$0x3F9B] =	sst s1;
	(tag) =	ssettag s2;
	_ =	strace s9  }
0x27: {  	s1 =	sld [smem:$0x3FAB]  }
0x28: {  	s2 =	sld [smem:$0x3FAC]  }
0x29: {  	s4 =	sld [smem:$0x3FAE]  }
0x2a: {  	p0 =	seq.s32 s5, $0x0;
	s5 =	sld [smem:$0x3FAF]  }
0x2b: {  	s6 =	sld [smem:$0x3FB0]  }
0x2c: {  	s7 =	sld [smem:$0x3FB1]  }
0x2d: {  	s3 =	simm.s32 $0x108;
	s8 =	sld [smem:$0x3FB2]  }
0x2e: {  	s3 =	simm.s32 @!p0 $0x1082;
	s9 =	sld [smem:$0x3FB3]  }
0x2f: {  	lr =	sadd.s32 s0, s3;
	s0 =	sld [smem:$0x3FAA]  }
0x30: {  	s3 =	sld [smem:$0x3FAD]  }
0x31: {  	[smem:$0x3FB6] =	sst s10  }
0x32: {  	s10 =	sld [smem:$0x3FB4];
	_ =	sdelay $0x3  }
0x33: {  	p0 =	seq.s32 s10, $0x1;
	s10 =	sld [smem:$0x3FB6];
	_ =	sdelay $0x3  }
0x34: {  	[smem:$0x3FB6] =	sst s10  }
0x35: {  	s10 =	sld [smem:$0x3FB5];
	_ =	sdelay $0x3  }
0x36: {  	p1 =	seq.s32 s10, $0x1;
	s10 =	sld [smem:$0x3FB6];
	_ =	sdelay $0x3  }
0x37: {  	[smem:$0x3FB6] =	sst s10  }
0x38: {  	s10 =	sld [smem:$0x3FB7]  }
0x39: {  	_ = 	snop;
	(pc) =	sbr.ind lr, $3  }
0x3a: {  	_ = 	snop  }
0x3b: {  	_ = 	snop  }
0x3c: {  	p2 =	seq.s32 s10, $0x1;
	s10 =	sld [smem:$0x3FB6]  }
0x3d: {  	_ =	shalt  }
0x3e: {  	_ =	shalt  }
0x3f: {  	_ =	shalt  }
0x40: {  	_ =	shalt  }
0x41: {  	_ =	shalt  }
0x42: {  	_ =	shalt  }
0x43: {  	_ =	shalt  }
0x44: {  	_ =	shalt  }
0x45: {  	_ =	shalt  }
0x46: {  	_ =	shalt  }
0x47: {  	_ =	shalt  }
0x48: {  	_ =	shalt  }
0x49: {  	_ =	shalt  }
0x4a: {  	_ =	shalt  }
0x4b: {  	_ =	shalt  }
0x4c: {  	_ =	shalt  }
0x4d: {  	_ =	shalt  }
0x4e: {  	_ =	shalt  }
0x4f: {  	_ =	shalt  }
0x50: {  	_ =	shalt  }
0x51: {  	_ =	shalt  }
0x52: {  	_ =	shalt  }
0x53: {  	_ =	shalt  }
0x54: {  	_ =	shalt  }
0x55: {  	_ =	shalt  }
0x56: {  	_ =	shalt  }
0x57: {  	_ =	shalt  }
0x58: {  	_ =	shalt  }
0x59: {  	_ =	shalt  }
0x5a: {  	_ =	shalt  }
0x5b: {  	_ =	shalt  }
0x5c: {  	_ =	shalt  }
0x5d: {  	_ =	shalt  }
0x5e: {  	_ =	shalt  }
0x5f: {  	_ =	shalt  }
0x60: {  	_ =	shalt  }
0x61: {  	_ =	shalt  }
0x62: {  	_ =	shalt  }
0x63: {  	_ =	shalt  }
0x64: {  	_ =	shalt  }
0x65: {  	_ =	shalt  }
0x66: {  	_ =	shalt  }
0x67: {  	_ =	shalt  }
0x68: {  	_ =	shalt  }
0x69: {  	_ =	shalt  }
0x6a: {  	_ =	shalt  }
0x6b: {  	_ =	shalt  }
0x6c: {  	_ =	shalt  }
0x6d: {  	_ =	shalt  }
0x6e: {  	_ =	shalt  }
0x6f: {  	_ =	shalt  }
0x70: {  	_ =	shalt  }
0x71: {  	_ =	shalt  }
0x72: {  	_ =	shalt  }
0x73: {  	_ =	shalt  }
0x74: {  	_ =	shalt  }
0x75: {  	_ =	shalt  }
0x76: {  	_ =	shalt  }
0x77: {  	_ =	shalt  }
0x78: {  	_ =	shalt  }
0x79: {  	_ =	shalt  }
0x7a: {  	_ =	shalt  }
0x7b: {  	_ =	shalt  }
0x7c: {  	_ =	shalt  }
0x7d: {  	_ =	shalt  }
0x7e: {  	_ =	shalt  }
0x7f: {  	_ =	shalt  }
0x80: {  	_ =	shalt  }
0x81: {  	_ =	shalt  }
0x82: {  	_ =	shalt  }
0x83: {  	_ =	shalt  }
0x84: {  	_ =	shalt  }
0x85: {  	_ =	shalt  }
0x86: {  	_ =	shalt  }
0x87: {  	_ =	shalt  }
.Lfunc_end0:
.L_simem_size_0:
called_computation.1_lowered:
.L_overlay_start_0:
0x88: {  	s2 =	sld [smem:$0x3FD9]  }
0x89: {  	s3 =	sld [smem:$0x3FFE];
	_ =	sdelay $0x1  }
0x8a: {  	s1 =	srdreg.scid  }
0x8b: {  	s0 =	sand.u32 $0x1, s1  }
0x8c: {  	s17 =	sshll.u32 s0, $0xA;
	s2 =	sadd.s32 s3, s2  }
0x8d: {  	s2 =	sadd.s32 s2, s17  }
0x8e: {  	[smem:$0x3FC2] =	sst s2  }
0x8f: {  	_ = 	snop  }
0x90: {  	s2 =	sld [smem:$0x3FD0];
	(tm) =	ssettm $0x1  }
0x91: {  	s18 =	sld [smem:$0x3FFB];
	_ =	sdelay $0x3  }
0x92: {  	_ =	strace s18  }
0x93: {  	s3 =	sld [smem:$0x3FFC];
	_ =	sdelay $0x3  }
0x94: {  	_ =	strace s3  }
0x95: {  	s3 =	sld [smem:$0x3FFD];
	_ =	sdelay $0x3  }
0x96: {  	_ =	strace s3  }
0x97: {  	_ =	strace $0x8FFFFFFF  }
0x98: {  	s19 =	sld [smem:$0x3FDB];
	_ =	sdelay $0x1  }
0x99: {  	s4 =	simm.s32 $_scs_section_size  }
0x9a: {  	s5 =	simm.s32 $_size__tile_overlayer_lowered;
	s6 =	simm.s32 $_tile_overlayer_lowered  }
0x9b: {  	s22 =	simm.s32 $0x1BFF;
	s21 =	sshll.u32 s6, $0x1;
	s3 =	sadd.s32 s4, s19  }
0x9c: {  	s7 =	simm.s32 $0x0;
	s20 =	sshll.u32 s5, $0x1;
	s5 =	sadd.s32 s21, s3  }
0x9d: {  	[timem:s7], [sflag:s22] =	dma.local [hbm:s5], s20  }
0x9e: {  	_ =	swait.ge [sflag:s22], s20  }
0x9f: {  	s4 =	ssub.s32 $0x0, s20;
	[sflag:s22] =	ssyncset.done $0x0  }
0xa0: {  	[sflag:s22] =	ssyncadd.s32 s4;
	_ =	sdelay $0x1  }
0xa1: {  	s23 =	simm.s32 $0x1B8B  }
0xa2: {  	_ =	swait.ge [sflag:s23], $0x1  }
0xa3: {  	[sflag:s23] =	ssyncset.done $0x0  }
0xa4: {  	s25 =	simm.s32 $0x1B8E;
	s24 =	sld [smem:$0x3FFE];
	[sflag:s23] =	ssyncadd.s32 $0xFFFFFFFF  }
0xa5: {  	s26 =	simm.s32 $execute0_lowered;
	[smem:$0x3FD2] =	sst s25  }
0xa6: {  	s5 =	sshll.u32 s26, $0x1;
	_ =	strace $0x80000049;
	[dreg:$0x1] =	wrdreg $0xFFFFFFFF  }
0xa7: {  	s28 =	simm.s32 $_size_execute0_lowered;
	s3 =	sadd.s32 s3, s5;
	[dreg:$0x0] =	wrdreg $0x0  }
0xa8: {  	s5 =	sshll.u32 s28, $0x1;
	[dreg:$0x2] =	wrdreg s3  }
0xa9: {  	[dreg:$0x3] =	wrdreg s5  }
0xaa: {  	[dreg:$0x4] =	wrdreg $0xC0  }
0xab: {  	_ =	task [dreg:s7], $0x5FFFF  }
0xac: {  	[dreg:$0x1] =	wrdreg $0xFFFFFFFF  }
0xad: {  	[dreg:$0x0] =	wrdreg $0x60  }
0xae: {  	[dreg:$0x2] =	wrdreg s24  }
0xaf: {  	[dreg:$0x3] =	wrdreg s2  }
0xb0: {  	[dreg:$0x4] =	wrdreg $0x9  }
0xb1: {  	_ =	task.clear_ibuf [dreg:s7], $0x5FFFF;
	_ =	strace $0x90000049  }
0xb2: {  	s29 =	simm.s32 $0x9;
	_ =	strace $0x8000004B  }
0xb3: {  	_ =	swait.ge [sflag:s29], $0x1  }
0xb4: {  	[sflag:s29] =	ssyncadd.s32 $0xFFFFFFFF  }
0xb5: {  	_ =	strace $0x9000004B  }
0xb6: {  	_ =	sfence  }
0xb7: {  	s30 =	sld [smem:$0x0];
	_ =	sdelay $0x2  }
0xb8: {  	s31 =	sshll.u32 s1, $0xD;
	s1 =	sshrl.u32 s1, $0x2  }
0xb9: {  	s3 =	sand.u32 $0x4000, s31;
	s1 =	sadd.s32 s1, s30  }
0xba: {  	s0 =	sor.u32 s3, s0;
	s1 =	sshll.u32 s1, $0x11  }
0xbb: {  	s0 =	sor.u32 s1, s0  }
0xbc: {  	s0 =	sadd.s32 $0x8F2B, s0  }
0xbd: {  	[sflag:s0] =	ssyncadd.remote.s32 $0x1  }
0xbe: {  	_ =	sfence.sel $0xFFFF  }
0xbf: {  	[dreg:$0x0] =	wrdreg $0xFFFFFFFF;
	(pc) =	sbr.abs _section_cstart, $3  }
0xc0: {  	[dreg:$0x1] =	wrdreg $0xFFFFFFFF  }
0xc1: {  	_ =	task.clear_ibuf [dreg:s7], $0x2FFFF;
	_ =	strace $0x9FFFFFFF  }
0xc2: {  	(tm) =	ssettm $0x7FFFFFFF  }
0xc3: {  	_ =	shalt  }
tec
execute0_lowered:
.L_overlay_start_1:
0x0: {  	(tag) =	ssettag $0x1  }
0x1: {  	s0 =	rddreg [dreg:$0x0]  }
0x2: {  	s1 =	rddreg [dreg:$0x1];
	s2 =	simm.s32 $0x0;
	s3 =	srdreg.scid  }
0x3: {  	s5 =	stileid.u32;
	s12 =	simm.s32 $0x3;
	s14 =	simm.s32 $0x4100  }
0x4: {  	s15 =	simm.s32 $0x17900;
	s16 =	simm.s32 $0x18100;
	s17 =	simm.s32 $0x18900  }
0x5: {  	s18 =	simm.s32 $0x19100;
	s19 =	simm.s32 $0x19900;
	s20 =	simm.s32 $0x1A100  }
0x6: {  	s21 =	simm.s32 $0x1A900;
	s22 =	simm.s32 $0x1B100;
	s23 =	simm.s32 $0x1B900  }
0x7: {  	s24 =	simm.s32 $0x1;
	s25 =	simm.s32 $0x2;
	s26 =	simm.s32 $0x0  }
0x8: {  	[smem:$0x7FF] =	sst s2;
	s4 =	sand.u32 $0x1, s3;
	s30 =	sshll.u32 s5, $0x1  }
0x9: {  	s3 =	sadd.s32 $0x400, s0;
	s9 =	sadd.s32 $0x600, s0;
	s5 =	sor.u32 s4, s30  }
0xa: {  	_ =	strace $0x8000004A;
	s4 =	ssub.s32 $0x2, s4;
	s6 =	sshll.u32 s5, $0xA  }
0xb: {  	s31 =	sshrl.u32 s4, $0x1;
	s8 =	sshll.u32 s5, $0x4;
	s10 =	smul.u32 $0x1800, s5  }
0xc: {  	v2 =	vlaneseq.u32;
	s7 =	sadd.s32 s6, s0;
	s11 =	ssub.s32 s4, s31;
	s4 =	sadd.s32 s0, s8  }
0xd: {  	vm0 =	vmmov $0xffff;
	v1 =	vshrl.u32 v2, $0x3;
	s8 =	sadd.s32 $0x500, s0;
	s5 =	sadd.s32 $0x200, s4;
	s6 =	sadd.s32 $0x90400, s7  }
0xe: {  	v0 =	vand.u32 $0x7, v2;
	v2 =	vor.u32 $0x8, v2;
	v1 =	vmul.u32 $0x8, v1;
	s7 =	sadd.s32 $0x98400, s7;
	s10 =	sadd.s32 s1, s10;
	s11 =	smax.u32 s11, $0x1  }
.LBB2_1:
0xf: {  	[tilespmem:s2], [sflag:$0x3] =	stream.linear.gather [hbm4b:s4+s2], $0x80, $0x38;
	[tilespmem:$0x1C100] =	vst v63  }
0x10: {  	_ =	swait.ge [sflag:s12], $0x80  }
0x11: {  	[sflag:s12] =	ssyncset.done $0x0  }
0x12: {  	s0 =	simm.s32 $0x80;
	[sflag:s12] =	ssyncadd.s32 $0xFFFFFF80  }
0x13: {  	[tilespmem:s0], [sflag:$0x3] =	stream.linear.gather [hbm4b:s5+s2], $0x80, $0x38;
	[tilespmem:$0x1C100] =	vst v63  }
0x14: {  	_ =	swait.ge [sflag:s12], $0x80  }
0x15: {  	[sflag:s12] =	ssyncset.done $0x0  }
0x16: {  	s28 =	simm.s32 $0x100;
	[sflag:s12] =	ssyncadd.s32 $0xFFFFFF80  }
0x17: {  	[tilespmem:s28], [sflag:$0x3] =	stream.linear.gather [hbm4b:s6+s2], $0x2000, $0x38;
	[tilespmem:$0x1C100] =	vst v63  }
0x18: {  	_ =	swait.ge [sflag:s12], $0x2000  }
0x19: {  	[sflag:s12] =	ssyncset.done $0x0  }
0x1a: {  	s29 =	simm.s32 $0x2100;
	[sflag:s12] =	ssyncadd.s32 $0xFFFFE000  }
0x1b: {  	[tilespmem:s29], [sflag:$0x3] =	stream.linear.gather [hbm4b:s7+s2], $0x2000, $0x38;
	[tilespmem:$0x1C100] =	vst v63  }
0x1c: {  	_ =	swait.ge [sflag:s12], $0x2000  }
0x1d: {  	[sflag:s12] =	ssyncset.done $0x0  }
0x1e: {  	[sflag:s12] =	ssyncadd.s32 $0xFFFFE000  }
0x1f: {  	v3 =	vld [tilespmem:$0x0];
	_ =	sdelay $0x4  }
0x20: {  	v4 =	vshrl.u32 v3, $0x3  }
0x21: {  	v4 =	vmul.u32 $0x30, v4  }
0x22: {  	v3 =	vand.u32 $0x7, v3  }
0x23: {  	v3 =	vor.u32 v3, v4  }
0x24: {  	v4 =	vperm.xlane v3, v0;
	_ =	sdelay $0x1  }
0x25: {  	v4 =	vadd.s32 v1, v4;
	_ =	sdelay $0x3  }
0x26: {  	v3 =	vperm.xlane v3, v2  }
0x27: {  	[tilespmem:s14], [sflag:$0x1] =	stream.indirect_vreg.gather [hbm4b:s3+s2], $0x80, v4, vm0, $0xb8;
	[tilespmem:$0x1C100] =	vst v63  }
0x28: {  	s13 =	simm.s32 $0x4900;
	v3 =	vadd.s32 v1, v3  }
0x29: {  	[tilespmem:s13], [sflag:$0x1] =	stream.indirect_vreg.gather [hbm4b:s8+s2], $0x80, v4, vm0, $0xb8;
	[tilespmem:$0x1C100] =	vst v63  }
0x2a: {  	s1 =	simm.s32 $0x5100  }
0x2b: {  	[tilespmem:s1], [sflag:$0x1] =	stream.indirect_vreg.gather [hbm4b:s9+s2], $0x80, v4, vm0, $0xb8;
	[tilespmem:$0x1C100] =	vst v63  }
0x2c: {  	s13 =	simm.s32 $0x5900  }
0x2d: {  	[tilespmem:s13], [sflag:$0x1] =	stream.indirect_vreg.gather [hbm4b:s3+s2], $0x80, v3, vm0, $0xb8;
	[tilespmem:$0x1C100] =	vst v63  }
0x2e: {  	s1 =	simm.s32 $0x6100  }
0x2f: {  	[tilespmem:s1], [sflag:$0x1] =	stream.indirect_vreg.gather [hbm4b:s8+s2], $0x80, v3, vm0, $0xb8;
	[tilespmem:$0x1C100] =	vst v63  }
0x30: {  	s13 =	simm.s32 $0x6900  }
0x31: {  	[tilespmem:s13], [sflag:$0x1] =	stream.indirect_vreg.gather [hbm4b:s9+s2], $0x80, v3, vm0, $0xb8;
	[tilespmem:$0x1C100] =	vst v63  }
0x32: {  	v3 =	vld [tilespmem:$0x10];
	_ =	sdelay $0x4  }
0x33: {  	v4 =	vshrl.u32 v3, $0x3  }
0x34: {  	v4 =	vmul.u32 $0x30, v4  }
0x35: {  	v3 =	vand.u32 $0x7, v3  }
0x36: {  	v3 =	vor.u32 v3, v4  }
0x37: {  	v4 =	vperm.xlane v3, v0;
	_ =	sdelay $0x1  }
0x38: {  	v4 =	vadd.s32 v1, v4;
	_ =	sdelay $0x3  }
0x39: {  	s1 =	simm.s32 $0x7100;
	v3 =	vperm.xlane v3, v2  }
0x3a: {  	[tilespmem:s1], [sflag:$0x1] =	stream.indirect_vreg.gather [hbm4b:s3+s2], $0x80, v4, vm0, $0xb8;
	[tilespmem:$0x1C100] =	vst v63  }
0x3b: {  	s13 =	simm.s32 $0x7900;
	v3 =	vadd.s32 v1, v3  }
0x3c: {  	[tilespmem:s13], [sflag:$0x1] =	stream.indirect_vreg.gather [hbm4b:s8+s2], $0x80, v4, vm0, $0xb8;
	[tilespmem:$0x1C100] =	vst v63  }
0x3d: {  	s1 =	simm.s32 $0x8100  }
0x3e: {  	[tilespmem:s1], [sflag:$0x1] =	stream.indirect_vreg.gather [hbm4b:s9+s2], $0x80, v4, vm0, $0xb8;
	[tilespmem:$0x1C100] =	vst v63  }
0x3f: {  	s13 =	simm.s32 $0x8900  }
0x40: {  	[tilespmem:s13], [sflag:$0x1] =	stream.indirect_vreg.gather [hbm4b:s3+s2], $0x80, v3, vm0, $0xb8;
	[tilespmem:$0x1C100] =	vst v63  }
0x41: {  	s1 =	simm.s32 $0x9100  }
0x42: {  	[tilespmem:s1], [sflag:$0x1] =	stream.indirect_vreg.gather [hbm4b:s8+s2], $0x80, v3, vm0, $0xb8;
	[tilespmem:$0x1C100] =	vst v63  }
0x43: {  	s13 =	simm.s32 $0x9900  }
0x44: {  	[tilespmem:s13], [sflag:$0x1] =	stream.indirect_vreg.gather [hbm4b:s9+s2], $0x80, v3, vm0, $0xb8;
	[tilespmem:$0x1C100] =	vst v63  }
0x45: {  	v3 =	vld [tilespmem:$0x20];
	_ =	sdelay $0x4  }
0x46: {  	v4 =	vshrl.u32 v3, $0x3  }
0x47: {  	v4 =	vmul.u32 $0x30, v4  }
0x48: {  	v3 =	vand.u32 $0x7, v3  }
0x49: {  	v3 =	vor.u32 v3, v4  }
0x4a: {  	v4 =	vperm.xlane v3, v0;
	_ =	sdelay $0x1  }
0x4b: {  	v4 =	vadd.s32 v1, v4;
	_ =	sdelay $0x3  }
0x4c: {  	s1 =	simm.s32 $0xA100;
	v3 =	vperm.xlane v3, v2  }
0x4d: {  	[tilespmem:s1], [sflag:$0x1] =	stream.indirect_vreg.gather [hbm4b:s3+s2], $0x80, v4, vm0, $0xb8;
	[tilespmem:$0x1C100] =	vst v63  }
0x4e: {  	s13 =	simm.s32 $0xA900;
	v3 =	vadd.s32 v1, v3  }
0x4f: {  	[tilespmem:s13], [sflag:$0x1] =	stream.indirect_vreg.gather [hbm4b:s8+s2], $0x80, v4, vm0, $0xb8;
	[tilespmem:$0x1C100] =	vst v63  }
0x50: {  	s1 =	simm.s32 $0xB100  }
0x51: {  	[tilespmem:s1], [sflag:$0x1] =	stream.indirect_vreg.gather [hbm4b:s9+s2], $0x80, v4, vm0, $0xb8;
	[tilespmem:$0x1C100] =	vst v63  }
0x52: {  	s13 =	simm.s32 $0xB900  }
0x53: {  	[tilespmem:s13], [sflag:$0x1] =	stream.indirect_vreg.gather [hbm4b:s3+s2], $0x80, v3, vm0, $0xb8;
	[tilespmem:$0x1C100] =	vst v63  }
0x54: {  	s1 =	simm.s32 $0xC100  }
0x55: {  	[tilespmem:s1], [sflag:$0x1] =	stream.indirect_vreg.gather [hbm4b:s8+s2], $0x80, v3, vm0, $0xb8;
	[tilespmem:$0x1C100] =	vst v63  }
0x56: {  	s13 =	simm.s32 $0xC900  }
0x57: {  	[tilespmem:s13], [sflag:$0x1] =	stream.indirect_vreg.gather [hbm4b:s9+s2], $0x80, v3, vm0, $0xb8;
	[tilespmem:$0x1C100] =	vst v63  }
0x58: {  	v3 =	vld [tilespmem:$0x30];
	_ =	sdelay $0x4  }
0x59: {  	v4 =	vshrl.u32 v3, $0x3  }
0x5a: {  	v4 =	vmul.u32 $0x30, v4  }
0x5b: {  	v3 =	vand.u32 $0x7, v3  }
0x5c: {  	v3 =	vor.u32 v3, v4  }
0x5d: {  	v4 =	vperm.xlane v3, v0;
	_ =	sdelay $0x1  }
0x5e: {  	v4 =	vadd.s32 v1, v4;
	_ =	sdelay $0x3  }
0x5f: {  	s1 =	simm.s32 $0xD100;
	v3 =	vperm.xlane v3, v2  }
0x60: {  	[tilespmem:s1], [sflag:$0x1] =	stream.indirect_vreg.gather [hbm4b:s3+s2], $0x80, v4, vm0, $0xb8;
	[tilespmem:$0x1C100] =	vst v63  }
0x61: {  	s13 =	simm.s32 $0xD900;
	v3 =	vadd.s32 v1, v3  }
0x62: {  	[tilespmem:s13], [sflag:$0x1] =	stream.indirect_vreg.gather [hbm4b:s8+s2], $0x80, v4, vm0, $0xb8;
	[tilespmem:$0x1C100] =	vst v63  }
0x63: {  	s1 =	simm.s32 $0xE100  }
0x64: {  	[tilespmem:s1], [sflag:$0x1] =	stream.indirect_vreg.gather [hbm4b:s9+s2], $0x80, v4, vm0, $0xb8;
	[tilespmem:$0x1C100] =	vst v63  }
0x65: {  	s13 =	simm.s32 $0xE900  }
0x66: {  	[tilespmem:s13], [sflag:$0x1] =	stream.indirect_vreg.gather [hbm4b:s3+s2], $0x80, v3, vm0, $0xb8;
	[tilespmem:$0x1C100] =	vst v63  }
0x67: {  	s1 =	simm.s32 $0xF100  }
0x68: {  	[tilespmem:s1], [sflag:$0x1] =	stream.indirect_vreg.gather [hbm4b:s8+s2], $0x80, v3, vm0, $0xb8;
	[tilespmem:$0x1C100] =	vst v63  }
0x69: {  	s13 =	simm.s32 $0xF900  }
0x6a: {  	[tilespmem:s13], [sflag:$0x1] =	stream.indirect_vreg.gather [hbm4b:s9+s2], $0x80, v3, vm0, $0xb8;
	[tilespmem:$0x1C100] =	vst v63  }
0x6b: {  	v3 =	vld [tilespmem:$0x80];
	_ =	sdelay $0x4  }
0x6c: {  	v4 =	vshrl.u32 v3, $0x3  }
0x6d: {  	v4 =	vmul.u32 $0x30, v4  }
0x6e: {  	v3 =	vand.u32 $0x7, v3  }
0x6f: {  	v3 =	vor.u32 v3, v4  }
0x70: {  	v4 =	vperm.xlane v3, v0;
	_ =	sdelay $0x1  }
0x71: {  	v4 =	vadd.s32 v1, v4;
	_ =	sdelay $0x3  }
0x72: {  	s1 =	simm.s32 $0x10100;
	v3 =	vperm.xlane v3, v2  }
0x73: {  	[tilespmem:s1], [sflag:$0x2] =	stream.indirect_vreg.gather [hbm4b:s3+s2], $0x80, v4, vm0, $0xb8;
	[tilespmem:$0x1C100] =	vst v63  }
0x74: {  	s13 =	simm.s32 $0x10900;
	v3 =	vadd.s32 v1, v3  }
0x75: {  	[tilespmem:s13], [sflag:$0x2] =	stream.indirect_vreg.gather [hbm4b:s8+s2], $0x80, v4, vm0, $0xb8;
	[tilespmem:$0x1C100] =	vst v63  }
0x76: {  	s1 =	simm.s32 $0x11100  }
0x77: {  	[tilespmem:s1], [sflag:$0x2] =	stream.indirect_vreg.gather [hbm4b:s9+s2], $0x80, v4, vm0, $0xb8;
	[tilespmem:$0x1C100] =	vst v63  }
0x78: {  	s13 =	simm.s32 $0x11900  }
0x79: {  	[tilespmem:s13], [sflag:$0x2] =	stream.indirect_vreg.gather [hbm4b:s3+s2], $0x80, v3, vm0, $0xb8;
	[tilespmem:$0x1C100] =	vst v63  }
0x7a: {  	s1 =	simm.s32 $0x12100  }
0x7b: {  	[tilespmem:s1], [sflag:$0x2] =	stream.indirect_vreg.gather [hbm4b:s8+s2], $0x80, v3, vm0, $0xb8;
	[tilespmem:$0x1C100] =	vst v63  }
0x7c: {  	s13 =	simm.s32 $0x12900  }
0x7d: {  	[tilespmem:s13], [sflag:$0x2] =	stream.indirect_vreg.gather [hbm4b:s9+s2], $0x80, v3, vm0, $0xb8;
	[tilespmem:$0x1C100] =	vst v63  }
0x7e: {  	v3 =	vld [tilespmem:$0x90];
	_ =	sdelay $0x4  }
0x7f: {  	v4 =	vshrl.u32 v3, $0x3  }
0x80: {  	v4 =	vmul.u32 $0x30, v4  }
0x81: {  	v3 =	vand.u32 $0x7, v3  }
0x82: {  	v3 =	vor.u32 v3, v4  }
0x83: {  	v4 =	vperm.xlane v3, v0;
	_ =	sdelay $0x1  }
0x84: {  	v4 =	vadd.s32 v1, v4;
	_ =	sdelay $0x3  }
0x85: {  	s1 =	simm.s32 $0x13100;
	v3 =	vperm.xlane v3, v2  }
0x86: {  	[tilespmem:s1], [sflag:$0x2] =	stream.indirect_vreg.gather [hbm4b:s3+s2], $0x80, v4, vm0, $0xb8;
	[tilespmem:$0x1C100] =	vst v63  }
0x87: {  	s13 =	simm.s32 $0x13900;
	v3 =	vadd.s32 v1, v3  }
0x88: {  	[tilespmem:s13], [sflag:$0x2] =	stream.indirect_vreg.gather [hbm4b:s8+s2], $0x80, v4, vm0, $0xb8;
	[tilespmem:$0x1C100] =	vst v63  }
0x89: {  	s1 =	simm.s32 $0x14100  }
0x8a: {  	[tilespmem:s1], [sflag:$0x2] =	stream.indirect_vreg.gather [hbm4b:s9+s2], $0x80, v4, vm0, $0xb8;
	[tilespmem:$0x1C100] =	vst v63  }
0x8b: {  	s13 =	simm.s32 $0x14900  }
0x8c: {  	[tilespmem:s13], [sflag:$0x2] =	stream.indirect_vreg.gather [hbm4b:s3+s2], $0x80, v3, vm0, $0xb8;
	[tilespmem:$0x1C100] =	vst v63  }
0x8d: {  	s1 =	simm.s32 $0x15100  }
0x8e: {  	[tilespmem:s1], [sflag:$0x2] =	stream.indirect_vreg.gather [hbm4b:s8+s2], $0x80, v3, vm0, $0xb8;
	[tilespmem:$0x1C100] =	vst v63  }
0x8f: {  	s13 =	simm.s32 $0x15900  }
0x90: {  	[tilespmem:s13], [sflag:$0x2] =	stream.indirect_vreg.gather [hbm4b:s9+s2], $0x80, v3, vm0, $0xb8;
	[tilespmem:$0x1C100] =	vst v63  }
0x91: {  	v3 =	vld [tilespmem:$0xA0];
	_ =	sdelay $0x4  }
0x92: {  	v4 =	vshrl.u32 v3, $0x3  }
0x93: {  	v4 =	vmul.u32 $0x30, v4  }
0x94: {  	v3 =	vand.u32 $0x7, v3  }
0x95: {  	v3 =	vor.u32 v3, v4  }
0x96: {  	v4 =	vperm.xlane v3, v0;
	_ =	sdelay $0x1  }
0x97: {  	v4 =	vadd.s32 v1, v4;
	_ =	sdelay $0x3  }
0x98: {  	s1 =	simm.s32 $0x16100;
	v3 =	vperm.xlane v3, v2  }
0x99: {  	[tilespmem:s1], [sflag:$0x2] =	stream.indirect_vreg.gather [hbm4b:s3+s2], $0x80, v4, vm0, $0xb8;
	[tilespmem:$0x1C100] =	vst v63  }
0x9a: {  	s13 =	simm.s32 $0x16900;
	v3 =	vadd.s32 v1, v3  }
0x9b: {  	[tilespmem:s13], [sflag:$0x2] =	stream.indirect_vreg.gather [hbm4b:s8+s2], $0x80, v4, vm0, $0xb8;
	[tilespmem:$0x1C100] =	vst v63  }
0x9c: {  	s1 =	simm.s32 $0x17100  }
0x9d: {  	[tilespmem:s1], [sflag:$0x2] =	stream.indirect_vreg.gather [hbm4b:s9+s2], $0x80, v4, vm0, $0xb8;
	[tilespmem:$0x1C100] =	vst v63  }
0x9e: {  	_ = 	snop  }
0x9f: {  	[tilespmem:s15], [sflag:$0x2] =	stream.indirect_vreg.gather [hbm4b:s3+s2], $0x80, v3, vm0, $0xb8;
	[tilespmem:$0x1C100] =	vst v63  }
0xa0: {  	_ = 	snop  }
0xa1: {  	[tilespmem:s16], [sflag:$0x2] =	stream.indirect_vreg.gather [hbm4b:s8+s2], $0x80, v3, vm0, $0xb8;
	[tilespmem:$0x1C100] =	vst v63  }
0xa2: {  	_ = 	snop  }
0xa3: {  	[tilespmem:s17], [sflag:$0x2] =	stream.indirect_vreg.gather [hbm4b:s9+s2], $0x80, v3, vm0, $0xb8;
	[tilespmem:$0x1C100] =	vst v63  }
0xa4: {  	v3 =	vld [tilespmem:$0xB0];
	_ =	sdelay $0x4  }
0xa5: {  	v4 =	vshrl.u32 v3, $0x3  }
0xa6: {  	v4 =	vmul.u32 $0x30, v4  }
0xa7: {  	v3 =	vand.u32 $0x7, v3  }
0xa8: {  	v3 =	vor.u32 v3, v4  }
0xa9: {  	v4 =	vperm.xlane v3, v0;
	_ =	sdelay $0x1  }
0xaa: {  	v4 =	vadd.s32 v1, v4;
	_ =	sdelay $0x3  }
0xab: {  	v3 =	vperm.xlane v3, v2  }
0xac: {  	[tilespmem:s18], [sflag:$0x2] =	stream.indirect_vreg.gather [hbm4b:s3+s2], $0x80, v4, vm0, $0xb8;
	[tilespmem:$0x1C100] =	vst v63  }
0xad: {  	v3 =	vadd.s32 v1, v3  }
0xae: {  	[tilespmem:s19], [sflag:$0x2] =	stream.indirect_vreg.gather [hbm4b:s8+s2], $0x80, v4, vm0, $0xb8;
	[tilespmem:$0x1C100] =	vst v63  }
0xaf: {  	_ = 	snop  }
0xb0: {  	[tilespmem:s20], [sflag:$0x2] =	stream.indirect_vreg.gather [hbm4b:s9+s2], $0x80, v4, vm0, $0xb8;
	[tilespmem:$0x1C100] =	vst v63  }
0xb1: {  	_ = 	snop  }
0xb2: {  	[tilespmem:s21], [sflag:$0x2] =	stream.indirect_vreg.gather [hbm4b:s3+s2], $0x80, v3, vm0, $0xb8;
	[tilespmem:$0x1C100] =	vst v63  }
0xb3: {  	_ = 	snop  }
0xb4: {  	[tilespmem:s22], [sflag:$0x2] =	stream.indirect_vreg.gather [hbm4b:s8+s2], $0x80, v3, vm0, $0xb8;
	[tilespmem:$0x1C100] =	vst v63  }
0xb5: {  	_ = 	snop  }
0xb6: {  	[tilespmem:s23], [sflag:$0x2] =	stream.indirect_vreg.gather [hbm4b:s9+s2], $0x80, v3, vm0, $0xb8;
	[tilespmem:$0x1C100] =	vst v63  }
0xb7: {  	_ =	swait.ge [sflag:s24], $0xC000  }
0xb8: {  	[sflag:s24] =	ssyncset.done $0x0  }
0xb9: {  	s13 =	simm.s32 $0x0;
	[sflag:s24] =	ssyncadd.s32 $0xFFFF4000  }
0xba: {  	s0 =	smul.u32 $0x1800, s13;
	_ =	swait.ge [sflag:s25], $0xC000  }
0xbb: {  	s30 =	sand.u32 $0x380, s2;
	[sflag:s25] =	ssyncset.done $0x0  }
0xbc: {  	s0 =	sor.u32 s30, s0;
	[sflag:s25] =	ssyncadd.s32 $0xFFFF4000  }
0xbd: {  	v4 =	vld [tilespmem:s0+$0x4110]  }
0xbe: {  	v3 =	vld [tilespmem:s0+$0x10110]  }
0xbf: {  	v6 =	vld [tilespmem:s0+$0x4120]  }
0xc0: {  	v5 =	vld [tilespmem:s0+$0x10120]  }
0xc1: {  	v10 =	vld [tilespmem:s0+$0x4130]  }
0xc2: {  	v9 =	vld [tilespmem:s0+$0x10130]  }
0xc3: {  	v12 =	vld [tilespmem:s0+$0x4140]  }
0xc4: {  	v11 =	vld [tilespmem:s0+$0x10140]  }
0xc5: {  	v13 =	vld [tilespmem:s0+$0x4160]  }
0xc6: {  	v14 =	vld [tilespmem:s0+$0x4170]  }
0xc7: {  	v15 =	vld [tilespmem:s0+$0x4500]  }
0xc8: {  	v16 =	vld [tilespmem:s0+$0x4510]  }
0xc9: {  	v17 =	vld [tilespmem:s0+$0x4520]  }
0xca: {  	v18 =	vld [tilespmem:s0+$0x4530]  }
0xcb: {  	v19 =	vld [tilespmem:s0+$0x4540]  }
0xcc: {  	v20 =	vld [tilespmem:s0+$0x4550]  }
0xcd: {  	v21 =	vld [tilespmem:s0+$0x4560]  }
0xce: {  	v22 =	vld [tilespmem:s0+$0x4570]  }
0xcf: {  	v23 =	vld [tilespmem:s0+$0x4900]  }
0xd0: {  	v24 =	vld [tilespmem:s0+$0x4910]  }
0xd1: {  	v25 =	vld [tilespmem:s0+$0x4920]  }
0xd2: {  	v26 =	vld [tilespmem:s0+$0x4930]  }
0xd3: {  	v27 =	vld [tilespmem:s0+$0x4940]  }
0xd4: {  	v28 =	vld [tilespmem:s0+$0x4950]  }
0xd5: {  	v29 =	vld [tilespmem:s0+$0x4960]  }
0xd6: {  	v30 =	vld [tilespmem:s0+$0x4970]  }
0xd7: {  	v31 =	vld [tilespmem:s0+$0x4D00]  }
0xd8: {  	v32 =	vld [tilespmem:s0+$0x4D10]  }
0xd9: {  	v33 =	vld [tilespmem:s0+$0x4D20]  }
0xda: {  	v34 =	vld [tilespmem:s0+$0x4D30]  }
0xdb: {  	v35 =	vld [tilespmem:s0+$0x4D40]  }
0xdc: {  	v36 =	vld [tilespmem:s0+$0x4D50]  }
0xdd: {  	v37 =	vld [tilespmem:s0+$0x4D60]  }
0xde: {  	v38 =	vld [tilespmem:s0+$0x4D70]  }
0xdf: {  	v39 =	vld [tilespmem:s0+$0x5100]  }
0xe0: {  	v40 =	vld [tilespmem:s0+$0x5110]  }
0xe1: {  	v41 =	vld [tilespmem:s0+$0x5120]  }
0xe2: {  	v42 =	vld [tilespmem:s0+$0x5130]  }
0xe3: {  	v43 =	vld [tilespmem:s0+$0x5140]  }
0xe4: {  	v44 =	vld [tilespmem:s0+$0x5150]  }
0xe5: {  	v45 =	vld [tilespmem:s0+$0x5160]  }
0xe6: {  	v46 =	vld [tilespmem:s0+$0x5500]  }
0xe7: {  	v47 =	vld [tilespmem:s0+$0x5510]  }
0xe8: {  	v48 =	vld [tilespmem:s0+$0x11510]  }
0xe9: {  	v49 =	vld [tilespmem:s0+$0x11530]  }
0xea: {  	v50 =	vld [tilespmem:s0+$0x5530]  }
0xeb: {  	v51 =	vld [tilespmem:s0+$0x5520]  }
0xec: {  	v7 =	vld [tilespmem:s28+$0x0]  }
0xed: {  	v8 =	vld [tilespmem:s29+$0x0]  }
0xee: {  	v52 =	vld [tilespmem:s0+$0x11520]  }
0xef: {  	v53 =	vld [tilespmem:s0+$0x11500]  }
0xf0: {  	v54 =	vld [tilespmem:s0+$0x5170]  }
0xf1: {  	v55 =	vld [tilespmem:s0+$0x11170];
	v50 =	vmul.f32 v50, v7  }
0xf2: {  	v56 =	vld [tilespmem:s0+$0x11160];
	v49 =	vmul.f32 v49, v8;
	v51 =	vmul.f32 v51, v7  }
0xf3: {  	v57 =	vld [tilespmem:s0+$0x11150];
	v52 =	vmul.f32 v52, v8;
	v47 =	vmul.f32 v47, v7  }
0xf4: {  	v61 =	vld [tilespmem:s0+$0x11100];
	v48 =	vmul.f32 v48, v8;
	v46 =	vmul.f32 v46, v7  }
0xf5: {  	v58 =	vld [tilespmem:s0+$0x11140];
	v62 =	vmul.f32 v53, v8;
	v63 =	vmul.f32 v54, v7;
	v49 =	vadd.f32 v49, v50  }
0xf6: {  	v53 =	vld [tilespmem:s0+$0x11130];
	v59 =	vmul.f32 v55, v8;
	v45 =	vmul.f32 v45, v7;
	v51 =	vadd.f32 v52, v51  }
0xf7: {  	v60 =	vmul.f32 v56, v8;
	v44 =	vmul.f32 v44, v7;
	v56 =	vld [tilespmem:s0+$0x10D60];
	v47 =	vadd.f32 v48, v47;
	[tilespmem:s0+$0x5530] =	vst v49  }
0xf8: {  	v43 =	vmul.f32 v43, v7;
	v39 =	vmul.f32 v39, v7;
	v55 =	vld [tilespmem:s0+$0x10970];
	v46 =	vadd.f32 v62, v46;
	[tilespmem:s0+$0x5520] =	vst v51  }
0xf9: {  	v61 =	vmul.f32 v61, v8;
	v12 =	vmul.f32 v12, v7;
	v48 =	vld [tilespmem:s0+$0x11120];
	v52 =	vadd.f32 v59, v63;
	[tilespmem:s0+$0x5510] =	vst v47  }
0xfa: {  	v11 =	vmul.f32 v11, v8;
	v63 =	vmul.f32 v58, v8;
	v45 =	vadd.f32 v60, v45;
	v58 =	vld [tilespmem:s0+$0x10D50];
	[tilespmem:s0+$0x5500] =	vst v46  }
0xfb: {  	v42 =	vmul.f32 v42, v7;
	v62 =	vmul.f32 v57, v8;
	v59 =	vld [tilespmem:s0+$0x10D40];
	v39 =	vadd.f32 v61, v39;
	[tilespmem:s0+$0x5170] =	vst v52  }
0xfc: {  	v41 =	vmul.f32 v41, v7;
	v40 =	vmul.f32 v40, v7;
	v60 =	vld [tilespmem:s0+$0x10D30];
	v11 =	vadd.f32 v11, v12;
	[tilespmem:s0+$0x5160] =	vst v45  }
0xfd: {  	v38 =	vmul.f32 v38, v7;
	v61 =	vld [tilespmem:s0+$0x10910];
	v44 =	vadd.f32 v62, v44;
	[tilespmem:s0+$0x5100] =	vst v39;
	v57 =	vmul.f32 v53, v8  }
0xfe: {  	v37 =	vmul.f32 v37, v7;
	v49 =	vld [tilespmem:s0+$0x11110];
	v43 =	vadd.f32 v63, v43;
	[tilespmem:s0+$0x4140] =	vst v11;
	v46 =	vmul.f32 v56, v8  }
0xff: {  	v36 =	vmul.f32 v36, v7;
	v47 =	vld [tilespmem:s0+$0x10D70];
	[tilespmem:s0+$0x5150] =	vst v44;
	v48 =	vmul.f32 v48, v8;
	v42 =	vadd.f32 v57, v42  }
0x100: {  	v35 =	vmul.f32 v35, v7;
	v62 =	vld [tilespmem:s0+$0x10D20];
	[tilespmem:s0+$0x5140] =	vst v43;
	v54 =	vmul.f32 v58, v8;
	v37 =	vadd.f32 v46, v37  }
0x101: {  	v34 =	vmul.f32 v34, v7;
	v63 =	vld [tilespmem:s0+$0x10D10];
	v45 =	vmul.f32 v59, v8;
	v41 =	vadd.f32 v48, v41;
	[tilespmem:s0+$0x5130] =	vst v42  }
0x102: {  	v33 =	vmul.f32 v33, v7;
	v56 =	vld [tilespmem:s0+$0x10960];
	v44 =	vmul.f32 v60, v8;
	v36 =	vadd.f32 v54, v36;
	[tilespmem:s0+$0x4D60] =	vst v37  }
0x103: {  	v32 =	vmul.f32 v32, v7;
	v53 =	vld [tilespmem:s0+$0x10D00];
	v49 =	vmul.f32 v49, v8;
	v35 =	vadd.f32 v45, v35;
	[tilespmem:s0+$0x5120] =	vst v41  }
0x104: {  	v6 =	vmul.f32 v6, v7;
	v12 =	vld [tilespmem:s0+$0x5560];
	v47 =	vmul.f32 v47, v8;
	v34 =	vadd.f32 v44, v34;
	[tilespmem:s0+$0x4D50] =	vst v36  }
0x105: {  	v5 =	vmul.f32 v5, v8;
	v58 =	vld [tilespmem:s0+$0x10940];
	v43 =	vmul.f32 v62, v8;
	v40 =	vadd.f32 v49, v40;
	[tilespmem:s0+$0x4D40] =	vst v35  }
0x106: {  	v29 =	vmul.f32 v29, v7;
	v59 =	vld [tilespmem:s0+$0x10930];
	v42 =	vmul.f32 v63, v8;
	v38 =	vadd.f32 v47, v38;
	[tilespmem:s0+$0x4D30] =	vst v34  }
0x107: {  	v5 =	vadd.f32 v5, v6;
	v6 =	vld [tilespmem:s0+$0x4100];
	v39 =	vmul.f32 v56, v8;
	v33 =	vadd.f32 v43, v33;
	[tilespmem:s0+$0x5110] =	vst v40  }
0x108: {  	v31 =	vmul.f32 v31, v7;
	v60 =	vld [tilespmem:s0+$0x10920];
	v41 =	vmul.f32 v53, v8;
	v32 =	vadd.f32 v42, v32;
	[tilespmem:s0+$0x4D70] =	vst v38  }
0x109: {  	v24 =	vmul.f32 v24, v7;
	v57 =	vld [tilespmem:s0+$0x10950];
	v34 =	vmul.f32 v61, v8;
	v29 =	vadd.f32 v39, v29;
	[tilespmem:s0+$0x4D20] =	vst v33  }
0x10a: {  	v27 =	vmul.f32 v27, v7;
	v62 =	vld [tilespmem:s0+$0x10900];
	v37 =	vmul.f32 v58, v8;
	v31 =	vadd.f32 v41, v31;
	[tilespmem:s0+$0x4D10] =	vst v32  }
0x10b: {  	v26 =	vmul.f32 v26, v7;
	v63 =	vld [tilespmem:s0+$0x10570];
	v36 =	vmul.f32 v59, v8;
	v24 =	vadd.f32 v34, v24;
	[tilespmem:s0+$0x4960] =	vst v29  }
0x10c: {  	v30 =	vmul.f32 v30, v7;
	v40 =	vmul.f32 v55, v8;
	v27 =	vadd.f32 v37, v27;
	v29 =	vld [tilespmem:s0+$0x10540];
	[tilespmem:s0+$0x4D00] =	vst v31  }
0x10d: {  	v25 =	vmul.f32 v25, v7;
	v35 =	vmul.f32 v60, v8;
	v26 =	vadd.f32 v36, v26;
	v31 =	vld [tilespmem:s0+$0x10560];
	[tilespmem:s0+$0x4910] =	vst v24  }
0x10e: {  	v28 =	vmul.f32 v28, v7;
	v38 =	vmul.f32 v57, v8;
	v30 =	vadd.f32 v40, v30;
	v24 =	vld [tilespmem:s0+$0x10170];
	[tilespmem:s0+$0x4940] =	vst v27  }
0x10f: {  	v23 =	vmul.f32 v23, v7;
	v33 =	vmul.f32 v62, v8;
	v25 =	vadd.f32 v35, v25;
	v27 =	vld [tilespmem:s0+$0x10520];
	[tilespmem:s0+$0x4930] =	vst v26  }
0x110: {  	v22 =	vmul.f32 v22, v7;
	v32 =	vmul.f32 v63, v8;
	v28 =	vadd.f32 v38, v28;
	[tilespmem:s0+$0x4970] =	vst v30;
	v30 =	vld [tilespmem:s0+$0x10550]  }
0x111: {  	v19 =	vmul.f32 v19, v7;
	v23 =	vadd.f32 v33, v23;
	[tilespmem:s0+$0x4920] =	vst v25;
	v25 =	vld [tilespmem:s0+$0x10500];
	v29 =	vmul.f32 v29, v8  }
0x112: {  	v21 =	vmul.f32 v21, v7;
	v22 =	vadd.f32 v32, v22;
	[tilespmem:s0+$0x4950] =	vst v28;
	v28 =	vld [tilespmem:s0+$0x10530];
	v31 =	vmul.f32 v31, v8  }
0x113: {  	v14 =	vmul.f32 v14, v7;
	[tilespmem:s0+$0x4900] =	vst v23;
	v23 =	vld [tilespmem:s0+$0x10160];
	v24 =	vmul.f32 v24, v8;
	v19 =	vadd.f32 v29, v19  }
0x114: {  	v17 =	vmul.f32 v17, v7;
	v26 =	vld [tilespmem:s0+$0x10510];
	[tilespmem:s0+$0x4570] =	vst v22;
	v27 =	vmul.f32 v27, v8;
	v21 =	vadd.f32 v31, v21  }
0x115: {  	v20 =	vmul.f32 v20, v7;
	v22 =	vld [tilespmem:s0+$0x4150];
	v30 =	vmul.f32 v30, v8;
	v14 =	vadd.f32 v24, v14;
	[tilespmem:s0+$0x4540] =	vst v19  }
0x116: {  	v15 =	vmul.f32 v15, v7;
	v25 =	vmul.f32 v25, v8;
	v17 =	vadd.f32 v27, v17;
	v19 =	vld [tilespmem:s0+$0x11550];
	[tilespmem:s0+$0x4560] =	vst v21  }
0x117: {  	v18 =	vmul.f32 v18, v7;
	v28 =	vmul.f32 v28, v8;
	v20 =	vadd.f32 v30, v20;
	v21 =	vld [tilespmem:s0+$0x10150];
	[tilespmem:s0+$0x4170] =	vst v14  }
0x118: {  	v13 =	vmul.f32 v13, v7;
	v23 =	vmul.f32 v23, v8;
	v15 =	vadd.f32 v25, v15;
	[tilespmem:s0+$0x4520] =	vst v17;
	v17 =	vld [tilespmem:s0+$0x5540]  }
0x119: {  	v16 =	vmul.f32 v16, v7;
	v26 =	vmul.f32 v26, v8;
	v18 =	vadd.f32 v28, v18;
	[tilespmem:s0+$0x4550] =	vst v20;
	v20 =	vld [tilespmem:s0+$0x11540]  }
0x11a: {  	v10 =	vmul.f32 v10, v7;
	v9 =	vmul.f32 v9, v8;
	v13 =	vadd.f32 v23, v13;
	[tilespmem:s0+$0x4500] =	vst v15;
	v15 =	vld [tilespmem:s0+$0x5550]  }
0x11b: {  	v4 =	vmul.f32 v4, v7;
	v3 =	vmul.f32 v3, v8;
	v16 =	vadd.f32 v26, v16;
	[tilespmem:s0+$0x4530] =	vst v18;
	v18 =	vld [tilespmem:s0+$0x11560]  }
0x11c: {  	v9 =	vadd.f32 v9, v10;
	v10 =	vmul.f32 v22, v7;
	v14 =	vld [tilespmem:s0+$0x5570];
	[tilespmem:s0+$0x4160] =	vst v13;
	v13 =	vmul.f32 v21, v8  }
0x11d: {  	v3 =	vadd.f32 v3, v4;
	[tilespmem:s0+$0x4510] =	vst v16;
	v16 =	vld [tilespmem:s0+$0x11570]  }
0x11e: {  	s30 =	simm.s32 $0x0;
	[tilespmem:s0+$0x4130] =	vst v9;
	v9 =	vld [tilespmem:s0+$0x10100];
	v11 =	vmul.f32 v17, v7;
	v17 =	vmul.f32 v20, v8;
	v4 =	vadd.f32 v13, v10  }
0x11f: {  	s31 =	simm.s32 $0x80;
	s30 =	smul.u32 $0x1800, s30;
	[tilespmem:s0+$0x4120] =	vst v5;
	v5 =	vmul.f32 v15, v7;
	v10 =	vmul.f32 v19, v8  }
0x120: {  	s1 =	sand.u32 $0x380, s31;
	v11 =	vadd.f32 v17, v11;
	[tilespmem:s0+$0x4150] =	vst v4;
	v4 =	vmul.f32 v12, v7;
	v12 =	vmul.f32 v18, v8  }
0x121: {  	s30 =	sor.u32 s1, s30;
	[tilespmem:s0+$0x4110] =	vst v3;
	v5 =	vadd.f32 v10, v5  }
0x122: {  	v3 =	vld [tilespmem:s30+$0x4110];
	v10 =	vmul.f32 v14, v7;
	[tilespmem:s0+$0x5540] =	vst v11;
	v11 =	vmul.f32 v16, v8;
	v12 =	vadd.f32 v12, v4  }
0x123: {  	v7 =	vmul.f32 v6, v7;
	v8 =	vmul.f32 v9, v8;
	v4 =	vld [tilespmem:s30+$0x10110];
	[tilespmem:s0+$0x5550] =	vst v5  }
0x124: {  	v9 =	vadd.f32 v11, v10;
	v6 =	vld [tilespmem:s30+$0x4120];
	[tilespmem:s0+$0x5560] =	vst v12  }
0x125: {  	v7 =	vadd.f32 v8, v7;
	v5 =	vld [tilespmem:s30+$0x10120]  }
0x126: {  	v8 =	vld [tilespmem:s30+$0x4130];
	[tilespmem:s0+$0x5570] =	vst v9  }
0x127: {  	v18 =	vld [tilespmem:s30+$0x4530];
	[tilespmem:s0+$0x4100] =	vst v7  }
0x128: {  	v7 =	vld [tilespmem:s30+$0x10130]  }
0x129: {  	v10 =	vld [tilespmem:s30+$0x4140]  }
0x12a: {  	v9 =	vld [tilespmem:s30+$0x10140]  }
0x12b: {  	v12 =	vld [tilespmem:s30+$0x4150]  }
0x12c: {  	v11 =	vld [tilespmem:s30+$0x10150]  }
0x12d: {  	v13 =	vld [tilespmem:s30+$0x4160]  }
0x12e: {  	v14 =	vld [tilespmem:s30+$0x4170]  }
0x12f: {  	v15 =	vld [tilespmem:s30+$0x4500]  }
0x130: {  	v16 =	vld [tilespmem:s30+$0x4510]  }
0x131: {  	v17 =	vld [tilespmem:s30+$0x4520]  }
0x132: {  	v19 =	vld [tilespmem:s30+$0x4540]  }
0x133: {  	v20 =	vld [tilespmem:s30+$0x4550]  }
0x134: {  	v21 =	vld [tilespmem:s30+$0x4560]  }
0x135: {  	v22 =	vld [tilespmem:s30+$0x4570]  }
0x136: {  	v23 =	vld [tilespmem:s30+$0x4900]  }
0x137: {  	v24 =	vld [tilespmem:s30+$0x4910]  }
0x138: {  	v25 =	vld [tilespmem:s30+$0x4920]  }
0x139: {  	v26 =	vld [tilespmem:s30+$0x4930]  }
0x13a: {  	v27 =	vld [tilespmem:s30+$0x4940]  }
0x13b: {  	v28 =	vld [tilespmem:s30+$0x4950]  }
0x13c: {  	v29 =	vld [tilespmem:s30+$0x4960]  }
0x13d: {  	v30 =	vld [tilespmem:s30+$0x4970]  }
0x13e: {  	v31 =	vld [tilespmem:s30+$0x4D00]  }
0x13f: {  	v34 =	vld [tilespmem:s30+$0x4D10]  }
0x140: {  	v35 =	vld [tilespmem:s30+$0x4D20]  }
0x141: {  	v36 =	vld [tilespmem:s30+$0x4D30]  }
0x142: {  	v37 =	vld [tilespmem:s30+$0x4D40]  }
0x143: {  	v38 =	vld [tilespmem:s30+$0x4D50]  }
0x144: {  	v39 =	vld [tilespmem:s30+$0x4D60]  }
0x145: {  	v40 =	vld [tilespmem:s30+$0x4D70]  }
0x146: {  	v41 =	vld [tilespmem:s30+$0x5100]  }
0x147: {  	v42 =	vld [tilespmem:s30+$0x5110]  }
0x148: {  	v43 =	vld [tilespmem:s30+$0x5120]  }
0x149: {  	v44 =	vld [tilespmem:s30+$0x5130]  }
0x14a: {  	v45 =	vld [tilespmem:s30+$0x5140]  }
0x14b: {  	v46 =	vld [tilespmem:s30+$0x5150]  }
0x14c: {  	v47 =	vld [tilespmem:s30+$0x5160]  }
0x14d: {  	v48 =	vld [tilespmem:s30+$0x5500]  }
0x14e: {  	v50 =	vld [tilespmem:s30+$0x5510]  }
0x14f: {  	v49 =	vld [tilespmem:s30+$0x11510]  }
0x150: {  	s0 =	simm.s32 $0x2;
	v51 =	vld [tilespmem:s30+$0x11530]  }
.LBB2_2:
0x151: {  	p0 =	sne.s32 s0, $0x3F;
	v52 =	vld [tilespmem:s30+$0x5530]  }
0x152: {  	s28 =	sadd.s32 $0x80, s28;
	v53 =	vld [tilespmem:s30+$0x5520]  }
0x153: {  	s29 =	sadd.s32 $0x80, s29;
	v33 =	vld [tilespmem:s28+$0x0]  }
0x154: {  	v32 =	vld [tilespmem:s29+$0x0]  }
0x155: {  	v54 =	vld [tilespmem:s30+$0x11520]  }
0x156: {  	v55 =	vld [tilespmem:s30+$0x11500]  }
0x157: {  	v56 =	vld [tilespmem:s30+$0x5170]  }
0x158: {  	v57 =	vld [tilespmem:s30+$0x11170];
	v50 =	vmul.f32 v50, v33;
	v53 =	vmul.f32 v53, v33  }
0x159: {  	v52 =	vmul.f32 v52, v33;
	v58 =	vld [tilespmem:s30+$0x11160];
	v51 =	vmul.f32 v51, v32  }
0x15a: {  	v49 =	vmul.f32 v49, v32;
	v59 =	vld [tilespmem:s30+$0x11150];
	v54 =	vmul.f32 v54, v32  }
0x15b: {  	v48 =	vmul.f32 v48, v33;
	v60 =	vld [tilespmem:s30+$0x11140];
	v55 =	vmul.f32 v55, v32;
	v51 =	vadd.f32 v51, v52  }
0x15c: {  	v49 =	vadd.f32 v49, v50;
	v52 =	vld [tilespmem:s30+$0x11130];
	v56 =	vmul.f32 v56, v33;
	v50 =	vadd.f32 v54, v53  }
0x15d: {  	v47 =	vmul.f32 v47, v33;
	v53 =	vld [tilespmem:s30+$0x11120];
	v54 =	vmul.f32 v57, v32;
	v48 =	vadd.f32 v55, v48;
	[tilespmem:s30+$0x5530] =	vst v51  }
0x15e: {  	v46 =	vmul.f32 v46, v33;
	v51 =	vld [tilespmem:s30+$0x11110];
	v55 =	vmul.f32 v58, v32;
	[tilespmem:s30+$0x5520] =	vst v50  }
0x15f: {  	v45 =	vmul.f32 v45, v33;
	v50 =	vld [tilespmem:s30+$0x11100];
	v57 =	vmul.f32 v59, v32;
	v54 =	vadd.f32 v54, v56;
	[tilespmem:s30+$0x5510] =	vst v49  }
0x160: {  	v44 =	vmul.f32 v44, v33;
	v49 =	vld [tilespmem:s30+$0x10D70];
	v56 =	vmul.f32 v60, v32;
	v47 =	vadd.f32 v55, v47;
	[tilespmem:s30+$0x5500] =	vst v48  }
0x161: {  	v43 =	vmul.f32 v43, v33;
	v48 =	vld [tilespmem:s30+$0x10D60];
	v52 =	vmul.f32 v52, v32;
	v46 =	vadd.f32 v57, v46;
	[tilespmem:s30+$0x5170] =	vst v54  }
0x162: {  	v42 =	vmul.f32 v42, v33;
	v54 =	vld [tilespmem:s30+$0x10D50];
	v53 =	vmul.f32 v53, v32;
	v45 =	vadd.f32 v56, v45;
	[tilespmem:s30+$0x5160] =	vst v47  }
0x163: {  	v41 =	vmul.f32 v41, v33;
	v47 =	vld [tilespmem:s30+$0x10D40];
	v51 =	vmul.f32 v51, v32;
	v44 =	vadd.f32 v52, v44;
	[tilespmem:s30+$0x5150] =	vst v46  }
0x164: {  	v40 =	vmul.f32 v40, v33;
	v46 =	vld [tilespmem:s30+$0x10D30];
	v50 =	vmul.f32 v50, v32;
	v43 =	vadd.f32 v53, v43;
	[tilespmem:s30+$0x5140] =	vst v45  }
0x165: {  	v39 =	vmul.f32 v39, v33;
	v45 =	vld [tilespmem:s30+$0x10D20];
	v49 =	vmul.f32 v49, v32;
	v42 =	vadd.f32 v51, v42;
	[tilespmem:s30+$0x5130] =	vst v44  }
0x166: {  	v38 =	vmul.f32 v38, v33;
	v44 =	vld [tilespmem:s30+$0x10D10];
	v48 =	vmul.f32 v48, v32;
	v41 =	vadd.f32 v50, v41;
	[tilespmem:s30+$0x5120] =	vst v43  }
0x167: {  	v37 =	vmul.f32 v37, v33;
	v43 =	vld [tilespmem:s30+$0x10D00];
	v50 =	vmul.f32 v54, v32;
	v40 =	vadd.f32 v49, v40;
	[tilespmem:s30+$0x5110] =	vst v42  }
0x168: {  	v36 =	vmul.f32 v36, v33;
	v42 =	vld [tilespmem:s30+$0x10970];
	v47 =	vmul.f32 v47, v32;
	v39 =	vadd.f32 v48, v39;
	[tilespmem:s30+$0x5100] =	vst v41  }
0x169: {  	v35 =	vmul.f32 v35, v33;
	v41 =	vld [tilespmem:s30+$0x10960];
	v46 =	vmul.f32 v46, v32;
	v38 =	vadd.f32 v50, v38;
	[tilespmem:s30+$0x4D70] =	vst v40  }
0x16a: {  	v34 =	vmul.f32 v34, v33;
	v40 =	vld [tilespmem:s30+$0x10950];
	v45 =	vmul.f32 v45, v32;
	v37 =	vadd.f32 v47, v37;
	[tilespmem:s30+$0x4D60] =	vst v39  }
0x16b: {  	v31 =	vmul.f32 v31, v33;
	v39 =	vld [tilespmem:s30+$0x10940];
	v44 =	vmul.f32 v44, v32;
	v36 =	vadd.f32 v46, v36;
	[tilespmem:s30+$0x4D50] =	vst v38  }
0x16c: {  	v30 =	vmul.f32 v30, v33;
	v38 =	vld [tilespmem:s30+$0x10930];
	v43 =	vmul.f32 v43, v32;
	v35 =	vadd.f32 v45, v35;
	[tilespmem:s30+$0x4D40] =	vst v37  }
0x16d: {  	v29 =	vmul.f32 v29, v33;
	v37 =	vld [tilespmem:s30+$0x10920];
	v42 =	vmul.f32 v42, v32;
	v34 =	vadd.f32 v44, v34;
	[tilespmem:s30+$0x4D30] =	vst v36  }
0x16e: {  	v28 =	vmul.f32 v28, v33;
	v36 =	vld [tilespmem:s30+$0x10910];
	v41 =	vmul.f32 v41, v32;
	v31 =	vadd.f32 v43, v31;
	[tilespmem:s30+$0x4D20] =	vst v35  }
0x16f: {  	v27 =	vmul.f32 v27, v33;
	v35 =	vld [tilespmem:s30+$0x10900];
	v40 =	vmul.f32 v40, v32;
	v30 =	vadd.f32 v42, v30;
	[tilespmem:s30+$0x4D10] =	vst v34  }
0x170: {  	v26 =	vmul.f32 v26, v33;
	v34 =	vld [tilespmem:s30+$0x10570];
	v39 =	vmul.f32 v39, v32;
	v29 =	vadd.f32 v41, v29;
	[tilespmem:s30+$0x4D00] =	vst v31  }
0x171: {  	v25 =	vmul.f32 v25, v33;
	v31 =	vld [tilespmem:s30+$0x10560];
	v38 =	vmul.f32 v38, v32;
	v28 =	vadd.f32 v40, v28;
	[tilespmem:s30+$0x4970] =	vst v30  }
0x172: {  	v24 =	vmul.f32 v24, v33;
	v30 =	vld [tilespmem:s30+$0x10550];
	v37 =	vmul.f32 v37, v32;
	v27 =	vadd.f32 v39, v27;
	[tilespmem:s30+$0x4960] =	vst v29  }
0x173: {  	v23 =	vmul.f32 v23, v33;
	v29 =	vld [tilespmem:s30+$0x10540];
	v36 =	vmul.f32 v36, v32;
	v26 =	vadd.f32 v38, v26;
	[tilespmem:s30+$0x4950] =	vst v28  }
0x174: {  	v22 =	vmul.f32 v22, v33;
	v28 =	vld [tilespmem:s30+$0x10530];
	v35 =	vmul.f32 v35, v32;
	v25 =	vadd.f32 v37, v25;
	[tilespmem:s30+$0x4940] =	vst v27  }
0x175: {  	v21 =	vmul.f32 v21, v33;
	v27 =	vld [tilespmem:s30+$0x10520];
	v34 =	vmul.f32 v34, v32;
	v24 =	vadd.f32 v36, v24;
	[tilespmem:s30+$0x4930] =	vst v26  }
0x176: {  	v20 =	vmul.f32 v20, v33;
	v26 =	vld [tilespmem:s30+$0x10510];
	v31 =	vmul.f32 v31, v32;
	v23 =	vadd.f32 v35, v23;
	[tilespmem:s30+$0x4920] =	vst v25  }
0x177: {  	v19 =	vmul.f32 v19, v33;
	v25 =	vld [tilespmem:s30+$0x10500];
	v30 =	vmul.f32 v30, v32;
	v22 =	vadd.f32 v34, v22;
	[tilespmem:s30+$0x4910] =	vst v24  }
0x178: {  	v18 =	vmul.f32 v18, v33;
	v24 =	vld [tilespmem:s30+$0x10170];
	v29 =	vmul.f32 v29, v32;
	v21 =	vadd.f32 v31, v21;
	[tilespmem:s30+$0x4900] =	vst v23  }
0x179: {  	v17 =	vmul.f32 v17, v33;
	v23 =	vld [tilespmem:s30+$0x10160];
	v28 =	vmul.f32 v28, v32;
	v20 =	vadd.f32 v30, v20;
	[tilespmem:s30+$0x4570] =	vst v22  }
0x17a: {  	v16 =	vmul.f32 v16, v33;
	v22 =	vmul.f32 v27, v32;
	v19 =	vadd.f32 v29, v19;
	[tilespmem:s30+$0x4560] =	vst v21;
	v21 =	vld [tilespmem:s30+$0x11540]  }
0x17b: {  	v15 =	vmul.f32 v15, v33;
	v26 =	vmul.f32 v26, v32;
	v18 =	vadd.f32 v28, v18;
	[tilespmem:s30+$0x4550] =	vst v20;
	v20 =	vld [tilespmem:s30+$0x11550]  }
0x17c: {  	v14 =	vmul.f32 v14, v33;
	v25 =	vmul.f32 v25, v32;
	v17 =	vadd.f32 v22, v17;
	[tilespmem:s30+$0x4540] =	vst v19;
	v19 =	vld [tilespmem:s30+$0x11560]  }
0x17d: {  	v13 =	vmul.f32 v13, v33;
	v22 =	vmul.f32 v24, v32;
	v16 =	vadd.f32 v26, v16;
	[tilespmem:s30+$0x4530] =	vst v18;
	v18 =	vld [tilespmem:s30+$0x11570]  }
0x17e: {  	v12 =	vmul.f32 v12, v33;
	v23 =	vmul.f32 v23, v32;
	v15 =	vadd.f32 v25, v15;
	[tilespmem:s30+$0x4520] =	vst v17;
	v17 =	vld [tilespmem:s30+$0x5540]  }
0x17f: {  	v10 =	vmul.f32 v10, v33;
	v11 =	vmul.f32 v11, v32;
	v14 =	vadd.f32 v22, v14;
	[tilespmem:s30+$0x4510] =	vst v16;
	v16 =	vld [tilespmem:s30+$0x5550]  }
0x180: {  	v8 =	vmul.f32 v8, v33;
	v9 =	vmul.f32 v9, v32;
	v13 =	vadd.f32 v23, v13;
	[tilespmem:s30+$0x4500] =	vst v15;
	v15 =	vld [tilespmem:s30+$0x5560]  }
0x181: {  	v6 =	vmul.f32 v6, v33;
	v7 =	vmul.f32 v7, v32;
	v11 =	vadd.f32 v11, v12;
	[tilespmem:s30+$0x4170] =	vst v14;
	v12 =	vld [tilespmem:s30+$0x5570]  }
0x182: {  	v3 =	vmul.f32 v3, v33;
	v5 =	vmul.f32 v5, v32;
	v9 =	vadd.f32 v9, v10;
	v14 =	vld [tilespmem:s30+$0x4100];
	[tilespmem:s30+$0x4160] =	vst v13  }
0x183: {  	v4 =	vmul.f32 v4, v32;
	v7 =	vadd.f32 v7, v8;
	v10 =	vld [tilespmem:s30+$0x10100];
	[tilespmem:s30+$0x4150] =	vst v11;
	v8 =	vmul.f32 v17, v33  }
0x184: {  	s1 =	sshrl.u32 s0, $0x3;
	v5 =	vadd.f32 v5, v6;
	v6 =	vmul.f32 v21, v32;
	[tilespmem:s30+$0x4140] =	vst v9;
	v9 =	vmul.f32 v16, v33  }
0x185: {  	s31 =	sadd.s32 $0x80, s31;
	s1 =	smul.u32 $0x1800, s1;
	v3 =	vadd.f32 v4, v3;
	v4 =	vmul.f32 v20, v32;
	[tilespmem:s30+$0x4130] =	vst v7;
	v7 =	vmul.f32 v15, v33  }
0x186: {  	s13 =	sand.u32 $0x380, s31;
	[tilespmem:s30+$0x4120] =	vst v5;
	v5 =	vadd.f32 v6, v8;
	v6 =	vmul.f32 v19, v32;
	v8 =	vmul.f32 v12, v33  }
0x187: {  	s1 =	sor.u32 s13, s1;
	v9 =	vadd.f32 v4, v9;
	v12 =	vmul.f32 v18, v32;
	v11 =	vmul.f32 v14, v33;
	[tilespmem:s30+$0x4110] =	vst v3  }
0x188: {  	v3 =	vld [tilespmem:s1+$0x4110];
	v10 =	vmul.f32 v10, v32;
	[tilespmem:s30+$0x5540] =	vst v5;
	v5 =	vadd.f32 v6, v7  }
0x189: {  	v7 =	vadd.f32 v12, v8;
	v4 =	vld [tilespmem:s1+$0x10110];
	[tilespmem:s30+$0x5550] =	vst v9  }
0x18a: {  	v6 =	vld [tilespmem:s1+$0x4120];
	v9 =	vadd.f32 v10, v11;
	[tilespmem:s30+$0x5560] =	vst v5  }
0x18b: {  	v5 =	vld [tilespmem:s1+$0x10120];
	[tilespmem:s30+$0x5570] =	vst v7  }
0x18c: {  	v8 =	vld [tilespmem:s1+$0x4130];
	[tilespmem:s30+$0x4100] =	vst v9;
	s30 =	smov.u32 s1  }
0x18d: {  	v7 =	vld [tilespmem:s30+$0x10130]  }
0x18e: {  	v10 =	vld [tilespmem:s30+$0x4140]  }
0x18f: {  	v9 =	vld [tilespmem:s30+$0x10140]  }
0x190: {  	v12 =	vld [tilespmem:s30+$0x4150]  }
0x191: {  	v11 =	vld [tilespmem:s30+$0x10150]  }
0x192: {  	v13 =	vld [tilespmem:s30+$0x4160]  }
0x193: {  	v14 =	vld [tilespmem:s30+$0x4170]  }
0x194: {  	v15 =	vld [tilespmem:s30+$0x4500]  }
0x195: {  	v16 =	vld [tilespmem:s30+$0x4510]  }
0x196: {  	v17 =	vld [tilespmem:s30+$0x4520]  }
0x197: {  	v18 =	vld [tilespmem:s30+$0x4530]  }
0x198: {  	v19 =	vld [tilespmem:s30+$0x4540]  }
0x199: {  	v20 =	vld [tilespmem:s30+$0x4550]  }
0x19a: {  	v21 =	vld [tilespmem:s30+$0x4560]  }
0x19b: {  	v22 =	vld [tilespmem:s30+$0x4570]  }
0x19c: {  	v23 =	vld [tilespmem:s30+$0x4900]  }
0x19d: {  	v24 =	vld [tilespmem:s30+$0x4910]  }
0x19e: {  	v25 =	vld [tilespmem:s30+$0x4920]  }
0x19f: {  	v26 =	vld [tilespmem:s30+$0x4930]  }
0x1a0: {  	v27 =	vld [tilespmem:s30+$0x4940]  }
0x1a1: {  	v28 =	vld [tilespmem:s30+$0x4950]  }
0x1a2: {  	v29 =	vld [tilespmem:s30+$0x4960]  }
0x1a3: {  	v30 =	vld [tilespmem:s30+$0x4970]  }
0x1a4: {  	v31 =	vld [tilespmem:s30+$0x4D00]  }
0x1a5: {  	v34 =	vld [tilespmem:s30+$0x4D10]  }
0x1a6: {  	v35 =	vld [tilespmem:s30+$0x4D20]  }
0x1a7: {  	v36 =	vld [tilespmem:s30+$0x4D30]  }
0x1a8: {  	v37 =	vld [tilespmem:s30+$0x4D40]  }
0x1a9: {  	v38 =	vld [tilespmem:s30+$0x4D50]  }
0x1aa: {  	v39 =	vld [tilespmem:s30+$0x4D60]  }
0x1ab: {  	v40 =	vld [tilespmem:s30+$0x4D70]  }
0x1ac: {  	v41 =	vld [tilespmem:s30+$0x5100]  }
0x1ad: {  	v42 =	vld [tilespmem:s30+$0x5110]  }
0x1ae: {  	v43 =	vld [tilespmem:s30+$0x5120]  }
0x1af: {  	v44 =	vld [tilespmem:s30+$0x5130]  }
0x1b0: {  	v45 =	vld [tilespmem:s30+$0x5140]  }
0x1b1: {  	v46 =	vld [tilespmem:s30+$0x5150]  }
.Ltmp0:
0x1b2: {  	v47 =	vld [tilespmem:s30+$0x5160];
	(pc) =	sbr.rel @p0 .LBB2_2-.Ltmp0, $4  }
0x1b3: {  	v48 =	vld [tilespmem:s30+$0x5500]  }
0x1b4: {  	v50 =	vld [tilespmem:s30+$0x5510]  }
0x1b5: {  	v49 =	vld [tilespmem:s30+$0x11510]  }
0x1b6: {  	s0 =	sadd.s32 $0x1, s0;
	v51 =	vld [tilespmem:s30+$0x11530]  }
0x1b7: {  	v52 =	vld [tilespmem:s30+$0x5530]  }
0x1b8: {  	v53 =	vld [tilespmem:s30+$0x5520];
	s0 =	sadd.s32 $0x80, s28  }
0x1b9: {  	s31 =	sadd.s32 $0x80, s29;
	v32 =	vld [tilespmem:s0+$0x0]  }
0x1ba: {  	v33 =	vld [tilespmem:s31+$0x0]  }
0x1bb: {  	v54 =	vld [tilespmem:s30+$0x11520];
	_ =	sdelay $0x1  }
0x1bc: {  	v55 =	vld [tilespmem:s30+$0x11500]  }
0x1bd: {  	v56 =	vld [tilespmem:s30+$0x5170]  }
0x1be: {  	v58 =	vld [tilespmem:s30+$0x11160];
	v52 =	vmul.f32 v52, v32;
	v51 =	vmul.f32 v51, v33  }
0x1bf: {  	v57 =	vld [tilespmem:s30+$0x11170];
	v53 =	vmul.f32 v53, v32;
	v54 =	vmul.f32 v54, v33  }
0x1c0: {  	v59 =	vld [tilespmem:s30+$0x11150];
	v50 =	vmul.f32 v50, v32;
	v49 =	vmul.f32 v49, v33  }
0x1c1: {  	v60 =	vld [tilespmem:s30+$0x11140];
	v48 =	vmul.f32 v48, v32;
	v62 =	vmul.f32 v55, v33;
	v51 =	vadd.f32 v51, v52  }
0x1c2: {  	v61 =	vld [tilespmem:s30+$0x11120];
	v63 =	vmul.f32 v56, v32;
	v47 =	vmul.f32 v47, v32;
	v53 =	vadd.f32 v54, v53  }
0x1c3: {  	v58 =	vmul.f32 v58, v33;
	v55 =	vld [tilespmem:s30+$0x10560];
	v12 =	vmul.f32 v12, v32;
	v49 =	vadd.f32 v49, v50;
	[tilespmem:s30+$0x5530] =	vst v51  }
0x1c4: {  	v56 =	vld [tilespmem:s30+$0x10550];
	v11 =	vmul.f32 v11, v33;
	v10 =	vmul.f32 v10, v32;
	v48 =	vadd.f32 v62, v48;
	[tilespmem:s30+$0x5520] =	vst v53  }
0x1c5: {  	v9 =	vmul.f32 v9, v33;
	v8 =	vmul.f32 v8, v32;
	v52 =	vld [tilespmem:s30+$0x11130];
	v47 =	vadd.f32 v58, v47;
	[tilespmem:s30+$0x5510] =	vst v49  }
0x1c6: {  	v7 =	vmul.f32 v7, v33;
	v6 =	vmul.f32 v6, v32;
	v50 =	vld [tilespmem:s30+$0x11100];
	v11 =	vadd.f32 v11, v12;
	[tilespmem:s30+$0x5500] =	vst v48  }
0x1c7: {  	v5 =	vmul.f32 v5, v33;
	v3 =	vmul.f32 v3, v32;
	v58 =	vld [tilespmem:s30+$0x10D20];
	v9 =	vadd.f32 v9, v10;
	[tilespmem:s30+$0x5160] =	vst v47  }
0x1c8: {  	v4 =	vmul.f32 v4, v33;
	v62 =	vmul.f32 v59, v33;
	v59 =	vld [tilespmem:s30+$0x10D10];
	v7 =	vadd.f32 v7, v8;
	[tilespmem:s30+$0x4150] =	vst v11  }
0x1c9: {  	v57 =	vmul.f32 v57, v33;
	v54 =	vld [tilespmem:s30+$0x10570];
	v5 =	vadd.f32 v5, v6;
	[tilespmem:s30+$0x4140] =	vst v9  }
0x1ca: {  	v46 =	vmul.f32 v46, v32;
	v3 =	vadd.f32 v4, v3;
	v51 =	vld [tilespmem:s30+$0x11110];
	[tilespmem:s30+$0x4130] =	vst v7  }
0x1cb: {  	v45 =	vmul.f32 v45, v32;
	v49 =	vld [tilespmem:s30+$0x10D70];
	v53 =	vadd.f32 v57, v63;
	v63 =	vmul.f32 v60, v33;
	[tilespmem:s30+$0x4120] =	vst v5  }
0x1cc: {  	v43 =	vmul.f32 v43, v32;
	v48 =	vld [tilespmem:s30+$0x10D60];
	v46 =	vadd.f32 v62, v46;
	v57 =	vmul.f32 v61, v33;
	[tilespmem:s30+$0x4110] =	vst v3  }
0x1cd: {  	v44 =	vmul.f32 v44, v32;
	v47 =	vld [tilespmem:s30+$0x10D40];
	[tilespmem:s30+$0x5170] =	vst v53;
	v45 =	vadd.f32 v63, v45;
	v52 =	vmul.f32 v52, v33  }
0x1ce: {  	v41 =	vmul.f32 v41, v32;
	v60 =	vld [tilespmem:s30+$0x10D00];
	[tilespmem:s30+$0x5150] =	vst v46;
	v43 =	vadd.f32 v57, v43;
	v50 =	vmul.f32 v50, v33  }
0x1cf: {  	v35 =	vmul.f32 v35, v32;
	v61 =	vld [tilespmem:s30+$0x10970];
	[tilespmem:s30+$0x5140] =	vst v45;
	v45 =	vmul.f32 v58, v33;
	v44 =	vadd.f32 v52, v44  }
0x1d0: {  	v42 =	vmul.f32 v42, v32;
	v53 =	vld [tilespmem:s30+$0x10D50];
	[tilespmem:s30+$0x5120] =	vst v43;
	v51 =	vmul.f32 v51, v33;
	v41 =	vadd.f32 v50, v41  }
0x1d1: {  	v40 =	vmul.f32 v40, v32;
	v46 =	vld [tilespmem:s30+$0x10D30];
	v49 =	vmul.f32 v49, v33;
	v35 =	vadd.f32 v45, v35;
	[tilespmem:s30+$0x5130] =	vst v44  }
0x1d2: {  	v39 =	vmul.f32 v39, v32;
	v62 =	vld [tilespmem:s30+$0x10960];
	v48 =	vmul.f32 v48, v33;
	v42 =	vadd.f32 v51, v42;
	[tilespmem:s30+$0x5100] =	vst v41  }
0x1d3: {  	v37 =	vmul.f32 v37, v32;
	v57 =	vld [tilespmem:s30+$0x10540];
	v47 =	vmul.f32 v47, v33;
	v40 =	vadd.f32 v49, v40;
	[tilespmem:s30+$0x4D20] =	vst v35  }
0x1d4: {  	v31 =	vmul.f32 v31, v32;
	v58 =	vld [tilespmem:s30+$0x10530];
	v43 =	vmul.f32 v60, v33;
	v39 =	vadd.f32 v48, v39;
	[tilespmem:s30+$0x5110] =	vst v42  }
0x1d5: {  	v38 =	vmul.f32 v38, v32;
	v50 =	vld [tilespmem:s30+$0x10930];
	v63 =	vmul.f32 v53, v33;
	v37 =	vadd.f32 v47, v37;
	[tilespmem:s30+$0x4D70] =	vst v40  }
0x1d6: {  	v36 =	vmul.f32 v36, v32;
	v60 =	vld [tilespmem:s30+$0x10510];
	v46 =	vmul.f32 v46, v33;
	v31 =	vadd.f32 v43, v31;
	[tilespmem:s30+$0x4D60] =	vst v39  }
0x1d7: {  	v34 =	vmul.f32 v34, v32;
	v52 =	vld [tilespmem:s30+$0x10910];
	v44 =	vmul.f32 v59, v33;
	v38 =	vadd.f32 v63, v38;
	[tilespmem:s30+$0x4D40] =	vst v37  }
0x1d8: {  	v29 =	vmul.f32 v29, v32;
	v45 =	vld [tilespmem:s30+$0x5540];
	v41 =	vmul.f32 v62, v33;
	v36 =	vadd.f32 v46, v36;
	[tilespmem:s30+$0x4D00] =	vst v31  }
0x1d9: {  	v21 =	vmul.f32 v21, v32;
	v48 =	vld [tilespmem:s30+$0x10950];
	v62 =	vmul.f32 v55, v33;
	v34 =	vadd.f32 v44, v34;
	[tilespmem:s30+$0x4D50] =	vst v38  }
0x1da: {  	v30 =	vmul.f32 v30, v32;
	v49 =	vld [tilespmem:s30+$0x10940];
	v42 =	vmul.f32 v61, v33;
	v29 =	vadd.f32 v41, v29;
	[tilespmem:s30+$0x4D30] =	vst v36  }
0x1db: {  	v16 =	vmul.f32 v16, v32;
	v51 =	vld [tilespmem:s30+$0x10920];
	v21 =	vadd.f32 v62, v21;
	v41 =	vmul.f32 v60, v33;
	[tilespmem:s30+$0x4D10] =	vst v34  }
0x1dc: {  	v26 =	vmul.f32 v26, v32;
	v53 =	vld [tilespmem:s30+$0x10900];
	v30 =	vadd.f32 v42, v30;
	[tilespmem:s30+$0x4960] =	vst v29;
	v38 =	vmul.f32 v50, v33  }
0x1dd: {  	v24 =	vmul.f32 v24, v32;
	v59 =	vld [tilespmem:s30+$0x10520];
	v36 =	vmul.f32 v52, v33;
	[tilespmem:s30+$0x4560] =	vst v21;
	v16 =	vadd.f32 v41, v16  }
0x1de: {  	v22 =	vmul.f32 v22, v32;
	v43 =	vld [tilespmem:s30+$0x11570];
	v34 =	vmul.f32 v54, v33;
	[tilespmem:s30+$0x4970] =	vst v30;
	v26 =	vadd.f32 v38, v26  }
0x1df: {  	v28 =	vmul.f32 v28, v32;
	v61 =	vld [tilespmem:s30+$0x10500];
	v40 =	vmul.f32 v48, v33;
	v24 =	vadd.f32 v36, v24;
	[tilespmem:s30+$0x4510] =	vst v16  }
0x1e0: {  	v27 =	vmul.f32 v27, v32;
	v63 =	vld [tilespmem:s30+$0x10170];
	v39 =	vmul.f32 v49, v33;
	v22 =	vadd.f32 v34, v22;
	[tilespmem:s30+$0x4930] =	vst v26  }
0x1e1: {  	v25 =	vmul.f32 v25, v32;
	v46 =	vld [tilespmem:s30+$0x5550];
	v37 =	vmul.f32 v51, v33;
	v28 =	vadd.f32 v40, v28;
	[tilespmem:s30+$0x4910] =	vst v24  }
0x1e2: {  	v23 =	vmul.f32 v23, v32;
	v50 =	vld [tilespmem:s30+$0x10100];
	v35 =	vmul.f32 v53, v33;
	v27 =	vadd.f32 v39, v27;
	[tilespmem:s30+$0x4570] =	vst v22  }
0x1e3: {  	v20 =	vmul.f32 v20, v32;
	v48 =	vld [tilespmem:s30+$0x5560];
	v30 =	vmul.f32 v56, v33;
	v25 =	vadd.f32 v37, v25;
	[tilespmem:s30+$0x4950] =	vst v28  }
0x1e4: {  	v19 =	vmul.f32 v19, v32;
	v51 =	vld [tilespmem:s30+$0x4100];
	v23 =	vadd.f32 v35, v23;
	v35 =	vmul.f32 v57, v33;
	[tilespmem:s30+$0x4940] =	vst v27  }
0x1e5: {  	v18 =	vmul.f32 v18, v32;
	v34 =	vld [tilespmem:s30+$0x10160];
	v37 =	vmul.f32 v58, v33;
	v20 =	vadd.f32 v30, v20;
	[tilespmem:s30+$0x4920] =	vst v25  }
0x1e6: {  	v17 =	vmul.f32 v17, v32;
	v36 =	vld [tilespmem:s30+$0x11540];
	v39 =	vmul.f32 v59, v33;
	[tilespmem:s30+$0x4900] =	vst v23;
	v19 =	vadd.f32 v35, v19  }
0x1e7: {  	v15 =	vmul.f32 v15, v32;
	v38 =	vld [tilespmem:s30+$0x11550];
	v42 =	vmul.f32 v61, v33;
	v18 =	vadd.f32 v37, v18;
	[tilespmem:s30+$0x4550] =	vst v20  }
0x1e8: {  	v14 =	vmul.f32 v14, v32;
	v40 =	vld [tilespmem:s30+$0x11560];
	v44 =	vmul.f32 v63, v33;
	v17 =	vadd.f32 v39, v17;
	[tilespmem:s30+$0x4540] =	vst v19  }
0x1e9: {  	v49 =	vld [tilespmem:s30+$0x5570];
	v15 =	vadd.f32 v42, v15;
	v10 =	vmul.f32 v50, v33;
	v61 =	vmul.f32 v51, v32;
	[tilespmem:s30+$0x4530] =	vst v18  }
0x1ea: {  	v13 =	vmul.f32 v13, v32;
	v14 =	vadd.f32 v44, v14;
	[tilespmem:s30+$0x4520] =	vst v17;
	v47 =	vmul.f32 v34, v33  }
0x1eb: {  	v52 =	vmul.f32 v45, v32;
	[tilespmem:s30+$0x4500] =	vst v15;
	v53 =	vmul.f32 v36, v33;
	v63 =	vadd.f32 v10, v61  }
0x1ec: {  	v54 =	vmul.f32 v46, v32;
	[tilespmem:s30+$0x4170] =	vst v14;
	v55 =	vmul.f32 v38, v33;
	v13 =	vadd.f32 v47, v13  }
0x1ed: {  	v56 =	vmul.f32 v48, v32;
	v58 =	vmul.f32 v40, v33;
	v57 =	vadd.f32 v53, v52;
	[tilespmem:s30+$0x4100] =	vst v63  }
0x1ee: {  	v60 =	vmul.f32 v43, v33;
	v59 =	vmul.f32 v49, v32;
	v3 =	vadd.f32 v55, v54;
	[tilespmem:s30+$0x4160] =	vst v13  }
0x1ef: {  	v62 =	vadd.f32 v58, v56;
	[tilespmem:s30+$0x5540] =	vst v57  }
0x1f0: {  	s26 =	sadd.s32 $0x1, s26;
	[tilespmem:s30+$0x5550] =	vst v3;
	v3 =	vadd.f32 v60, v59  }
0x1f1: {  	p0 =	sne.s32 s26, s11;
	[tilespmem:s30+$0x5560] =	vst v62  }
.Ltmp1:
0x1f2: {  	[tilespmem:s30+$0x5570] =	vst v3;
	(pc) =	sbr.rel @p0 .LBB2_1-.Ltmp1, $4  }
0x1f3: {  	[hbm4b:s10+s2] =	stream.linear.scatter [tilespmem:s14], [sflag:$0x3], $0xC000, $0x38;
	[tilespmem:$0x1C100] =	vst v63  }
0x1f4: {  	_ =	swait.ge [sflag:s12], $0xC000  }
0x1f5: {  	[sflag:s12] =	ssyncset.done $0x0  }
0x1f6: {  	[sflag:s12] =	ssyncadd.s32 $0xFFFF4000  }
0x1f7: {  	_ =	sfence.sel $0x180000  }
0x1f8: {  	[bflag:$0x0] =	sbarrier.arrive $0xFFFF  }
0x1f9: {  	_ =	strace $0x9000004A  }
0x1fa: {  	s0 =	stileid.u32;
	[bflag:$0x2] =	sbarrier.arrive $0xFFFF  }
0x1fb: {  	p0 =	sne.s32 s0, $0x0;
	s0 =	rddreg [dreg:$0x2]  }
0x1fc: {  	s0 =	sadd.s32 @!p0 $0x100000, s0  }
0x1fd: {  	[sflag:s0] =	ssyncadd.tile.s32 @!p0 $0x1;
	_ =	shalt  }
.Lfunc_end2:
_tile_overlayer_lowered:
.L_overlay_start_2:
0x1fe: {  	(tag) =	ssettag $0x2  }
0x1ff: {  	s0 =	rddreg [dreg:$0x0];
	s2 =	stileid.u32  }
0x200: {  	s1 =	rddreg [dreg:$0x1];
	p0 =	sne.s32 s2, $0x0  }
0x201: {  	s3 =	rddreg [dreg:$0x2];
	[bflag:$0x3] =	sbarrier.arrive $0xFFFF;
	s2 =	simm.s32 @!p0 $0x1C03  }
0x202: {  	[timem:s3], [sflag:s2] =	dma.local @!p0 [hbm:s0], s1  }
0x203: {  	s0 =	simm.s32 @!p0 $0x3  }
0x204: {  	_ =	swait.ge @!p0 [sflag:s0], s1  }
0x205: {  	s1 =	ssub.s32 @!p0 $0x0, s1;
	[sflag:s0] =	ssyncset.done @!p0 $0x0  }
0x206: {  	[sflag:s0] =	ssyncadd.s32 @!p0 s1  }
0x207: {  	[bflag:$0x3] =	sbarrier.arrive $0xFFFF  }
0x208: {  	_ =	shalt  }

</sc_bundles>
